<compile_context>
chip_gen: v7x
topology: tpu7x:2x2x1
jax: 0.10.2.dev20260603
libtpu: 0.0.44.dev20260713+nightly
codegen_flags: <defaults>
</compile_context>

<pallas_src>
import functools

import jax
import jax.numpy as jnp
from jax import lax
from jax.experimental import pallas as pl
from jax.experimental.pallas import tpu as pltpu
from jax.experimental.pallas import tpu_sc as plsc

N = 10000
E = 320000
D = 128
C = 2
S = 16
K = 80
NP = 10240
RT = NP // S
N2 = 10240
RT2 = N2 // S

_mesh = plsc.VectorSubcoreMesh(core_axis_name="c", subcore_axis_name="s")
_sc_params = pltpu.CompilerParams(use_tc_tiling_on_sc=False)
f32 = jnp.float32


@functools.partial(
    pl.kernel,
    out_type=jax.ShapeDtypeStruct((C * N2,), f32),
    mesh=_mesh,
    compiler_params=_sc_params,
    scratch_types=[
        pltpu.VMEM_SHARED((N2,), f32),
        pltpu.VMEM((K,), jnp.int32),
        pltpu.VMEM((K,), f32),
        pltpu.VMEM((RT2,), f32),
    ],
)
def _deg_kernel(col_hbm, out_hbm, acc_sh, idx_c, ones_v, stage_v):
    c = lax.axis_index("c")
    s = lax.axis_index("s")
    for q in range(RT2 // 16):
        stage_v[pl.ds(q * 16, 16)] = jnp.zeros((16,), f32)
    for q in range(K // 16):
        ones_v[pl.ds(q * 16, 16)] = jnp.ones((16,), f32)
    pltpu.sync_copy(stage_v, acc_sh.at[pl.ds(s * RT2, RT2)])
    plsc.subcore_barrier()
    e_per_tile = E // (C * S)
    e_base = (s * C + c) * e_per_tile
    def step(i, carry):
        pltpu.sync_copy(col_hbm.at[pl.ds(e_base + i * K, K)], idx_c)
        pltpu.sync_copy(ones_v, acc_sh.at[idx_c], add=True)
        return carry
    lax.fori_loop(0, e_per_tile // K, step, 0)
    plsc.subcore_barrier()
    pltpu.sync_copy(acc_sh.at[pl.ds(s * RT2, RT2)], stage_v)
    pltpu.sync_copy(stage_v, out_hbm.at[pl.ds(c * N2 + s * RT2, RT2)])


@functools.partial(
    pl.kernel,
    out_type=jax.ShapeDtypeStruct((C * NP, D), f32),
    mesh=_mesh,
    compiler_params=_sc_params,
    scratch_types=[
        pltpu.VMEM_SHARED((NP, D), f32),
        pltpu.VMEM((K,), jnp.int32),
        pltpu.VMEM((K,), jnp.int32),
        pltpu.VMEM((K, D), f32),
        pltpu.SemaphoreType.DMA,
    ],
)
def _spmm_pair_kernel(g_hbm, row0_hbm, row1_hbm, col_hbm, out_hbm,
                      acc_sh, idx_r, idx_c, rows_v, sem):
    c = lax.axis_index("c")
    s = lax.axis_index("s")
    for j in range(RT // K):
        pltpu.sync_copy(g_hbm.at[pl.ds(c * NP + s * RT + j * K, K), :], rows_v)
        pltpu.sync_copy(rows_v, acc_sh.at[pl.ds(s * RT + j * K, K), :])
    plsc.subcore_barrier()
    e_per_tile = E // S
    e_base = s * e_per_tile
    def step(i, carry):
        base = e_base + i * K
        pltpu.sync_copy(col_hbm.at[pl.ds(base, K)], idx_c)
        @pl.when(c == 0)
        def _():
            pltpu.sync_copy(row0_hbm.at[pl.ds(base, K)], idx_r)
        @pl.when(c == 1)
        def _():
            pltpu.sync_copy(row1_hbm.at[pl.ds(base, K)], idx_r)
        pltpu.async_copy(g_hbm.at[idx_r], rows_v, sem).wait()
        pltpu.sync_copy(rows_v, acc_sh.at[idx_c], add=True)
        return carry
    lax.fori_loop(0, e_per_tile // K, step, 0)
    plsc.subcore_barrier()
    for j in range(RT // K):
        pltpu.sync_copy(acc_sh.at[pl.ds(s * RT + j * K, K), :], rows_v)
        pltpu.sync_copy(rows_v, out_hbm.at[pl.ds(c * NP + s * RT + j * K, K), :])


@functools.partial(
    pl.kernel,
    out_type=jax.ShapeDtypeStruct((C * NP, D), f32),
    mesh=_mesh,
    compiler_params=_sc_params,
    scratch_types=[
        pltpu.VMEM_SHARED((NP, D), f32),
        pltpu.VMEM((K,), jnp.int32),
        pltpu.VMEM((K,), jnp.int32),
        pltpu.VMEM((K, D), f32),
        pltpu.SemaphoreType.DMA,
    ],
)
def _spmm_split_kernel(v_hbm, row_hbm, col_hbm, out_hbm,
                       acc_sh, idx_r, idx_c, rows_v, sem):
    c = lax.axis_index("c")
    s = lax.axis_index("s")
    for j in range(RT // K):
        pltpu.sync_copy(v_hbm.at[pl.ds(s * RT + j * K, K), :], rows_v)
        pltpu.sync_copy(rows_v, acc_sh.at[pl.ds(s * RT + j * K, K), :])
    plsc.subcore_barrier()
    e_per_tile = E // (C * S)
    e_base = (s * C + c) * e_per_tile
    def step(i, carry):
        base = e_base + i * K
        pltpu.sync_copy(col_hbm.at[pl.ds(base, K)], idx_c)
        pltpu.sync_copy(row_hbm.at[pl.ds(base, K)], idx_r)
        pltpu.async_copy(v_hbm.at[idx_r], rows_v, sem).wait()
        pltpu.sync_copy(rows_v, acc_sh.at[idx_c], add=True)
        return carry
    lax.fori_loop(0, e_per_tile // K, step, 0)
    plsc.subcore_barrier()
    for j in range(RT // K):
        pltpu.sync_copy(acc_sh.at[pl.ds(s * RT + j * K, K), :], rows_v)
        pltpu.sync_copy(rows_v, out_hbm.at[pl.ds(c * NP + s * RT + j * K, K), :])


_B = 2000


def _s_body(degp_ref, s_ref):
    deg = 1.0 + degp_ref[0, :] + degp_ref[1, :]
    s_ref[...] = lax.rsqrt(deg)[:, None]


def _tc_s(degp):
    b2 = 2048
    return pl.pallas_call(
        _s_body,
        grid=(N2 // b2,),
        in_specs=[pl.BlockSpec((2, b2), lambda i: (0, i))],
        out_specs=pl.BlockSpec((b2, 1), lambda i: (i, 0)),
        out_shape=jax.ShapeDtypeStruct((N2, 1), f32),
    )(degp)


def _fused_body(x_ref, wc_ref, bc_ref, s_ref, h0_ref, g_ref):
    h = jnp.dot(x_ref[...], wc_ref[...], preferred_element_type=f32)
    h = h + bc_ref[...]
    sc = s_ref[...]
    h0_ref[...] = h[:, :D]
    g_ref[0] = sc * h[:, D:2 * D]
    g_ref[1] = sc * h[:, 2 * D:]


def _mid_body(m_ref, s_ref, t1_ref, v_ref):
    sc = s_ref[...]
    t1_ref[...] = sc * m_ref[0]
    v_ref[...] = (sc * sc) * m_ref[1]


def _final_body(m_ref, v_ref, s_ref, y2_ref):
    y2_ref[...] = s_ref[...] * (m_ref[0] + m_ref[1] - v_ref[...])


def _tc_fused(x, wc, bc, s):
    return pl.pallas_call(
        _fused_body,
        grid=(N // _B,),
        in_specs=[
            pl.BlockSpec((_B, D), lambda i: (i, 0)),
            pl.BlockSpec((D, 3 * D), lambda i: (0, 0)),
            pl.BlockSpec((1, 3 * D), lambda i: (0, 0)),
            pl.BlockSpec((_B, 1), lambda i: (i, 0)),
        ],
        out_specs=[
            pl.BlockSpec((_B, D), lambda i: (i, 0)),
            pl.BlockSpec((2, _B, D), lambda i: (0, i, 0)),
        ],
        out_shape=[
            jax.ShapeDtypeStruct((N, D), f32),
            jax.ShapeDtypeStruct((2, NP, D), f32),
        ],
    )(x, wc, bc, s)


def _tc_mid(m, s):
    return pl.pallas_call(
        _mid_body,
        grid=(N // _B,),
        in_specs=[
            pl.BlockSpec((2, _B, D), lambda i: (0, i, 0)),
            pl.BlockSpec((_B, 1), lambda i: (i, 0)),
        ],
        out_specs=[
            pl.BlockSpec((_B, D), lambda i: (i, 0)),
            pl.BlockSpec((_B, D), lambda i: (i, 0)),
        ],
        out_shape=[
            jax.ShapeDtypeStruct((N, D), f32),
            jax.ShapeDtypeStruct((NP, D), f32),
        ],
    )(m, s)


def _tc_final(m, v, s):
    return pl.pallas_call(
        _final_body,
        grid=(N // _B,),
        in_specs=[
            pl.BlockSpec((2, _B, D), lambda i: (0, i, 0)),
            pl.BlockSpec((_B, D), lambda i: (i, 0)),
            pl.BlockSpec((_B, 1), lambda i: (i, 0)),
        ],
        out_specs=pl.BlockSpec((_B, D), lambda i: (i, 0)),
        out_shape=jax.ShapeDtypeStruct((N, D), f32),
    )(m, v, s)


def kernel(x, edge_index, W0, b0, W1, b1, W2, b2):
    row = edge_index[0]
    col = edge_index[1]
    row1 = row + NP
    wc = jnp.concatenate([W0, W1, W2], axis=0).T
    bc = jnp.concatenate([b0, b1, b2]).reshape(1, 3 * D)

    degp = _deg_kernel(col).reshape(C, N2)
    s = _tc_s(degp)
    h0, g = _tc_fused(x, wc, bc, s)

    m1 = _spmm_pair_kernel(g.reshape(C * NP, D), row, row1, col)
    t1, v = _tc_mid(m1.reshape(C, NP, D), s)

    m2 = _spmm_split_kernel(v, row, col)
    y2 = _tc_final(m2.reshape(C, NP, D), v, s)

    return jnp.concatenate([h0, t1, y2], axis=1)

# --- scband reference (transcript-rebuilt; emitter-appended) ---
"""Pipeline reference for scband-mix-hop-86947317941146 (READ-ONLY COPY).

The authoritative reference and input builder live on the scoring server;
editing this copy changes nothing except your own understanding.
"""

import jax, jax.numpy as jnp
import numpy as np

N = 10000
E = 320000
D_IN = 128
D_OUT = 128
HOPS = 2


def _linear_params(key, fan_in, fan_out):
    k1, k2 = jax.random.split(key)
    bound = 1.0 / np.sqrt(fan_in)
    W = jax.random.uniform(k1, (fan_out, fan_in), minval=-bound, maxval=bound, dtype=jnp.float32)
    b = jax.random.uniform(k2, (fan_out,), minval=-bound, maxval=bound, dtype=jnp.float32)
    return W, b


def setup_inputs(seed: int = 0):
    key = jax.random.key(seed)
    ks = jax.random.split(key, 5)
    x = jax.random.normal(ks[0], (N, D_IN), dtype=jnp.float32)
    edge_index = jax.random.randint(ks[1], (2, E), 0, N, dtype=jnp.int32)
    W0, b0 = _linear_params(ks[2], D_IN, D_OUT)
    W1, b1 = _linear_params(ks[3], D_IN, D_OUT)
    W2, b2 = _linear_params(ks[4], D_IN, D_OUT)
    return {"x": x, "edge_index": edge_index, "W0": W0, "b0": b0, "W1": W1, "b1": b1, "W2": W2, "b2": b2}


def _gcn_norm(edge_index, n):
    # PyG gcn_norm with improved=False, add_self_loops=True (default), flow=source_to_target
    row, col = edge_index[0], edge_index[1]
    loop = jnp.arange(n, dtype=edge_index.dtype)
    row = jnp.concatenate([row, loop])
    col = jnp.concatenate([col, loop])
    w = jnp.ones(row.shape[0], dtype=jnp.float32)
    deg = jnp.zeros((n,), jnp.float32).at[col].add(w)
    deg_inv_sqrt = jnp.where(deg > 0, 1.0 / jnp.sqrt(deg), 0.0)
    w = deg_inv_sqrt[row] * w * deg_inv_sqrt[col]
    return row, col, w


def _spmm_adj_t(row, col, w, x):
    # adj_t = SparseTensor(row=col, col=row, value=w); out[col[e]] += w[e] * x[row[e]]
    return jnp.zeros(x.shape, x.dtype).at[col].add(w[:, None] * x[row])


def reference(x, edge_index, W0, b0, W1, b1, W2, b2):
    n = x.shape[0]
    row, col, w = _gcn_norm(edge_index, n)
    xs = [x @ W0.T + b0]
    Ws = [(W1, b1), (W2, b2)]
    for j in range(1, HOPS + 1):
        Wj, bj = Ws[j - 1]
        xj = x @ Wj.T + bj
        for _ in range(j):
            xj = _spmm_adj_t(row, col, w, xj)
        xs.append(xj)
    return jnp.concatenate(xs, axis=1)

if __name__ == "__main__":
    import jax
    _d = setup_inputs()
    print(jax.jit(kernel)(*tuple(_d.values())))

</pallas_src>

<mosaic_0001>
#map = affine_map<(d0, d1) -> (0)>
module attributes {stable_mosaic.version = 14 : i64} {
  func.func @_deg_kernel(%arg0: i32, %arg1: i32, %arg2: memref<320000xi32, #tpu.memory_space<hbm>>, %arg3: memref<20480xf32, #tpu.memory_space<hbm>>, %arg4: memref<10240xf32, #tpu.memory_space<vmem_shared>>, %arg5: memref<80xi32, #tpu.memory_space<vmem>>, %arg6: memref<80xf32, #tpu.memory_space<vmem>>, %arg7: memref<640xf32, #tpu.memory_space<vmem>>) attributes {dimension_semantics = [#tpu.dimension_semantics<core_parallel>, #tpu.dimension_semantics<subcore_parallel>], iteration_bounds = array<i64: 2, 16>, scalar_prefetch = 0 : i64, scratch_operands = 4 : i64, tpu.core_type = #tpu.core_type<sc_vector_subcore>, window_params = [{transform_indices = #map}, {transform_indices = #map}]} {
    %broadcast_in_dim3A = arith.constant 0.000000e+00 : f32
    %broadcast_in_dim3A_0 = vector.broadcast %broadcast_in_dim3A : f32 to vector<16xf32>
    %swap3A = arith.constant 0 : index
    %swap3A_1 = tpu.vector_load %arg7[%swap3A] {strides = array<i32>} : memref<640xf32, #tpu.memory_space<vmem>>, vector<16xf32>,
    %swap3A_2 = vector.shape_cast %swap3A_1 : vector<16xf32> to vector<16xf32>
    %swap3A_3 = vector.shape_cast %broadcast_in_dim3A_0 : vector<16xf32> to vector<16xf32>
    tpu.vector_store %arg7[%swap3A], %swap3A_3 {strides = array<i32>} : memref<640xf32, #tpu.memory_space<vmem>>, vector<16xf32>,
    %broadcast_in_dim3A_4 = arith.constant 0.000000e+00 : f32
    %broadcast_in_dim3A_5 = vector.broadcast %broadcast_in_dim3A_4 : f32 to vector<16xf32>
    %swap3A_6 = arith.constant 16 : index
    %swap3A_7 = tpu.vector_load %arg7[%swap3A_6] {strides = array<i32>} : memref<640xf32, #tpu.memory_space<vmem>>, vector<16xf32>,
    %swap3A_8 = vector.shape_cast %swap3A_7 : vector<16xf32> to vector<16xf32>
    %swap3A_9 = vector.shape_cast %broadcast_in_dim3A_5 : vector<16xf32> to vector<16xf32>
    tpu.vector_store %arg7[%swap3A_6], %swap3A_9 {strides = array<i32>} : memref<640xf32, #tpu.memory_space<vmem>>, vector<16xf32>,
    %broadcast_in_dim3A_10 = arith.constant 0.000000e+00 : f32
    %broadcast_in_dim3A_11 = vector.broadcast %broadcast_in_dim3A_10 : f32 to vector<16xf32>
    %swap3A_12 = arith.constant 32 : index
    %swap3A_13 = tpu.vector_load %arg7[%swap3A_12] {strides = array<i32>} : memref<640xf32, #tpu.memory_space<vmem>>, vector<16xf32>,
    %swap3A_14 = vector.shape_cast %swap3A_13 : vector<16xf32> to vector<16xf32>
    %swap3A_15 = vector.shape_cast %broadcast_in_dim3A_11 : vector<16xf32> to vector<16xf32>
    tpu.vector_store %arg7[%swap3A_12], %swap3A_15 {strides = array<i32>} : memref<640xf32, #tpu.memory_space<vmem>>, vector<16xf32>,
    %broadcast_in_dim3A_16 = arith.constant 0.000000e+00 : f32
    %broadcast_in_dim3A_17 = vector.broadcast %broadcast_in_dim3A_16 : f32 to vector<16xf32>
    %swap3A_18 = arith.constant 48 : index
    %swap3A_19 = tpu.vector_load %arg7[%swap3A_18] {strides = array<i32>} : memref<640xf32, #tpu.memory_space<vmem>>, vector<16xf32>,
    %swap3A_20 = vector.shape_cast %swap3A_19 : vector<16xf32> to vector<16xf32>
    %swap3A_21 = vector.shape_cast %broadcast_in_dim3A_17 : vector<16xf32> to vector<16xf32>
    tpu.vector_store %arg7[%swap3A_18], %swap3A_21 {strides = array<i32>} : memref<640xf32, #tpu.memory_space<vmem>>, vector<16xf32>,
    %broadcast_in_dim3A_22 = arith.constant 0.000000e+00 : f32
    %broadcast_in_dim3A_23 = vector.broadcast %broadcast_in_dim3A_22 : f32 to vector<16xf32>
    %swap3A_24 = arith.constant 64 : index
    %swap3A_25 = tpu.vector_load %arg7[%swap3A_24] {strides = array<i32>} : memref<640xf32, #tpu.memory_space<vmem>>, vector<16xf32>,
    %swap3A_26 = vector.shape_cast %swap3A_25 : vector<16xf32> to vector<16xf32>
    %swap3A_27 = vector.shape_cast %broadcast_in_dim3A_23 : vector<16xf32> to vector<16xf32>
    tpu.vector_store %arg7[%swap3A_24], %swap3A_27 {strides = array<i32>} : memref<640xf32, #tpu.memory_space<vmem>>, vector<16xf32>,
    %broadcast_in_dim3A_28 = arith.constant 0.000000e+00 : f32
    %broadcast_in_dim3A_29 = vector.broadcast %broadcast_in_dim3A_28 : f32 to vector<16xf32>
    %swap3A_30 = arith.constant 80 : index
    %swap3A_31 = tpu.vector_load %arg7[%swap3A_30] {strides = array<i32>} : memref<640xf32, #tpu.memory_space<vmem>>, vector<16xf32>,
    %swap3A_32 = vector.shape_cast %swap3A_31 : vector<16xf32> to vector<16xf32>
    %swap3A_33 = vector.shape_cast %broadcast_in_dim3A_29 : vector<16xf32> to vector<16xf32>
    tpu.vector_store %arg7[%swap3A_30], %swap3A_33 {strides = array<i32>} : memref<640xf32, #tpu.memory_space<vmem>>, vector<16xf32>,
    %broadcast_in_dim3A_34 = arith.constant 0.000000e+00 : f32
    %broadcast_in_dim3A_35 = vector.broadcast %broadcast_in_dim3A_34 : f32 to vector<16xf32>
    %swap3A_36 = arith.constant 96 : index
    %swap3A_37 = tpu.vector_load %arg7[%swap3A_36] {strides = array<i32>} : memref<640xf32, #tpu.memory_space<vmem>>, vector<16xf32>,
    %swap3A_38 = vector.shape_cast %swap3A_37 : vector<16xf32> to vector<16xf32>
    %swap3A_39 = vector.shape_cast %broadcast_in_dim3A_35 : vector<16xf32> to vector<16xf32>
    tpu.vector_store %arg7[%swap3A_36], %swap3A_39 {strides = array<i32>} : memref<640xf32, #tpu.memory_space<vmem>>, vector<16xf32>,
    %broadcast_in_dim3A_40 = arith.constant 0.000000e+00 : f32
    %broadcast_in_dim3A_41 = vector.broadcast %broadcast_in_dim3A_40 : f32 to vector<16xf32>
    %swap3A_42 = arith.constant 112 : index
    %swap3A_43 = tpu.vector_load %arg7[%swap3A_42] {strides = array<i32>} : memref<640xf32, #tpu.memory_space<vmem>>, vector<16xf32>,
    %swap3A_44 = vector.shape_cast %swap3A_43 : vector<16xf32> to vector<16xf32>
    %swap3A_45 = vector.shape_cast %broadcast_in_dim3A_41 : vector<16xf32> to vector<16xf32>
    tpu.vector_store %arg7[%swap3A_42], %swap3A_45 {strides = array<i32>} : memref<640xf32, #tpu.memory_space<vmem>>, vector<16xf32>,
    %broadcast_in_dim3A_46 = arith.constant 0.000000e+00 : f32
    %broadcast_in_dim3A_47 = vector.broadcast %broadcast_in_dim3A_46 : f32 to vector<16xf32>
    %swap3A_48 = arith.constant 128 : index
    %swap3A_49 = tpu.vector_load %arg7[%swap3A_48] {strides = array<i32>} : memref<640xf32, #tpu.memory_space<vmem>>, vector<16xf32>,
    %swap3A_50 = vector.shape_cast %swap3A_49 : vector<16xf32> to vector<16xf32>
    %swap3A_51 = vector.shape_cast %broadcast_in_dim3A_47 : vector<16xf32> to vector<16xf32>
    tpu.vector_store %arg7[%swap3A_48], %swap3A_51 {strides = array<i32>} : memref<640xf32, #tpu.memory_space<vmem>>, vector<16xf32>,
    %broadcast_in_dim3A_52 = arith.constant 0.000000e+00 : f32
    %broadcast_in_dim3A_53 = vector.broadcast %broadcast_in_dim3A_52 : f32 to vector<16xf32>
    %swap3A_54 = arith.constant 144 : index
    %swap3A_55 = tpu.vector_load %arg7[%swap3A_54] {strides = array<i32>} : memref<640xf32, #tpu.memory_space<vmem>>, vector<16xf32>,
    %swap3A_56 = vector.shape_cast %swap3A_55 : vector<16xf32> to vector<16xf32>
    %swap3A_57 = vector.shape_cast %broadcast_in_dim3A_53 : vector<16xf32> to vector<16xf32>
    tpu.vector_store %arg7[%swap3A_54], %swap3A_57 {strides = array<i32>} : memref<640xf32, #tpu.memory_space<vmem>>, vector<16xf32>,
    %broadcast_in_dim3A_58 = arith.constant 0.000000e+00 : f32
    %broadcast_in_dim3A_59 = vector.broadcast %broadcast_in_dim3A_58 : f32 to vector<16xf32>
    %swap3A_60 = arith.constant 160 : index
    %swap3A_61 = tpu.vector_load %arg7[%swap3A_60] {strides = array<i32>} : memref<640xf32, #tpu.memory_space<vmem>>, vector<16xf32>,
    %swap3A_62 = vector.shape_cast %swap3A_61 : vector<16xf32> to vector<16xf32>
    %swap3A_63 = vector.shape_cast %broadcast_in_dim3A_59 : vector<16xf32> to vector<16xf32>
    tpu.vector_store %arg7[%swap3A_60], %swap3A_63 {strides = array<i32>} : memref<640xf32, #tpu.memory_space<vmem>>, vector<16xf32>,
    %broadcast_in_dim3A_64 = arith.constant 0.000000e+00 : f32
    %broadcast_in_dim3A_65 = vector.broadcast %broadcast_in_dim3A_64 : f32 to vector<16xf32>
    %swap3A_66 = arith.constant 176 : index
    %swap3A_67 = tpu.vector_load %arg7[%swap3A_66] {strides = array<i32>} : memref<640xf32, #tpu.memory_space<vmem>>, vector<16xf32>,
    %swap3A_68 = vector.shape_cast %swap3A_67 : vector<16xf32> to vector<16xf32>
    %swap3A_69 = vector.shape_cast %broadcast_in_dim3A_65 : vector<16xf32> to vector<16xf32>
    tpu.vector_store %arg7[%swap3A_66], %swap3A_69 {strides = array<i32>} : memref<640xf32, #tpu.memory_space<vmem>>, vector<16xf32>,
    %broadcast_in_dim3A_70 = arith.constant 0.000000e+00 : f32
    %broadcast_in_dim3A_71 = vector.broadcast %broadcast_in_dim3A_70 : f32 to vector<16xf32>
    %swap3A_72 = arith.constant 192 : index
    %swap3A_73 = tpu.vector_load %arg7[%swap3A_72] {strides = array<i32>} : memref<640xf32, #tpu.memory_space<vmem>>, vector<16xf32>,
    %swap3A_74 = vector.shape_cast %swap3A_73 : vector<16xf32> to vector<16xf32>
    %swap3A_75 = vector.shape_cast %broadcast_in_dim3A_71 : vector<16xf32> to vector<16xf32>
    tpu.vector_store %arg7[%swap3A_72], %swap3A_75 {strides = array<i32>} : memref<640xf32, #tpu.memory_space<vmem>>, vector<16xf32>,
    %broadcast_in_dim3A_76 = arith.constant 0.000000e+00 : f32
    %broadcast_in_dim3A_77 = vector.broadcast %broadcast_in_dim3A_76 : f32 to vector<16xf32>
    %swap3A_78 = arith.constant 208 : index
    %swap3A_79 = tpu.vector_load %arg7[%swap3A_78] {strides = array<i32>} : memref<640xf32, #tpu.memory_space<vmem>>, vector<16xf32>,
    %swap3A_80 = vector.shape_cast %swap3A_79 : vector<16xf32> to vector<16xf32>
    %swap3A_81 = vector.shape_cast %broadcast_in_dim3A_77 : vector<16xf32> to vector<16xf32>
    tpu.vector_store %arg7[%swap3A_78], %swap3A_81 {strides = array<i32>} : memref<640xf32, #tpu.memory_space<vmem>>, vector<16xf32>,
    %broadcast_in_dim3A_82 = arith.constant 0.000000e+00 : f32
    %broadcast_in_dim3A_83 = vector.broadcast %broadcast_in_dim3A_82 : f32 to vector<16xf32>
    %swap3A_84 = arith.constant 224 : index
    %swap3A_85 = tpu.vector_load %arg7[%swap3A_84] {strides = array<i32>} : memref<640xf32, #tpu.memory_space<vmem>>, vector<16xf32>,
    %swap3A_86 = vector.shape_cast %swap3A_85 : vector<16xf32> to vector<16xf32>
    %swap3A_87 = vector.shape_cast %broadcast_in_dim3A_83 : vector<16xf32> to vector<16xf32>
    tpu.vector_store %arg7[%swap3A_84], %swap3A_87 {strides = array<i32>} : memref<640xf32, #tpu.memory_space<vmem>>, vector<16xf32>,
    %broadcast_in_dim3A_88 = arith.constant 0.000000e+00 : f32
    %broadcast_in_dim3A_89 = vector.broadcast %broadcast_in_dim3A_88 : f32 to vector<16xf32>
    %swap3A_90 = arith.constant 240 : index
    %swap3A_91 = tpu.vector_load %arg7[%swap3A_90] {strides = array<i32>} : memref<640xf32, #tpu.memory_space<vmem>>, vector<16xf32>,
    %swap3A_92 = vector.shape_cast %swap3A_91 : vector<16xf32> to vector<16xf32>
    %swap3A_93 = vector.shape_cast %broadcast_in_dim3A_89 : vector<16xf32> to vector<16xf32>
    tpu.vector_store %arg7[%swap3A_90], %swap3A_93 {strides = array<i32>} : memref<640xf32, #tpu.memory_space<vmem>>, vector<16xf32>,
    %broadcast_in_dim3A_94 = arith.constant 0.000000e+00 : f32
    %broadcast_in_dim3A_95 = vector.broadcast %broadcast_in_dim3A_94 : f32 to vector<16xf32>
    %swap3A_96 = arith.constant 256 : index
    %swap3A_97 = tpu.vector_load %arg7[%swap3A_96] {strides = array<i32>} : memref<640xf32, #tpu.memory_space<vmem>>, vector<16xf32>,
    %swap3A_98 = vector.shape_cast %swap3A_97 : vector<16xf32> to vector<16xf32>
    %swap3A_99 = vector.shape_cast %broadcast_in_dim3A_95 : vector<16xf32> to vector<16xf32>
    tpu.vector_store %arg7[%swap3A_96], %swap3A_99 {strides = array<i32>} : memref<640xf32, #tpu.memory_space<vmem>>, vector<16xf32>,
    %broadcast_in_dim3A_100 = arith.constant 0.000000e+00 : f32
    %broadcast_in_dim3A_101 = vector.broadcast %broadcast_in_dim3A_100 : f32 to vector<16xf32>
    %swap3A_102 = arith.constant 272 : index
    %swap3A_103 = tpu.vector_load %arg7[%swap3A_102] {strides = array<i32>} : memref<640xf32, #tpu.memory_space<vmem>>, vector<16xf32>,
    %swap3A_104 = vector.shape_cast %swap3A_103 : vector<16xf32> to vector<16xf32>
    %swap3A_105 = vector.shape_cast %broadcast_in_dim3A_101 : vector<16xf32> to vector<16xf32>
    tpu.vector_store %arg7[%swap3A_102], %swap3A_105 {strides = array<i32>} : memref<640xf32, #tpu.memory_space<vmem>>, vector<16xf32>,
    %broadcast_in_dim3A_106 = arith.constant 0.000000e+00 : f32
    %broadcast_in_dim3A_107 = vector.broadcast %broadcast_in_dim3A_106 : f32 to vector<16xf32>
    %swap3A_108 = arith.constant 288 : index
    %swap3A_109 = tpu.vector_load %arg7[%swap3A_108] {strides = array<i32>} : memref<640xf32, #tpu.memory_space<vmem>>, vector<16xf32>,
    %swap3A_110 = vector.shape_cast %swap3A_109 : vector<16xf32> to vector<16xf32>
    %swap3A_111 = vector.shape_cast %broadcast_in_dim3A_107 : vector<16xf32> to vector<16xf32>
    tpu.vector_store %arg7[%swap3A_108], %swap3A_111 {strides = array<i32>} : memref<640xf32, #tpu.memory_space<vmem>>, vector<16xf32>,
    %broadcast_in_dim3A_112 = arith.constant 0.000000e+00 : f32
    %broadcast_in_dim3A_113 = vector.broadcast %broadcast_in_dim3A_112 : f32 to vector<16xf32>
    %swap3A_114 = arith.constant 304 : index
    %swap3A_115 = tpu.vector_load %arg7[%swap3A_114] {strides = array<i32>} : memref<640xf32, #tpu.memory_space<vmem>>, vector<16xf32>,
    %swap3A_116 = vector.shape_cast %swap3A_115 : vector<16xf32> to vector<16xf32>
    %swap3A_117 = vector.shape_cast %broadcast_in_dim3A_113 : vector<16xf32> to vector<16xf32>
    tpu.vector_store %arg7[%swap3A_114], %swap3A_117 {strides = array<i32>} : memref<640xf32, #tpu.memory_space<vmem>>, vector<16xf32>,
    %broadcast_in_dim3A_118 = arith.constant 0.000000e+00 : f32
    %broadcast_in_dim3A_119 = vector.broadcast %broadcast_in_dim3A_118 : f32 to vector<16xf32>
    %swap3A_120 = arith.constant 320 : index
    %swap3A_121 = tpu.vector_load %arg7[%swap3A_120] {strides = array<i32>} : memref<640xf32, #tpu.memory_space<vmem>>, vector<16xf32>,
    %swap3A_122 = vector.shape_cast %swap3A_121 : vector<16xf32> to vector<16xf32>
    %swap3A_123 = vector.shape_cast %broadcast_in_dim3A_119 : vector<16xf32> to vector<16xf32>
    tpu.vector_store %arg7[%swap3A_120], %swap3A_123 {strides = array<i32>} : memref<640xf32, #tpu.memory_space<vmem>>, vector<16xf32>,
    %broadcast_in_dim3A_124 = arith.constant 0.000000e+00 : f32
    %broadcast_in_dim3A_125 = vector.broadcast %broadcast_in_dim3A_124 : f32 to vector<16xf32>
    %swap3A_126 = arith.constant 336 : index
    %swap3A_127 = tpu.vector_load %arg7[%swap3A_126] {strides = array<i32>} : memref<640xf32, #tpu.memory_space<vmem>>, vector<16xf32>,
    %swap3A_128 = vector.shape_cast %swap3A_127 : vector<16xf32> to vector<16xf32>
    %swap3A_129 = vector.shape_cast %broadcast_in_dim3A_125 : vector<16xf32> to vector<16xf32>
    tpu.vector_store %arg7[%swap3A_126], %swap3A_129 {strides = array<i32>} : memref<640xf32, #tpu.memory_space<vmem>>, vector<16xf32>,
    %broadcast_in_dim3A_130 = arith.constant 0.000000e+00 : f32
    %broadcast_in_dim3A_131 = vector.broadcast %broadcast_in_dim3A_130 : f32 to vector<16xf32>
    %swap3A_132 = arith.constant 352 : index
    %swap3A_133 = tpu.vector_load %arg7[%swap3A_132] {strides = array<i32>} : memref<640xf32, #tpu.memory_space<vmem>>, vector<16xf32>,
    %swap3A_134 = vector.shape_cast %swap3A_133 : vector<16xf32> to vector<16xf32>
    %swap3A_135 = vector.shape_cast %broadcast_in_dim3A_131 : vector<16xf32> to vector<16xf32>
    tpu.vector_store %arg7[%swap3A_132], %swap3A_135 {strides = array<i32>} : memref<640xf32, #tpu.memory_space<vmem>>, vector<16xf32>,
    %broadcast_in_dim3A_136 = arith.constant 0.000000e+00 : f32
    %broadcast_in_dim3A_137 = vector.broadcast %broadcast_in_dim3A_136 : f32 to vector<16xf32>
    %swap3A_138 = arith.constant 368 : index
    %swap3A_139 = tpu.vector_load %arg7[%swap3A_138] {strides = array<i32>} : memref<640xf32, #tpu.memory_space<vmem>>, vector<16xf32>,
    %swap3A_140 = vector.shape_cast %swap3A_139 : vector<16xf32> to vector<16xf32>
    %swap3A_141 = vector.shape_cast %broadcast_in_dim3A_137 : vector<16xf32> to vector<16xf32>
    tpu.vector_store %arg7[%swap3A_138], %swap3A_141 {strides = array<i32>} : memref<640xf32, #tpu.memory_space<vmem>>, vector<16xf32>,
    %broadcast_in_dim3A_142 = arith.constant 0.000000e+00 : f32
    %broadcast_in_dim3A_143 = vector.broadcast %broadcast_in_dim3A_142 : f32 to vector<16xf32>
    %swap3A_144 = arith.constant 384 : index
    %swap3A_145 = tpu.vector_load %arg7[%swap3A_144] {strides = array<i32>} : memref<640xf32, #tpu.memory_space<vmem>>, vector<16xf32>,
    %swap3A_146 = vector.shape_cast %swap3A_145 : vector<16xf32> to vector<16xf32>
    %swap3A_147 = vector.shape_cast %broadcast_in_dim3A_143 : vector<16xf32> to vector<16xf32>
    tpu.vector_store %arg7[%swap3A_144], %swap3A_147 {strides = array<i32>} : memref<640xf32, #tpu.memory_space<vmem>>, vector<16xf32>,
    %broadcast_in_dim3A_148 = arith.constant 0.000000e+00 : f32
    %broadcast_in_dim3A_149 = vector.broadcast %broadcast_in_dim3A_148 : f32 to vector<16xf32>
    %swap3A_150 = arith.constant 400 : index
    %swap3A_151 = tpu.vector_load %arg7[%swap3A_150] {strides = array<i32>} : memref<640xf32, #tpu.memory_space<vmem>>, vector<16xf32>,
    %swap3A_152 = vector.shape_cast %swap3A_151 : vector<16xf32> to vector<16xf32>
    %swap3A_153 = vector.shape_cast %broadcast_in_dim3A_149 : vector<16xf32> to vector<16xf32>
    tpu.vector_store %arg7[%swap3A_150], %swap3A_153 {strides = array<i32>} : memref<640xf32, #tpu.memory_space<vmem>>, vector<16xf32>,
    %broadcast_in_dim3A_154 = arith.constant 0.000000e+00 : f32
    %broadcast_in_dim3A_155 = vector.broadcast %broadcast_in_dim3A_154 : f32 to vector<16xf32>
    %swap3A_156 = arith.constant 416 : index
    %swap3A_157 = tpu.vector_load %arg7[%swap3A_156] {strides = array<i32>} : memref<640xf32, #tpu.memory_space<vmem>>, vector<16xf32>,
    %swap3A_158 = vector.shape_cast %swap3A_157 : vector<16xf32> to vector<16xf32>
    %swap3A_159 = vector.shape_cast %broadcast_in_dim3A_155 : vector<16xf32> to vector<16xf32>
    tpu.vector_store %arg7[%swap3A_156], %swap3A_159 {strides = array<i32>} : memref<640xf32, #tpu.memory_space<vmem>>, vector<16xf32>,
    %broadcast_in_dim3A_160 = arith.constant 0.000000e+00 : f32
    %broadcast_in_dim3A_161 = vector.broadcast %broadcast_in_dim3A_160 : f32 to vector<16xf32>
    %swap3A_162 = arith.constant 432 : index
    %swap3A_163 = tpu.vector_load %arg7[%swap3A_162] {strides = array<i32>} : memref<640xf32, #tpu.memory_space<vmem>>, vector<16xf32>,
    %swap3A_164 = vector.shape_cast %swap3A_163 : vector<16xf32> to vector<16xf32>
    %swap3A_165 = vector.shape_cast %broadcast_in_dim3A_161 : vector<16xf32> to vector<16xf32>
    tpu.vector_store %arg7[%swap3A_162], %swap3A_165 {strides = array<i32>} : memref<640xf32, #tpu.memory_space<vmem>>, vector<16xf32>,
    %broadcast_in_dim3A_166 = arith.constant 0.000000e+00 : f32
    %broadcast_in_dim3A_167 = vector.broadcast %broadcast_in_dim3A_166 : f32 to vector<16xf32>
    %swap3A_168 = arith.constant 448 : index
    %swap3A_169 = tpu.vector_load %arg7[%swap3A_168] {strides = array<i32>} : memref<640xf32, #tpu.memory_space<vmem>>, vector<16xf32>,
    %swap3A_170 = vector.shape_cast %swap3A_169 : vector<16xf32> to vector<16xf32>
    %swap3A_171 = vector.shape_cast %broadcast_in_dim3A_167 : vector<16xf32> to vector<16xf32>
    tpu.vector_store %arg7[%swap3A_168], %swap3A_171 {strides = array<i32>} : memref<640xf32, #tpu.memory_space<vmem>>, vector<16xf32>,
    %broadcast_in_dim3A_172 = arith.constant 0.000000e+00 : f32
    %broadcast_in_dim3A_173 = vector.broadcast %broadcast_in_dim3A_172 : f32 to vector<16xf32>
    %swap3A_174 = arith.constant 464 : index
    %swap3A_175 = tpu.vector_load %arg7[%swap3A_174] {strides = array<i32>} : memref<640xf32, #tpu.memory_space<vmem>>, vector<16xf32>,
    %swap3A_176 = vector.shape_cast %swap3A_175 : vector<16xf32> to vector<16xf32>
    %swap3A_177 = vector.shape_cast %broadcast_in_dim3A_173 : vector<16xf32> to vector<16xf32>
    tpu.vector_store %arg7[%swap3A_174], %swap3A_177 {strides = array<i32>} : memref<640xf32, #tpu.memory_space<vmem>>, vector<16xf32>,
    %broadcast_in_dim3A_178 = arith.constant 0.000000e+00 : f32
    %broadcast_in_dim3A_179 = vector.broadcast %broadcast_in_dim3A_178 : f32 to vector<16xf32>
    %swap3A_180 = arith.constant 480 : index
    %swap3A_181 = tpu.vector_load %arg7[%swap3A_180] {strides = array<i32>} : memref<640xf32, #tpu.memory_space<vmem>>, vector<16xf32>,
    %swap3A_182 = vector.shape_cast %swap3A_181 : vector<16xf32> to vector<16xf32>
    %swap3A_183 = vector.shape_cast %broadcast_in_dim3A_179 : vector<16xf32> to vector<16xf32>
    tpu.vector_store %arg7[%swap3A_180], %swap3A_183 {strides = array<i32>} : memref<640xf32, #tpu.memory_space<vmem>>, vector<16xf32>,
    %broadcast_in_dim3A_184 = arith.constant 0.000000e+00 : f32
    %broadcast_in_dim3A_185 = vector.broadcast %broadcast_in_dim3A_184 : f32 to vector<16xf32>
    %swap3A_186 = arith.constant 496 : index
    %swap3A_187 = tpu.vector_load %arg7[%swap3A_186] {strides = array<i32>} : memref<640xf32, #tpu.memory_space<vmem>>, vector<16xf32>,
    %swap3A_188 = vector.shape_cast %swap3A_187 : vector<16xf32> to vector<16xf32>
    %swap3A_189 = vector.shape_cast %broadcast_in_dim3A_185 : vector<16xf32> to vector<16xf32>
    tpu.vector_store %arg7[%swap3A_186], %swap3A_189 {strides = array<i32>} : memref<640xf32, #tpu.memory_space<vmem>>, vector<16xf32>,
    %broadcast_in_dim3A_190 = arith.constant 0.000000e+00 : f32
    %broadcast_in_dim3A_191 = vector.broadcast %broadcast_in_dim3A_190 : f32 to vector<16xf32>
    %swap3A_192 = arith.constant 512 : index
    %swap3A_193 = tpu.vector_load %arg7[%swap3A_192] {strides = array<i32>} : memref<640xf32, #tpu.memory_space<vmem>>, vector<16xf32>,
    %swap3A_194 = vector.shape_cast %swap3A_193 : vector<16xf32> to vector<16xf32>
    %swap3A_195 = vector.shape_cast %broadcast_in_dim3A_191 : vector<16xf32> to vector<16xf32>
    tpu.vector_store %arg7[%swap3A_192], %swap3A_195 {strides = array<i32>} : memref<640xf32, #tpu.memory_space<vmem>>, vector<16xf32>,
    %broadcast_in_dim3A_196 = arith.constant 0.000000e+00 : f32
    %broadcast_in_dim3A_197 = vector.broadcast %broadcast_in_dim3A_196 : f32 to vector<16xf32>
    %swap3A_198 = arith.constant 528 : index
    %swap3A_199 = tpu.vector_load %arg7[%swap3A_198] {strides = array<i32>} : memref<640xf32, #tpu.memory_space<vmem>>, vector<16xf32>,
    %swap3A_200 = vector.shape_cast %swap3A_199 : vector<16xf32> to vector<16xf32>
    %swap3A_201 = vector.shape_cast %broadcast_in_dim3A_197 : vector<16xf32> to vector<16xf32>
    tpu.vector_store %arg7[%swap3A_198], %swap3A_201 {strides = array<i32>} : memref<640xf32, #tpu.memory_space<vmem>>, vector<16xf32>,
    %broadcast_in_dim3A_202 = arith.constant 0.000000e+00 : f32
    %broadcast_in_dim3A_203 = vector.broadcast %broadcast_in_dim3A_202 : f32 to vector<16xf32>
    %swap3A_204 = arith.constant 544 : index
    %swap3A_205 = tpu.vector_load %arg7[%swap3A_204] {strides = array<i32>} : memref<640xf32, #tpu.memory_space<vmem>>, vector<16xf32>,
    %swap3A_206 = vector.shape_cast %swap3A_205 : vector<16xf32> to vector<16xf32>
    %swap3A_207 = vector.shape_cast %broadcast_in_dim3A_203 : vector<16xf32> to vector<16xf32>
    tpu.vector_store %arg7[%swap3A_204], %swap3A_207 {strides = array<i32>} : memref<640xf32, #tpu.memory_space<vmem>>, vector<16xf32>,
    %broadcast_in_dim3A_208 = arith.constant 0.000000e+00 : f32
    %broadcast_in_dim3A_209 = vector.broadcast %broadcast_in_dim3A_208 : f32 to vector<16xf32>
    %swap3A_210 = arith.constant 560 : index
    %swap3A_211 = tpu.vector_load %arg7[%swap3A_210] {strides = array<i32>} : memref<640xf32, #tpu.memory_space<vmem>>, vector<16xf32>,
    %swap3A_212 = vector.shape_cast %swap3A_211 : vector<16xf32> to vector<16xf32>
    %swap3A_213 = vector.shape_cast %broadcast_in_dim3A_209 : vector<16xf32> to vector<16xf32>
    tpu.vector_store %arg7[%swap3A_210], %swap3A_213 {strides = array<i32>} : memref<640xf32, #tpu.memory_space<vmem>>, vector<16xf32>,
    %broadcast_in_dim3A_214 = arith.constant 0.000000e+00 : f32
    %broadcast_in_dim3A_215 = vector.broadcast %broadcast_in_dim3A_214 : f32 to vector<16xf32>
    %swap3A_216 = arith.constant 576 : index
    %swap3A_217 = tpu.vector_load %arg7[%swap3A_216] {strides = array<i32>} : memref<640xf32, #tpu.memory_space<vmem>>, vector<16xf32>,
    %swap3A_218 = vector.shape_cast %swap3A_217 : vector<16xf32> to vector<16xf32>
    %swap3A_219 = vector.shape_cast %broadcast_in_dim3A_215 : vector<16xf32> to vector<16xf32>
    tpu.vector_store %arg7[%swap3A_216], %swap3A_219 {strides = array<i32>} : memref<640xf32, #tpu.memory_space<vmem>>, vector<16xf32>,
    %broadcast_in_dim3A_220 = arith.constant 0.000000e+00 : f32
    %broadcast_in_dim3A_221 = vector.broadcast %broadcast_in_dim3A_220 : f32 to vector<16xf32>
    %swap3A_222 = arith.constant 592 : index
    %swap3A_223 = tpu.vector_load %arg7[%swap3A_222] {strides = array<i32>} : memref<640xf32, #tpu.memory_space<vmem>>, vector<16xf32>,
    %swap3A_224 = vector.shape_cast %swap3A_223 : vector<16xf32> to vector<16xf32>
    %swap3A_225 = vector.shape_cast %broadcast_in_dim3A_221 : vector<16xf32> to vector<16xf32>
    tpu.vector_store %arg7[%swap3A_222], %swap3A_225 {strides = array<i32>} : memref<640xf32, #tpu.memory_space<vmem>>, vector<16xf32>,
    %broadcast_in_dim3A_226 = arith.constant 0.000000e+00 : f32
    %broadcast_in_dim3A_227 = vector.broadcast %broadcast_in_dim3A_226 : f32 to vector<16xf32>
    %swap3A_228 = arith.constant 608 : index
    %swap3A_229 = tpu.vector_load %arg7[%swap3A_228] {strides = array<i32>} : memref<640xf32, #tpu.memory_space<vmem>>, vector<16xf32>,
    %swap3A_230 = vector.shape_cast %swap3A_229 : vector<16xf32> to vector<16xf32>
    %swap3A_231 = vector.shape_cast %broadcast_in_dim3A_227 : vector<16xf32> to vector<16xf32>
    tpu.vector_store %arg7[%swap3A_228], %swap3A_231 {strides = array<i32>} : memref<640xf32, #tpu.memory_space<vmem>>, vector<16xf32>,
    %broadcast_in_dim3A_232 = arith.constant 0.000000e+00 : f32
    %broadcast_in_dim3A_233 = vector.broadcast %broadcast_in_dim3A_232 : f32 to vector<16xf32>
    %swap3A_234 = arith.constant 624 : index
    %swap3A_235 = tpu.vector_load %arg7[%swap3A_234] {strides = array<i32>} : memref<640xf32, #tpu.memory_space<vmem>>, vector<16xf32>,
    %swap3A_236 = vector.shape_cast %swap3A_235 : vector<16xf32> to vector<16xf32>
    %swap3A_237 = vector.shape_cast %broadcast_in_dim3A_233 : vector<16xf32> to vector<16xf32>
    tpu.vector_store %arg7[%swap3A_234], %swap3A_237 {strides = array<i32>} : memref<640xf32, #tpu.memory_space<vmem>>, vector<16xf32>,
    %broadcast_in_dim3A_238 = arith.constant 1.000000e+00 : f32
    %broadcast_in_dim3A_239 = vector.broadcast %broadcast_in_dim3A_238 : f32 to vector<16xf32>
    %swap3A_240 = arith.constant 0 : index
    %swap3A_241 = tpu.vector_load %arg6[%swap3A_240] {strides = array<i32>} : memref<80xf32, #tpu.memory_space<vmem>>, vector<16xf32>,
    %swap3A_242 = vector.shape_cast %swap3A_241 : vector<16xf32> to vector<16xf32>
    %swap3A_243 = vector.shape_cast %broadcast_in_dim3A_239 : vector<16xf32> to vector<16xf32>
    tpu.vector_store %arg6[%swap3A_240], %swap3A_243 {strides = array<i32>} : memref<80xf32, #tpu.memory_space<vmem>>, vector<16xf32>,
    %broadcast_in_dim3A_244 = arith.constant 1.000000e+00 : f32
    %broadcast_in_dim3A_245 = vector.broadcast %broadcast_in_dim3A_244 : f32 to vector<16xf32>
    %swap3A_246 = arith.constant 16 : index
    %swap3A_247 = tpu.vector_load %arg6[%swap3A_246] {strides = array<i32>} : memref<80xf32, #tpu.memory_space<vmem>>, vector<16xf32>,
    %swap3A_248 = vector.shape_cast %swap3A_247 : vector<16xf32> to vector<16xf32>
    %swap3A_249 = vector.shape_cast %broadcast_in_dim3A_245 : vector<16xf32> to vector<16xf32>
    tpu.vector_store %arg6[%swap3A_246], %swap3A_249 {strides = array<i32>} : memref<80xf32, #tpu.memory_space<vmem>>, vector<16xf32>,
    %broadcast_in_dim3A_250 = arith.constant 1.000000e+00 : f32
    %broadcast_in_dim3A_251 = vector.broadcast %broadcast_in_dim3A_250 : f32 to vector<16xf32>
    %swap3A_252 = arith.constant 32 : index
    %swap3A_253 = tpu.vector_load %arg6[%swap3A_252] {strides = array<i32>} : memref<80xf32, #tpu.memory_space<vmem>>, vector<16xf32>,
    %swap3A_254 = vector.shape_cast %swap3A_253 : vector<16xf32> to vector<16xf32>
    %swap3A_255 = vector.shape_cast %broadcast_in_dim3A_251 : vector<16xf32> to vector<16xf32>
    tpu.vector_store %arg6[%swap3A_252], %swap3A_255 {strides = array<i32>} : memref<80xf32, #tpu.memory_space<vmem>>, vector<16xf32>,
    %broadcast_in_dim3A_256 = arith.constant 1.000000e+00 : f32
    %broadcast_in_dim3A_257 = vector.broadcast %broadcast_in_dim3A_256 : f32 to vector<16xf32>
    %swap3A_258 = arith.constant 48 : index
    %swap3A_259 = tpu.vector_load %arg6[%swap3A_258] {strides = array<i32>} : memref<80xf32, #tpu.memory_space<vmem>>, vector<16xf32>,
    %swap3A_260 = vector.shape_cast %swap3A_259 : vector<16xf32> to vector<16xf32>
    %swap3A_261 = vector.shape_cast %broadcast_in_dim3A_257 : vector<16xf32> to vector<16xf32>
    tpu.vector_store %arg6[%swap3A_258], %swap3A_261 {strides = array<i32>} : memref<80xf32, #tpu.memory_space<vmem>>, vector<16xf32>,
    %broadcast_in_dim3A_262 = arith.constant 1.000000e+00 : f32
    %broadcast_in_dim3A_263 = vector.broadcast %broadcast_in_dim3A_262 : f32 to vector<16xf32>
    %swap3A_264 = arith.constant 64 : index
    %swap3A_265 = tpu.vector_load %arg6[%swap3A_264] {strides = array<i32>} : memref<80xf32, #tpu.memory_space<vmem>>, vector<16xf32>,
    %swap3A_266 = vector.shape_cast %swap3A_265 : vector<16xf32> to vector<16xf32>
    %swap3A_267 = vector.shape_cast %broadcast_in_dim3A_263 : vector<16xf32> to vector<16xf32>
    tpu.vector_store %arg6[%swap3A_264], %swap3A_267 {strides = array<i32>} : memref<80xf32, #tpu.memory_space<vmem>>, vector<16xf32>,
    %mul3A = arith.constant 640 : i32
    %mul3A_268 = arith.muli %arg1, %mul3A : i32
    "tpu.region"() ({
      %run_scoped3A = tpu.sem_alloc : memref<!tpu.dma_semaphore, #tpu.memory_space<semaphore_mem>>
      %dma_start3A = tpu.memref_slice %arg4[%mul3A_268] : memref<10240xf32, #tpu.memory_space<vmem_shared>> -> memref<640xf32, #tpu.memory_space<vmem_shared>>
      %dma_start3A_286 = tpu.memref_slice %arg4[%mul3A_268] : memref<10240xf32, #tpu.memory_space<vmem_shared>> -> memref<640xf32, #tpu.memory_space<vmem_shared>>
      tpu.enqueue_dma source(%arg7 : memref<640xf32, #tpu.memory_space<vmem>>) target(%dma_start3A_286 : memref<640xf32, #tpu.memory_space<vmem_shared>>) target_semaphore(%run_scoped3A : memref<!tpu.dma_semaphore, #tpu.memory_space<semaphore_mem>>)
      %dma_wait3A = tpu.memref_slice %arg4[%mul3A_268] : memref<10240xf32, #tpu.memory_space<vmem_shared>> -> memref<640xf32, #tpu.memory_space<vmem_shared>>
      %dma_wait3A_287 = tpu.memref_slice %arg4[%mul3A_268] : memref<10240xf32, #tpu.memory_space<vmem_shared>> -> memref<640xf32, #tpu.memory_space<vmem_shared>>
      tpu.wait_dma2 semaphore(%run_scoped3A : memref<!tpu.dma_semaphore, #tpu.memory_space<semaphore_mem>>) src(%arg7 : memref<640xf32, #tpu.memory_space<vmem>>) dst(%dma_wait3A_287 : memref<640xf32, #tpu.memory_space<vmem_shared>>)
      tpu.yield
    }) : () -> ()
    %barrier3A = arith.constant 0 : index
    tpu.barrier barrier_id(%barrier3A)
    %mul3A_269 = arith.constant 2 : i32
    %mul3A_270 = arith.muli %arg1, %mul3A_269 : i32
    %add3A = arith.addi %mul3A_270, %arg0 : i32
    %mul3A_271 = arith.constant 10000 : i32
    %mul3A_272 = arith.muli %add3A, %mul3A_271 : i32
    %scan3A = arith.constant 0 : i32
    %scan3A_273 = arith.constant 0 : i32
    %scan3A_274 = arith.constant 125 : i32
    %scan3A_275 = arith.addi %scan3A_273, %scan3A_274 : i32
    %scan3A_276 = arith.constant 1 : i32
    scf.for %scan3A_286 = %scan3A_273 to %scan3A_275 step %scan3A_276  : i32 {
      %mul3A_287 = arith.constant 80 : i32
      %mul3A_288 = arith.muli %scan3A_286, %mul3A_287 : i32
      %add3A_289 = arith.addi %mul3A_272, %mul3A_288 : i32
      "tpu.region"() ({
        %run_scoped3A = tpu.sem_alloc : memref<!tpu.dma_semaphore, #tpu.memory_space<semaphore_mem>>
        %dma_start3A = tpu.memref_slice %arg2[%add3A_289] : memref<320000xi32, #tpu.memory_space<hbm>> -> memref<80xi32, #tpu.memory_space<hbm>>
        %dma_start3A_290 = tpu.memref_slice %arg2[%add3A_289] : memref<320000xi32, #tpu.memory_space<hbm>> -> memref<80xi32, #tpu.memory_space<hbm>>
        tpu.enqueue_dma source(%dma_start3A_290 : memref<80xi32, #tpu.memory_space<hbm>>) target(%arg5 : memref<80xi32, #tpu.memory_space<vmem>>) target_semaphore(%run_scoped3A : memref<!tpu.dma_semaphore, #tpu.memory_space<semaphore_mem>>)
        %dma_wait3A = tpu.memref_slice %arg2[%add3A_289] : memref<320000xi32, #tpu.memory_space<hbm>> -> memref<80xi32, #tpu.memory_space<hbm>>
        %dma_wait3A_291 = tpu.memref_slice %arg2[%add3A_289] : memref<320000xi32, #tpu.memory_space<hbm>> -> memref<80xi32, #tpu.memory_space<hbm>>
        tpu.wait_dma2 semaphore(%run_scoped3A : memref<!tpu.dma_semaphore, #tpu.memory_space<semaphore_mem>>) src(%dma_wait3A_291 : memref<80xi32, #tpu.memory_space<hbm>>) dst(%arg5 : memref<80xi32, #tpu.memory_space<vmem>>)
        tpu.yield
      }) : () -> ()
      "tpu.region"() ({
        %run_scoped3A = tpu.sem_alloc : memref<!tpu.dma_semaphore, #tpu.memory_space<semaphore_mem>>
        %dma_start3A = arith.constant 0 : i32
        %dma_start3A_290 = tpu.memref_slice %arg4[%dma_start3A] : memref<10240xf32, #tpu.memory_space<vmem_shared>> -> memref<10240xf32, #tpu.memory_space<vmem_shared>>
        tpu.enqueue_indirect_dma source(%arg6 : memref<80xf32, #tpu.memory_space<vmem>>) target(%dma_start3A_290 : memref<10240xf32, #tpu.memory_space<vmem_shared>>) offsets(%arg5 : memref<80xi32, #tpu.memory_space<vmem>>) semaphore(%run_scoped3A : memref<!tpu.dma_semaphore, #tpu.memory_space<semaphore_mem>>) {add = true}
        %dma_wait3A = arith.constant 0 : i32
        %dma_wait3A_291 = tpu.memref_slice %arg4[%dma_wait3A] : memref<10240xf32, #tpu.memory_space<vmem_shared>> -> memref<10240xf32, #tpu.memory_space<vmem_shared>>
        tpu.wait_indirect_dma semaphore(%run_scoped3A : memref<!tpu.dma_semaphore, #tpu.memory_space<semaphore_mem>>) src(%arg6 : memref<80xf32, #tpu.memory_space<vmem>>) dst(%dma_wait3A_291 : memref<10240xf32, #tpu.memory_space<vmem_shared>>)
        tpu.yield
      }) : () -> ()
    }
    %scan3A_277 = arith.constant 125 : i32
    %barrier3A_278 = arith.constant 0 : index
    tpu.barrier barrier_id(%barrier3A_278)
    %mul3A_279 = arith.constant 640 : i32
    %mul3A_280 = arith.muli %arg1, %mul3A_279 : i32
    "tpu.region"() ({
      %run_scoped3A = tpu.sem_alloc : memref<!tpu.dma_semaphore, #tpu.memory_space<semaphore_mem>>
      %dma_start3A = tpu.memref_slice %arg4[%mul3A_280] : memref<10240xf32, #tpu.memory_space<vmem_shared>> -> memref<640xf32, #tpu.memory_space<vmem_shared>>
      %dma_start3A_286 = tpu.memref_slice %arg4[%mul3A_280] : memref<10240xf32, #tpu.memory_space<vmem_shared>> -> memref<640xf32, #tpu.memory_space<vmem_shared>>
      tpu.enqueue_dma source(%dma_start3A_286 : memref<640xf32, #tpu.memory_space<vmem_shared>>) target(%arg7 : memref<640xf32, #tpu.memory_space<vmem>>) target_semaphore(%run_scoped3A : memref<!tpu.dma_semaphore, #tpu.memory_space<semaphore_mem>>)
      %dma_wait3A = tpu.memref_slice %arg4[%mul3A_280] : memref<10240xf32, #tpu.memory_space<vmem_shared>> -> memref<640xf32, #tpu.memory_space<vmem_shared>>
      %dma_wait3A_287 = tpu.memref_slice %arg4[%mul3A_280] : memref<10240xf32, #tpu.memory_space<vmem_shared>> -> memref<640xf32, #tpu.memory_space<vmem_shared>>
      tpu.wait_dma2 semaphore(%run_scoped3A : memref<!tpu.dma_semaphore, #tpu.memory_space<semaphore_mem>>) src(%dma_wait3A_287 : memref<640xf32, #tpu.memory_space<vmem_shared>>) dst(%arg7 : memref<640xf32, #tpu.memory_space<vmem>>)
      tpu.yield
    }) : () -> ()
    %mul3A_281 = arith.constant 10240 : i32
    %mul3A_282 = arith.muli %arg0, %mul3A_281 : i32
    %mul3A_283 = arith.constant 640 : i32
    %mul3A_284 = arith.muli %arg1, %mul3A_283 : i32
    %add3A_285 = arith.addi %mul3A_282, %mul3A_284 : i32
    "tpu.region"() ({
      %run_scoped3A = tpu.sem_alloc : memref<!tpu.dma_semaphore, #tpu.memory_space<semaphore_mem>>
      %dma_start3A = tpu.memref_slice %arg3[%add3A_285] : memref<20480xf32, #tpu.memory_space<hbm>> -> memref<640xf32, #tpu.memory_space<hbm>>
      %dma_start3A_286 = tpu.memref_slice %arg3[%add3A_285] : memref<20480xf32, #tpu.memory_space<hbm>> -> memref<640xf32, #tpu.memory_space<hbm>>
      tpu.enqueue_dma source(%arg7 : memref<640xf32, #tpu.memory_space<vmem>>) target(%dma_start3A_286 : memref<640xf32, #tpu.memory_space<hbm>>) target_semaphore(%run_scoped3A : memref<!tpu.dma_semaphore, #tpu.memory_space<semaphore_mem>>)
      %dma_wait3A = tpu.memref_slice %arg3[%add3A_285] : memref<20480xf32, #tpu.memory_space<hbm>> -> memref<640xf32, #tpu.memory_space<hbm>>
      %dma_wait3A_287 = tpu.memref_slice %arg3[%add3A_285] : memref<20480xf32, #tpu.memory_space<hbm>> -> memref<640xf32, #tpu.memory_space<hbm>>
      tpu.wait_dma2 semaphore(%run_scoped3A : memref<!tpu.dma_semaphore, #tpu.memory_space<semaphore_mem>>) src(%arg7 : memref<640xf32, #tpu.memory_space<vmem>>) dst(%dma_wait3A_287 : memref<640xf32, #tpu.memory_space<hbm>>)
      tpu.yield
    }) : () -> ()
    return
  }
}

#map = affine_map<(d0, d1) -> (0, 0)>
#map1 = affine_map<(d0, d1) -> (0)>
module attributes {stable_mosaic.version = 14 : i64} {
  func.func @_spmm_split_kernel(%arg0: i32, %arg1: i32, %arg2: memref<10240x128xf32, #tpu.memory_space<hbm>>, %arg3: memref<320000xi32, #tpu.memory_space<hbm>>, %arg4: memref<320000xi32, #tpu.memory_space<hbm>>, %arg5: memref<20480x128xf32, #tpu.memory_space<hbm>>, %arg6: memref<10240x128xf32, #tpu.memory_space<vmem_shared>>, %arg7: memref<80xi32, #tpu.memory_space<vmem>>, %arg8: memref<80xi32, #tpu.memory_space<vmem>>, %arg9: memref<80x128xf32, #tpu.memory_space<vmem>>, %arg10: memref<!tpu.dma_semaphore, #tpu.memory_space<semaphore_mem>>) attributes {dimension_semantics = [#tpu.dimension_semantics<core_parallel>, #tpu.dimension_semantics<subcore_parallel>], iteration_bounds = array<i64: 2, 16>, scalar_prefetch = 0 : i64, scratch_operands = 5 : i64, tpu.core_type = #tpu.core_type<sc_vector_subcore>, window_params = [{transform_indices = #map}, {transform_indices = #map1}, {transform_indices = #map1}, {transform_indices = #map}]} {
    %mul3A = arith.constant 640 : i32
    %mul3A_0 = arith.muli %arg1, %mul3A : i32
    %add3A = arith.constant 0 : i32
    %add3A_1 = arith.addi %mul3A_0, %add3A : i32
    "tpu.region"() ({
      %run_scoped3A = tpu.sem_alloc : memref<!tpu.dma_semaphore, #tpu.memory_space<semaphore_mem>>
      %dma_start3A = arith.constant 0 : i32
      %dma_start3A_161 = tpu.memref_slice %arg2[%add3A_1, %dma_start3A] : memref<10240x128xf32, #tpu.memory_space<hbm>> -> memref<80x128xf32, #tpu.memory_space<hbm>>
      %dma_start3A_162 = arith.constant 0 : i32
      %dma_start3A_163 = tpu.memref_slice %arg2[%add3A_1, %dma_start3A_162] : memref<10240x128xf32, #tpu.memory_space<hbm>> -> memref<80x128xf32, #tpu.memory_space<hbm>>
      tpu.enqueue_dma source(%dma_start3A_163 : memref<80x128xf32, #tpu.memory_space<hbm>>) target(%arg9 : memref<80x128xf32, #tpu.memory_space<vmem>>) target_semaphore(%run_scoped3A : memref<!tpu.dma_semaphore, #tpu.memory_space<semaphore_mem>>)
      %dma_wait3A = arith.constant 0 : i32
      %dma_wait3A_164 = tpu.memref_slice %arg2[%add3A_1, %dma_wait3A] : memref<10240x128xf32, #tpu.memory_space<hbm>> -> memref<80x128xf32, #tpu.memory_space<hbm>>
      %dma_wait3A_165 = arith.constant 0 : i32
      %dma_wait3A_166 = tpu.memref_slice %arg2[%add3A_1, %dma_wait3A_165] : memref<10240x128xf32, #tpu.memory_space<hbm>> -> memref<80x128xf32, #tpu.memory_space<hbm>>
      tpu.wait_dma2 semaphore(%run_scoped3A : memref<!tpu.dma_semaphore, #tpu.memory_space<semaphore_mem>>) src(%dma_wait3A_166 : memref<80x128xf32, #tpu.memory_space<hbm>>) dst(%arg9 : memref<80x128xf32, #tpu.memory_space<vmem>>)
      tpu.yield
    }) : () -> ()
    %mul3A_2 = arith.constant 640 : i32
    %mul3A_3 = arith.muli %arg1, %mul3A_2 : i32
    %add3A_4 = arith.constant 0 : i32
    %add3A_5 = arith.addi %mul3A_3, %add3A_4 : i32
    "tpu.region"() ({
      %run_scoped3A = tpu.sem_alloc : memref<!tpu.dma_semaphore, #tpu.memory_space<semaphore_mem>>
      %dma_start3A = arith.constant 0 : i32
      %dma_start3A_161 = tpu.memref_slice %arg6[%add3A_5, %dma_start3A] : memref<10240x128xf32, #tpu.memory_space<vmem_shared>> -> memref<80x128xf32, #tpu.memory_space<vmem_shared>>
      %dma_start3A_162 = arith.constant 0 : i32
      %dma_start3A_163 = tpu.memref_slice %arg6[%add3A_5, %dma_start3A_162] : memref<10240x128xf32, #tpu.memory_space<vmem_shared>> -> memref<80x128xf32, #tpu.memory_space<vmem_shared>>
      tpu.enqueue_dma source(%arg9 : memref<80x128xf32, #tpu.memory_space<vmem>>) target(%dma_start3A_163 : memref<80x128xf32, #tpu.memory_space<vmem_shared>>) target_semaphore(%run_scoped3A : memref<!tpu.dma_semaphore, #tpu.memory_space<semaphore_mem>>)
      %dma_wait3A = arith.constant 0 : i32
      %dma_wait3A_164 = tpu.memref_slice %arg6[%add3A_5, %dma_wait3A] : memref<10240x128xf32, #tpu.memory_space<vmem_shared>> -> memref<80x128xf32, #tpu.memory_space<vmem_shared>>
      %dma_wait3A_165 = arith.constant 0 : i32
      %dma_wait3A_166 = tpu.memref_slice %arg6[%add3A_5, %dma_wait3A_165] : memref<10240x128xf32, #tpu.memory_space<vmem_shared>> -> memref<80x128xf32, #tpu.memory_space<vmem_shared>>
      tpu.wait_dma2 semaphore(%run_scoped3A : memref<!tpu.dma_semaphore, #tpu.memory_space<semaphore_mem>>) src(%arg9 : memref<80x128xf32, #tpu.memory_space<vmem>>) dst(%dma_wait3A_166 : memref<80x128xf32, #tpu.memory_space<vmem_shared>>)
      tpu.yield
    }) : () -> ()
    %mul3A_6 = arith.constant 640 : i32
    %mul3A_7 = arith.muli %arg1, %mul3A_6 : i32
    %add3A_8 = arith.constant 80 : i32
    %add3A_9 = arith.addi %mul3A_7, %add3A_8 : i32
    "tpu.region"() ({
      %run_scoped3A = tpu.sem_alloc : memref<!tpu.dma_semaphore, #tpu.memory_space<semaphore_mem>>
      %dma_start3A = arith.constant 0 : i32
      %dma_start3A_161 = tpu.memref_slice %arg2[%add3A_9, %dma_start3A] : memref<10240x128xf32, #tpu.memory_space<hbm>> -> memref<80x128xf32, #tpu.memory_space<hbm>>
      %dma_start3A_162 = arith.constant 0 : i32
      %dma_start3A_163 = tpu.memref_slice %arg2[%add3A_9, %dma_start3A_162] : memref<10240x128xf32, #tpu.memory_space<hbm>> -> memref<80x128xf32, #tpu.memory_space<hbm>>
      tpu.enqueue_dma source(%dma_start3A_163 : memref<80x128xf32, #tpu.memory_space<hbm>>) target(%arg9 : memref<80x128xf32, #tpu.memory_space<vmem>>) target_semaphore(%run_scoped3A : memref<!tpu.dma_semaphore, #tpu.memory_space<semaphore_mem>>)
      %dma_wait3A = arith.constant 0 : i32
      %dma_wait3A_164 = tpu.memref_slice %arg2[%add3A_9, %dma_wait3A] : memref<10240x128xf32, #tpu.memory_space<hbm>> -> memref<80x128xf32, #tpu.memory_space<hbm>>
      %dma_wait3A_165 = arith.constant 0 : i32
      %dma_wait3A_166 = tpu.memref_slice %arg2[%add3A_9, %dma_wait3A_165] : memref<10240x128xf32, #tpu.memory_space<hbm>> -> memref<80x128xf32, #tpu.memory_space<hbm>>
      tpu.wait_dma2 semaphore(%run_scoped3A : memref<!tpu.dma_semaphore, #tpu.memory_space<semaphore_mem>>) src(%dma_wait3A_166 : memref<80x128xf32, #tpu.memory_space<hbm>>) dst(%arg9 : memref<80x128xf32, #tpu.memory_space<vmem>>)
      tpu.yield
    }) : () -> ()
    %mul3A_10 = arith.constant 640 : i32
    %mul3A_11 = arith.muli %arg1, %mul3A_10 : i32
    %add3A_12 = arith.constant 80 : i32
    %add3A_13 = arith.addi %mul3A_11, %add3A_12 : i32
    "tpu.region"() ({
      %run_scoped3A = tpu.sem_alloc : memref<!tpu.dma_semaphore, #tpu.memory_space<semaphore_mem>>
      %dma_start3A = arith.constant 0 : i32
      %dma_start3A_161 = tpu.memref_slice %arg6[%add3A_13, %dma_start3A] : memref<10240x128xf32, #tpu.memory_space<vmem_shared>> -> memref<80x128xf32, #tpu.memory_space<vmem_shared>>
      %dma_start3A_162 = arith.constant 0 : i32
      %dma_start3A_163 = tpu.memref_slice %arg6[%add3A_13, %dma_start3A_162] : memref<10240x128xf32, #tpu.memory_space<vmem_shared>> -> memref<80x128xf32, #tpu.memory_space<vmem_shared>>
      tpu.enqueue_dma source(%arg9 : memref<80x128xf32, #tpu.memory_space<vmem>>) target(%dma_start3A_163 : memref<80x128xf32, #tpu.memory_space<vmem_shared>>) target_semaphore(%run_scoped3A : memref<!tpu.dma_semaphore, #tpu.memory_space<semaphore_mem>>)
      %dma_wait3A = arith.constant 0 : i32
      %dma_wait3A_164 = tpu.memref_slice %arg6[%add3A_13, %dma_wait3A] : memref<10240x128xf32, #tpu.memory_space<vmem_shared>> -> memref<80x128xf32, #tpu.memory_space<vmem_shared>>
      %dma_wait3A_165 = arith.constant 0 : i32
      %dma_wait3A_166 = tpu.memref_slice %arg6[%add3A_13, %dma_wait3A_165] : memref<10240x128xf32, #tpu.memory_space<vmem_shared>> -> memref<80x128xf32, #tpu.memory_space<vmem_shared>>
      tpu.wait_dma2 semaphore(%run_scoped3A : memref<!tpu.dma_semaphore, #tpu.memory_space<semaphore_mem>>) src(%arg9 : memref<80x128xf32, #tpu.memory_space<vmem>>) dst(%dma_wait3A_166 : memref<80x128xf32, #tpu.memory_space<vmem_shared>>)
      tpu.yield
    }) : () -> ()
    %mul3A_14 = arith.constant 640 : i32
    %mul3A_15 = arith.muli %arg1, %mul3A_14 : i32
    %add3A_16 = arith.constant 160 : i32
    %add3A_17 = arith.addi %mul3A_15, %add3A_16 : i32
    "tpu.region"() ({
      %run_scoped3A = tpu.sem_alloc : memref<!tpu.dma_semaphore, #tpu.memory_space<semaphore_mem>>
      %dma_start3A = arith.constant 0 : i32
      %dma_start3A_161 = tpu.memref_slice %arg2[%add3A_17, %dma_start3A] : memref<10240x128xf32, #tpu.memory_space<hbm>> -> memref<80x128xf32, #tpu.memory_space<hbm>>
      %dma_start3A_162 = arith.constant 0 : i32
      %dma_start3A_163 = tpu.memref_slice %arg2[%add3A_17, %dma_start3A_162] : memref<10240x128xf32, #tpu.memory_space<hbm>> -> memref<80x128xf32, #tpu.memory_space<hbm>>
      tpu.enqueue_dma source(%dma_start3A_163 : memref<80x128xf32, #tpu.memory_space<hbm>>) target(%arg9 : memref<80x128xf32, #tpu.memory_space<vmem>>) target_semaphore(%run_scoped3A : memref<!tpu.dma_semaphore, #tpu.memory_space<semaphore_mem>>)
      %dma_wait3A = arith.constant 0 : i32
      %dma_wait3A_164 = tpu.memref_slice %arg2[%add3A_17, %dma_wait3A] : memref<10240x128xf32, #tpu.memory_space<hbm>> -> memref<80x128xf32, #tpu.memory_space<hbm>>
      %dma_wait3A_165 = arith.constant 0 : i32
      %dma_wait3A_166 = tpu.memref_slice %arg2[%add3A_17, %dma_wait3A_165] : memref<10240x128xf32, #tpu.memory_space<hbm>> -> memref<80x128xf32, #tpu.memory_space<hbm>>
      tpu.wait_dma2 semaphore(%run_scoped3A : memref<!tpu.dma_semaphore, #tpu.memory_space<semaphore_mem>>) src(%dma_wait3A_166 : memref<80x128xf32, #tpu.memory_space<hbm>>) dst(%arg9 : memref<80x128xf32, #tpu.memory_space<vmem>>)
      tpu.yield
    }) : () -> ()
    %mul3A_18 = arith.constant 640 : i32
    %mul3A_19 = arith.muli %arg1, %mul3A_18 : i32
    %add3A_20 = arith.constant 160 : i32
    %add3A_21 = arith.addi %mul3A_19, %add3A_20 : i32
    "tpu.region"() ({
      %run_scoped3A = tpu.sem_alloc : memref<!tpu.dma_semaphore, #tpu.memory_space<semaphore_mem>>
      %dma_start3A = arith.constant 0 : i32
      %dma_start3A_161 = tpu.memref_slice %arg6[%add3A_21, %dma_start3A] : memref<10240x128xf32, #tpu.memory_space<vmem_shared>> -> memref<80x128xf32, #tpu.memory_space<vmem_shared>>
      %dma_start3A_162 = arith.constant 0 : i32
      %dma_start3A_163 = tpu.memref_slice %arg6[%add3A_21, %dma_start3A_162] : memref<10240x128xf32, #tpu.memory_space<vmem_shared>> -> memref<80x128xf32, #tpu.memory_space<vmem_shared>>
      tpu.enqueue_dma source(%arg9 : memref<80x128xf32, #tpu.memory_space<vmem>>) target(%dma_start3A_163 : memref<80x128xf32, #tpu.memory_space<vmem_shared>>) target_semaphore(%run_scoped3A : memref<!tpu.dma_semaphore, #tpu.memory_space<semaphore_mem>>)
      %dma_wait3A = arith.constant 0 : i32
      %dma_wait3A_164 = tpu.memref_slice %arg6[%add3A_21, %dma_wait3A] : memref<10240x128xf32, #tpu.memory_space<vmem_shared>> -> memref<80x128xf32, #tpu.memory_space<vmem_shared>>
      %dma_wait3A_165 = arith.constant 0 : i32
      %dma_wait3A_166 = tpu.memref_slice %arg6[%add3A_21, %dma_wait3A_165] : memref<10240x128xf32, #tpu.memory_space<vmem_shared>> -> memref<80x128xf32, #tpu.memory_space<vmem_shared>>
      tpu.wait_dma2 semaphore(%run_scoped3A : memref<!tpu.dma_semaphore, #tpu.memory_space<semaphore_mem>>) src(%arg9 : memref<80x128xf32, #tpu.memory_space<vmem>>) dst(%dma_wait3A_166 : memref<80x128xf32, #tpu.memory_space<vmem_shared>>)
      tpu.yield
    }) : () -> ()
    %mul3A_22 = arith.constant 640 : i32
    %mul3A_23 = arith.muli %arg1, %mul3A_22 : i32
    %add3A_24 = arith.constant 240 : i32
    %add3A_25 = arith.addi %mul3A_23, %add3A_24 : i32
    "tpu.region"() ({
      %run_scoped3A = tpu.sem_alloc : memref<!tpu.dma_semaphore, #tpu.memory_space<semaphore_mem>>
      %dma_start3A = arith.constant 0 : i32
      %dma_start3A_161 = tpu.memref_slice %arg2[%add3A_25, %dma_start3A] : memref<10240x128xf32, #tpu.memory_space<hbm>> -> memref<80x128xf32, #tpu.memory_space<hbm>>
      %dma_start3A_162 = arith.constant 0 : i32
      %dma_start3A_163 = tpu.memref_slice %arg2[%add3A_25, %dma_start3A_162] : memref<10240x128xf32, #tpu.memory_space<hbm>> -> memref<80x128xf32, #tpu.memory_space<hbm>>
      tpu.enqueue_dma source(%dma_start3A_163 : memref<80x128xf32, #tpu.memory_space<hbm>>) target(%arg9 : memref<80x128xf32, #tpu.memory_space<vmem>>) target_semaphore(%run_scoped3A : memref<!tpu.dma_semaphore, #tpu.memory_space<semaphore_mem>>)
      %dma_wait3A = arith.constant 0 : i32
      %dma_wait3A_164 = tpu.memref_slice %arg2[%add3A_25, %dma_wait3A] : memref<10240x128xf32, #tpu.memory_space<hbm>> -> memref<80x128xf32, #tpu.memory_space<hbm>>
      %dma_wait3A_165 = arith.constant 0 : i32
      %dma_wait3A_166 = tpu.memref_slice %arg2[%add3A_25, %dma_wait3A_165] : memref<10240x128xf32, #tpu.memory_space<hbm>> -> memref<80x128xf32, #tpu.memory_space<hbm>>
      tpu.wait_dma2 semaphore(%run_scoped3A : memref<!tpu.dma_semaphore, #tpu.memory_space<semaphore_mem>>) src(%dma_wait3A_166 : memref<80x128xf32, #tpu.memory_space<hbm>>) dst(%arg9 : memref<80x128xf32, #tpu.memory_space<vmem>>)
      tpu.yield
    }) : () -> ()
    %mul3A_26 = arith.constant 640 : i32
    %mul3A_27 = arith.muli %arg1, %mul3A_26 : i32
    %add3A_28 = arith.constant 240 : i32
    %add3A_29 = arith.addi %mul3A_27, %add3A_28 : i32
    "tpu.region"() ({
      %run_scoped3A = tpu.sem_alloc : memref<!tpu.dma_semaphore, #tpu.memory_space<semaphore_mem>>
      %dma_start3A = arith.constant 0 : i32
      %dma_start3A_161 = tpu.memref_slice %arg6[%add3A_29, %dma_start3A] : memref<10240x128xf32, #tpu.memory_space<vmem_shared>> -> memref<80x128xf32, #tpu.memory_space<vmem_shared>>
      %dma_start3A_162 = arith.constant 0 : i32
      %dma_start3A_163 = tpu.memref_slice %arg6[%add3A_29, %dma_start3A_162] : memref<10240x128xf32, #tpu.memory_space<vmem_shared>> -> memref<80x128xf32, #tpu.memory_space<vmem_shared>>
      tpu.enqueue_dma source(%arg9 : memref<80x128xf32, #tpu.memory_space<vmem>>) target(%dma_start3A_163 : memref<80x128xf32, #tpu.memory_space<vmem_shared>>) target_semaphore(%run_scoped3A : memref<!tpu.dma_semaphore, #tpu.memory_space<semaphore_mem>>)
      %dma_wait3A = arith.constant 0 : i32
      %dma_wait3A_164 = tpu.memref_slice %arg6[%add3A_29, %dma_wait3A] : memref<10240x128xf32, #tpu.memory_space<vmem_shared>> -> memref<80x128xf32, #tpu.memory_space<vmem_shared>>
      %dma_wait3A_165 = arith.constant 0 : i32
      %dma_wait3A_166 = tpu.memref_slice %arg6[%add3A_29, %dma_wait3A_165] : memref<10240x128xf32, #tpu.memory_space<vmem_shared>> -> memref<80x128xf32, #tpu.memory_space<vmem_shared>>
      tpu.wait_dma2 semaphore(%run_scoped3A : memref<!tpu.dma_semaphore, #tpu.memory_space<semaphore_mem>>) src(%arg9 : memref<80x128xf32, #tpu.memory_space<vmem>>) dst(%dma_wait3A_166 : memref<80x128xf32, #tpu.memory_space<vmem_shared>>)
      tpu.yield
    }) : () -> ()
    %mul3A_30 = arith.constant 640 : i32
    %mul3A_31 = arith.muli %arg1, %mul3A_30 : i32
    %add3A_32 = arith.constant 320 : i32
    %add3A_33 = arith.addi %mul3A_31, %add3A_32 : i32
    "tpu.region"() ({
      %run_scoped3A = tpu.sem_alloc : memref<!tpu.dma_semaphore, #tpu.memory_space<semaphore_mem>>
      %dma_start3A = arith.constant 0 : i32
      %dma_start3A_161 = tpu.memref_slice %arg2[%add3A_33, %dma_start3A] : memref<10240x128xf32, #tpu.memory_space<hbm>> -> memref<80x128xf32, #tpu.memory_space<hbm>>
      %dma_start3A_162 = arith.constant 0 : i32
      %dma_start3A_163 = tpu.memref_slice %arg2[%add3A_33, %dma_start3A_162] : memref<10240x128xf32, #tpu.memory_space<hbm>> -> memref<80x128xf32, #tpu.memory_space<hbm>>
      tpu.enqueue_dma source(%dma_start3A_163 : memref<80x128xf32, #tpu.memory_space<hbm>>) target(%arg9 : memref<80x128xf32, #tpu.memory_space<vmem>>) target_semaphore(%run_scoped3A : memref<!tpu.dma_semaphore, #tpu.memory_space<semaphore_mem>>)
      %dma_wait3A = arith.constant 0 : i32
      %dma_wait3A_164 = tpu.memref_slice %arg2[%add3A_33, %dma_wait3A] : memref<10240x128xf32, #tpu.memory_space<hbm>> -> memref<80x128xf32, #tpu.memory_space<hbm>>
      %dma_wait3A_165 = arith.constant 0 : i32
      %dma_wait3A_166 = tpu.memref_slice %arg2[%add3A_33, %dma_wait3A_165] : memref<10240x128xf32, #tpu.memory_space<hbm>> -> memref<80x128xf32, #tpu.memory_space<hbm>>
      tpu.wait_dma2 semaphore(%run_scoped3A : memref<!tpu.dma_semaphore, #tpu.memory_space<semaphore_mem>>) src(%dma_wait3A_166 : memref<80x128xf32, #tpu.memory_space<hbm>>) dst(%arg9 : memref<80x128xf32, #tpu.memory_space<vmem>>)
      tpu.yield
    }) : () -> ()
    %mul3A_34 = arith.constant 640 : i32
    %mul3A_35 = arith.muli %arg1, %mul3A_34 : i32
    %add3A_36 = arith.constant 320 : i32
    %add3A_37 = arith.addi %mul3A_35, %add3A_36 : i32
    "tpu.region"() ({
      %run_scoped3A = tpu.sem_alloc : memref<!tpu.dma_semaphore, #tpu.memory_space<semaphore_mem>>
      %dma_start3A = arith.constant 0 : i32
      %dma_start3A_161 = tpu.memref_slice %arg6[%add3A_37, %dma_start3A] : memref<10240x128xf32, #tpu.memory_space<vmem_shared>> -> memref<80x128xf32, #tpu.memory_space<vmem_shared>>
      %dma_start3A_162 = arith.constant 0 : i32
      %dma_start3A_163 = tpu.memref_slice %arg6[%add3A_37, %dma_start3A_162] : memref<10240x128xf32, #tpu.memory_space<vmem_shared>> -> memref<80x128xf32, #tpu.memory_space<vmem_shared>>
      tpu.enqueue_dma source(%arg9 : memref<80x128xf32, #tpu.memory_space<vmem>>) target(%dma_start3A_163 : memref<80x128xf32, #tpu.memory_space<vmem_shared>>) target_semaphore(%run_scoped3A : memref<!tpu.dma_semaphore, #tpu.memory_space<semaphore_mem>>)
      %dma_wait3A = arith.constant 0 : i32
      %dma_wait3A_164 = tpu.memref_slice %arg6[%add3A_37, %dma_wait3A] : memref<10240x128xf32, #tpu.memory_space<vmem_shared>> -> memref<80x128xf32, #tpu.memory_space<vmem_shared>>
      %dma_wait3A_165 = arith.constant 0 : i32
      %dma_wait3A_166 = tpu.memref_slice %arg6[%add3A_37, %dma_wait3A_165] : memref<10240x128xf32, #tpu.memory_space<vmem_shared>> -> memref<80x128xf32, #tpu.memory_space<vmem_shared>>
      tpu.wait_dma2 semaphore(%run_scoped3A : memref<!tpu.dma_semaphore, #tpu.memory_space<semaphore_mem>>) src(%arg9 : memref<80x128xf32, #tpu.memory_space<vmem>>) dst(%dma_wait3A_166 : memref<80x128xf32, #tpu.memory_space<vmem_shared>>)
      tpu.yield
    }) : () -> ()
    %mul3A_38 = arith.constant 640 : i32
    %mul3A_39 = arith.muli %arg1, %mul3A_38 : i32
    %add3A_40 = arith.constant 400 : i32
    %add3A_41 = arith.addi %mul3A_39, %add3A_40 : i32
    "tpu.region"() ({
      %run_scoped3A = tpu.sem_alloc : memref<!tpu.dma_semaphore, #tpu.memory_space<semaphore_mem>>
      %dma_start3A = arith.constant 0 : i32
      %dma_start3A_161 = tpu.memref_slice %arg2[%add3A_41, %dma_start3A] : memref<10240x128xf32, #tpu.memory_space<hbm>> -> memref<80x128xf32, #tpu.memory_space<hbm>>
      %dma_start3A_162 = arith.constant 0 : i32
      %dma_start3A_163 = tpu.memref_slice %arg2[%add3A_41, %dma_start3A_162] : memref<10240x128xf32, #tpu.memory_space<hbm>> -> memref<80x128xf32, #tpu.memory_space<hbm>>
      tpu.enqueue_dma source(%dma_start3A_163 : memref<80x128xf32, #tpu.memory_space<hbm>>) target(%arg9 : memref<80x128xf32, #tpu.memory_space<vmem>>) target_semaphore(%run_scoped3A : memref<!tpu.dma_semaphore, #tpu.memory_space<semaphore_mem>>)
      %dma_wait3A = arith.constant 0 : i32
      %dma_wait3A_164 = tpu.memref_slice %arg2[%add3A_41, %dma_wait3A] : memref<10240x128xf32, #tpu.memory_space<hbm>> -> memref<80x128xf32, #tpu.memory_space<hbm>>
      %dma_wait3A_165 = arith.constant 0 : i32
      %dma_wait3A_166 = tpu.memref_slice %arg2[%add3A_41, %dma_wait3A_165] : memref<10240x128xf32, #tpu.memory_space<hbm>> -> memref<80x128xf32, #tpu.memory_space<hbm>>
      tpu.wait_dma2 semaphore(%run_scoped3A : memref<!tpu.dma_semaphore, #tpu.memory_space<semaphore_mem>>) src(%dma_wait3A_166 : memref<80x128xf32, #tpu.memory_space<hbm>>) dst(%arg9 : memref<80x128xf32, #tpu.memory_space<vmem>>)
      tpu.yield
    }) : () -> ()
    %mul3A_42 = arith.constant 640 : i32
    %mul3A_43 = arith.muli %arg1, %mul3A_42 : i32
    %add3A_44 = arith.constant 400 : i32
    %add3A_45 = arith.addi %mul3A_43, %add3A_44 : i32
    "tpu.region"() ({
      %run_scoped3A = tpu.sem_alloc : memref<!tpu.dma_semaphore, #tpu.memory_space<semaphore_mem>>
      %dma_start3A = arith.constant 0 : i32
      %dma_start3A_161 = tpu.memref_slice %arg6[%add3A_45, %dma_start3A] : memref<10240x128xf32, #tpu.memory_space<vmem_shared>> -> memref<80x128xf32, #tpu.memory_space<vmem_shared>>
      %dma_start3A_162 = arith.constant 0 : i32
      %dma_start3A_163 = tpu.memref_slice %arg6[%add3A_45, %dma_start3A_162] : memref<10240x128xf32, #tpu.memory_space<vmem_shared>> -> memref<80x128xf32, #tpu.memory_space<vmem_shared>>
      tpu.enqueue_dma source(%arg9 : memref<80x128xf32, #tpu.memory_space<vmem>>) target(%dma_start3A_163 : memref<80x128xf32, #tpu.memory_space<vmem_shared>>) target_semaphore(%run_scoped3A : memref<!tpu.dma_semaphore, #tpu.memory_space<semaphore_mem>>)
      %dma_wait3A = arith.constant 0 : i32
      %dma_wait3A_164 = tpu.memref_slice %arg6[%add3A_45, %dma_wait3A] : memref<10240x128xf32, #tpu.memory_space<vmem_shared>> -> memref<80x128xf32, #tpu.memory_space<vmem_shared>>
      %dma_wait3A_165 = arith.constant 0 : i32
      %dma_wait3A_166 = tpu.memref_slice %arg6[%add3A_45, %dma_wait3A_165] : memref<10240x128xf32, #tpu.memory_space<vmem_shared>> -> memref<80x128xf32, #tpu.memory_space<vmem_shared>>
      tpu.wait_dma2 semaphore(%run_scoped3A : memref<!tpu.dma_semaphore, #tpu.memory_space<semaphore_mem>>) src(%arg9 : memref<80x128xf32, #tpu.memory_space<vmem>>) dst(%dma_wait3A_166 : memref<80x128xf32, #tpu.memory_space<vmem_shared>>)
      tpu.yield
    }) : () -> ()
    %mul3A_46 = arith.constant 640 : i32
    %mul3A_47 = arith.muli %arg1, %mul3A_46 : i32
    %add3A_48 = arith.constant 480 : i32
    %add3A_49 = arith.addi %mul3A_47, %add3A_48 : i32
    "tpu.region"() ({
      %run_scoped3A = tpu.sem_alloc : memref<!tpu.dma_semaphore, #tpu.memory_space<semaphore_mem>>
      %dma_start3A = arith.constant 0 : i32
      %dma_start3A_161 = tpu.memref_slice %arg2[%add3A_49, %dma_start3A] : memref<10240x128xf32, #tpu.memory_space<hbm>> -> memref<80x128xf32, #tpu.memory_space<hbm>>
      %dma_start3A_162 = arith.constant 0 : i32
      %dma_start3A_163 = tpu.memref_slice %arg2[%add3A_49, %dma_start3A_162] : memref<10240x128xf32, #tpu.memory_space<hbm>> -> memref<80x128xf32, #tpu.memory_space<hbm>>
      tpu.enqueue_dma source(%dma_start3A_163 : memref<80x128xf32, #tpu.memory_space<hbm>>) target(%arg9 : memref<80x128xf32, #tpu.memory_space<vmem>>) target_semaphore(%run_scoped3A : memref<!tpu.dma_semaphore, #tpu.memory_space<semaphore_mem>>)
      %dma_wait3A = arith.constant 0 : i32
      %dma_wait3A_164 = tpu.memref_slice %arg2[%add3A_49, %dma_wait3A] : memref<10240x128xf32, #tpu.memory_space<hbm>> -> memref<80x128xf32, #tpu.memory_space<hbm>>
      %dma_wait3A_165 = arith.constant 0 : i32
      %dma_wait3A_166 = tpu.memref_slice %arg2[%add3A_49, %dma_wait3A_165] : memref<10240x128xf32, #tpu.memory_space<hbm>> -> memref<80x128xf32, #tpu.memory_space<hbm>>
      tpu.wait_dma2 semaphore(%run_scoped3A : memref<!tpu.dma_semaphore, #tpu.memory_space<semaphore_mem>>) src(%dma_wait3A_166 : memref<80x128xf32, #tpu.memory_space<hbm>>) dst(%arg9 : memref<80x128xf32, #tpu.memory_space<vmem>>)
      tpu.yield
    }) : () -> ()
    %mul3A_50 = arith.constant 640 : i32
    %mul3A_51 = arith.muli %arg1, %mul3A_50 : i32
    %add3A_52 = arith.constant 480 : i32
    %add3A_53 = arith.addi %mul3A_51, %add3A_52 : i32
    "tpu.region"() ({
      %run_scoped3A = tpu.sem_alloc : memref<!tpu.dma_semaphore, #tpu.memory_space<semaphore_mem>>
      %dma_start3A = arith.constant 0 : i32
      %dma_start3A_161 = tpu.memref_slice %arg6[%add3A_53, %dma_start3A] : memref<10240x128xf32, #tpu.memory_space<vmem_shared>> -> memref<80x128xf32, #tpu.memory_space<vmem_shared>>
      %dma_start3A_162 = arith.constant 0 : i32
      %dma_start3A_163 = tpu.memref_slice %arg6[%add3A_53, %dma_start3A_162] : memref<10240x128xf32, #tpu.memory_space<vmem_shared>> -> memref<80x128xf32, #tpu.memory_space<vmem_shared>>
      tpu.enqueue_dma source(%arg9 : memref<80x128xf32, #tpu.memory_space<vmem>>) target(%dma_start3A_163 : memref<80x128xf32, #tpu.memory_space<vmem_shared>>) target_semaphore(%run_scoped3A : memref<!tpu.dma_semaphore, #tpu.memory_space<semaphore_mem>>)
      %dma_wait3A = arith.constant 0 : i32
      %dma_wait3A_164 = tpu.memref_slice %arg6[%add3A_53, %dma_wait3A] : memref<10240x128xf32, #tpu.memory_space<vmem_shared>> -> memref<80x128xf32, #tpu.memory_space<vmem_shared>>
      %dma_wait3A_165 = arith.constant 0 : i32
      %dma_wait3A_166 = tpu.memref_slice %arg6[%add3A_53, %dma_wait3A_165] : memref<10240x128xf32, #tpu.memory_space<vmem_shared>> -> memref<80x128xf32, #tpu.memory_space<vmem_shared>>
      tpu.wait_dma2 semaphore(%run_scoped3A : memref<!tpu.dma_semaphore, #tpu.memory_space<semaphore_mem>>) src(%arg9 : memref<80x128xf32, #tpu.memory_space<vmem>>) dst(%dma_wait3A_166 : memref<80x128xf32, #tpu.memory_space<vmem_shared>>)
      tpu.yield
    }) : () -> ()
    %mul3A_54 = arith.constant 640 : i32
    %mul3A_55 = arith.muli %arg1, %mul3A_54 : i32
    %add3A_56 = arith.constant 560 : i32
    %add3A_57 = arith.addi %mul3A_55, %add3A_56 : i32
    "tpu.region"() ({
      %run_scoped3A = tpu.sem_alloc : memref<!tpu.dma_semaphore, #tpu.memory_space<semaphore_mem>>
      %dma_start3A = arith.constant 0 : i32
      %dma_start3A_161 = tpu.memref_slice %arg2[%add3A_57, %dma_start3A] : memref<10240x128xf32, #tpu.memory_space<hbm>> -> memref<80x128xf32, #tpu.memory_space<hbm>>
      %dma_start3A_162 = arith.constant 0 : i32
      %dma_start3A_163 = tpu.memref_slice %arg2[%add3A_57, %dma_start3A_162] : memref<10240x128xf32, #tpu.memory_space<hbm>> -> memref<80x128xf32, #tpu.memory_space<hbm>>
      tpu.enqueue_dma source(%dma_start3A_163 : memref<80x128xf32, #tpu.memory_space<hbm>>) target(%arg9 : memref<80x128xf32, #tpu.memory_space<vmem>>) target_semaphore(%run_scoped3A : memref<!tpu.dma_semaphore, #tpu.memory_space<semaphore_mem>>)
      %dma_wait3A = arith.constant 0 : i32
      %dma_wait3A_164 = tpu.memref_slice %arg2[%add3A_57, %dma_wait3A] : memref<10240x128xf32, #tpu.memory_space<hbm>> -> memref<80x128xf32, #tpu.memory_space<hbm>>
      %dma_wait3A_165 = arith.constant 0 : i32
      %dma_wait3A_166 = tpu.memref_slice %arg2[%add3A_57, %dma_wait3A_165] : memref<10240x128xf32, #tpu.memory_space<hbm>> -> memref<80x128xf32, #tpu.memory_space<hbm>>
      tpu.wait_dma2 semaphore(%run_scoped3A : memref<!tpu.dma_semaphore, #tpu.memory_space<semaphore_mem>>) src(%dma_wait3A_166 : memref<80x128xf32, #tpu.memory_space<hbm>>) dst(%arg9 : memref<80x128xf32, #tpu.memory_space<vmem>>)
      tpu.yield
    }) : () -> ()
    %mul3A_58 = arith.constant 640 : i32
    %mul3A_59 = arith.muli %arg1, %mul3A_58 : i32
    %add3A_60 = arith.constant 560 : i32
    %add3A_61 = arith.addi %mul3A_59, %add3A_60 : i32
    "tpu.region"() ({
      %run_scoped3A = tpu.sem_alloc : memref<!tpu.dma_semaphore, #tpu.memory_space<semaphore_mem>>
      %dma_start3A = arith.constant 0 : i32
      %dma_start3A_161 = tpu.memref_slice %arg6[%add3A_61, %dma_start3A] : memref<10240x128xf32, #tpu.memory_space<vmem_shared>> -> memref<80x128xf32, #tpu.memory_space<vmem_shared>>
      %dma_start3A_162 = arith.constant 0 : i32
      %dma_start3A_163 = tpu.memref_slice %arg6[%add3A_61, %dma_start3A_162] : memref<10240x128xf32, #tpu.memory_space<vmem_shared>> -> memref<80x128xf32, #tpu.memory_space<vmem_shared>>
      tpu.enqueue_dma source(%arg9 : memref<80x128xf32, #tpu.memory_space<vmem>>) target(%dma_start3A_163 : memref<80x128xf32, #tpu.memory_space<vmem_shared>>) target_semaphore(%run_scoped3A : memref<!tpu.dma_semaphore, #tpu.memory_space<semaphore_mem>>)
      %dma_wait3A = arith.constant 0 : i32
      %dma_wait3A_164 = tpu.memref_slice %arg6[%add3A_61, %dma_wait3A] : memref<10240x128xf32, #tpu.memory_space<vmem_shared>> -> memref<80x128xf32, #tpu.memory_space<vmem_shared>>
      %dma_wait3A_165 = arith.constant 0 : i32
      %dma_wait3A_166 = tpu.memref_slice %arg6[%add3A_61, %dma_wait3A_165] : memref<10240x128xf32, #tpu.memory_space<vmem_shared>> -> memref<80x128xf32, #tpu.memory_space<vmem_shared>>
      tpu.wait_dma2 semaphore(%run_scoped3A : memref<!tpu.dma_semaphore, #tpu.memory_space<semaphore_mem>>) src(%arg9 : memref<80x128xf32, #tpu.memory_space<vmem>>) dst(%dma_wait3A_166 : memref<80x128xf32, #tpu.memory_space<vmem_shared>>)
      tpu.yield
    }) : () -> ()
    %barrier3A = arith.constant 0 : index
    tpu.barrier barrier_id(%barrier3A)
    %mul3A_62 = arith.constant 2 : i32
    %mul3A_63 = arith.muli %arg1, %mul3A_62 : i32
    %add3A_64 = arith.addi %mul3A_63, %arg0 : i32
    %mul3A_65 = arith.constant 10000 : i32
    %mul3A_66 = arith.muli %add3A_64, %mul3A_65 : i32
    %scan3A = arith.constant 0 : i32
    %scan3A_67 = arith.constant 0 : i32
    %scan3A_68 = arith.constant 125 : i32
    %scan3A_69 = arith.addi %scan3A_67, %scan3A_68 : i32
    %scan3A_70 = arith.constant 1 : i32
    scf.for %scan3A_161 = %scan3A_67 to %scan3A_69 step %scan3A_70  : i32 {
      %mul3A_162 = arith.constant 80 : i32
      %mul3A_163 = arith.muli %scan3A_161, %mul3A_162 : i32
      %add3A_164 = arith.addi %mul3A_66, %mul3A_163 : i32
      "tpu.region"() ({
        %run_scoped3A = tpu.sem_alloc : memref<!tpu.dma_semaphore, #tpu.memory_space<semaphore_mem>>
        %dma_start3A_169 = tpu.memref_slice %arg4[%add3A_164] : memref<320000xi32, #tpu.memory_space<hbm>> -> memref<80xi32, #tpu.memory_space<hbm>>
        %dma_start3A_170 = tpu.memref_slice %arg4[%add3A_164] : memref<320000xi32, #tpu.memory_space<hbm>> -> memref<80xi32, #tpu.memory_space<hbm>>
        tpu.enqueue_dma source(%dma_start3A_170 : memref<80xi32, #tpu.memory_space<hbm>>) target(%arg8 : memref<80xi32, #tpu.memory_space<vmem>>) target_semaphore(%run_scoped3A : memref<!tpu.dma_semaphore, #tpu.memory_space<semaphore_mem>>)
        %dma_wait3A_171 = tpu.memref_slice %arg4[%add3A_164] : memref<320000xi32, #tpu.memory_space<hbm>> -> memref<80xi32, #tpu.memory_space<hbm>>
        %dma_wait3A_172 = tpu.memref_slice %arg4[%add3A_164] : memref<320000xi32, #tpu.memory_space<hbm>> -> memref<80xi32, #tpu.memory_space<hbm>>
        tpu.wait_dma2 semaphore(%run_scoped3A : memref<!tpu.dma_semaphore, #tpu.memory_space<semaphore_mem>>) src(%dma_wait3A_172 : memref<80xi32, #tpu.memory_space<hbm>>) dst(%arg8 : memref<80xi32, #tpu.memory_space<vmem>>)
        tpu.yield
      }) : () -> ()
      "tpu.region"() ({
        %run_scoped3A = tpu.sem_alloc : memref<!tpu.dma_semaphore, #tpu.memory_space<semaphore_mem>>
        %dma_start3A_169 = tpu.memref_slice %arg3[%add3A_164] : memref<320000xi32, #tpu.memory_space<hbm>> -> memref<80xi32, #tpu.memory_space<hbm>>
        %dma_start3A_170 = tpu.memref_slice %arg3[%add3A_164] : memref<320000xi32, #tpu.memory_space<hbm>> -> memref<80xi32, #tpu.memory_space<hbm>>
        tpu.enqueue_dma source(%dma_start3A_170 : memref<80xi32, #tpu.memory_space<hbm>>) target(%arg7 : memref<80xi32, #tpu.memory_space<vmem>>) target_semaphore(%run_scoped3A : memref<!tpu.dma_semaphore, #tpu.memory_space<semaphore_mem>>)
        %dma_wait3A_171 = tpu.memref_slice %arg3[%add3A_164] : memref<320000xi32, #tpu.memory_space<hbm>> -> memref<80xi32, #tpu.memory_space<hbm>>
        %dma_wait3A_172 = tpu.memref_slice %arg3[%add3A_164] : memref<320000xi32, #tpu.memory_space<hbm>> -> memref<80xi32, #tpu.memory_space<hbm>>
        tpu.wait_dma2 semaphore(%run_scoped3A : memref<!tpu.dma_semaphore, #tpu.memory_space<semaphore_mem>>) src(%dma_wait3A_172 : memref<80xi32, #tpu.memory_space<hbm>>) dst(%arg7 : memref<80xi32, #tpu.memory_space<vmem>>)
        tpu.yield
      }) : () -> ()
      %dma_start3A = arith.constant 0 : i32
      %dma_start3A_165 = arith.constant 0 : i32
      %dma_start3A_166 = tpu.memref_slice %arg2[%dma_start3A, %dma_start3A_165] : memref<10240x128xf32, #tpu.memory_space<hbm>> -> memref<10240x128xf32, #tpu.memory_space<hbm>>
      tpu.enqueue_indirect_dma source(%dma_start3A_166 : memref<10240x128xf32, #tpu.memory_space<hbm>>) target(%arg9 : memref<80x128xf32, #tpu.memory_space<vmem>>) offsets(%arg7 : memref<80xi32, #tpu.memory_space<vmem>>) semaphore(%arg10 : memref<!tpu.dma_semaphore, #tpu.memory_space<semaphore_mem>>)
      %dma_wait3A = arith.constant 0 : i32
      %dma_wait3A_167 = arith.constant 0 : i32
      %dma_wait3A_168 = tpu.memref_slice %arg2[%dma_wait3A, %dma_wait3A_167] : memref<10240x128xf32, #tpu.memory_space<hbm>> -> memref<10240x128xf32, #tpu.memory_space<hbm>>
      tpu.wait_indirect_dma semaphore(%arg10 : memref<!tpu.dma_semaphore, #tpu.memory_space<semaphore_mem>>) src(%dma_wait3A_168 : memref<10240x128xf32, #tpu.memory_space<hbm>>) dst(%arg9 : memref<80x128xf32, #tpu.memory_space<vmem>>)
      "tpu.region"() ({
        %run_scoped3A = tpu.sem_alloc : memref<!tpu.dma_semaphore, #tpu.memory_space<semaphore_mem>>
        %dma_start3A_169 = arith.constant 0 : i32
        %dma_start3A_170 = arith.constant 0 : i32
        %dma_start3A_171 = tpu.memref_slice %arg6[%dma_start3A_169, %dma_start3A_170] : memref<10240x128xf32, #tpu.memory_space<vmem_shared>> -> memref<10240x128xf32, #tpu.memory_space<vmem_shared>>
        tpu.enqueue_indirect_dma source(%arg9 : memref<80x128xf32, #tpu.memory_space<vmem>>) target(%dma_start3A_171 : memref<10240x128xf32, #tpu.memory_space<vmem_shared>>) offsets(%arg8 : memref<80xi32, #tpu.memory_space<vmem>>) semaphore(%run_scoped3A : memref<!tpu.dma_semaphore, #tpu.memory_space<semaphore_mem>>) {add = true}
        %dma_wait3A_172 = arith.constant 0 : i32
        %dma_wait3A_173 = arith.constant 0 : i32
        %dma_wait3A_174 = tpu.memref_slice %arg6[%dma_wait3A_172, %dma_wait3A_173] : memref<10240x128xf32, #tpu.memory_space<vmem_shared>> -> memref<10240x128xf32, #tpu.memory_space<vmem_shared>>
        tpu.wait_indirect_dma semaphore(%run_scoped3A : memref<!tpu.dma_semaphore, #tpu.memory_space<semaphore_mem>>) src(%arg9 : memref<80x128xf32, #tpu.memory_space<vmem>>) dst(%dma_wait3A_174 : memref<10240x128xf32, #tpu.memory_space<vmem_shared>>)
        tpu.yield
      }) : () -> ()
    }
    %scan3A_71 = arith.constant 125 : i32
    %barrier3A_72 = arith.constant 0 : index
    tpu.barrier barrier_id(%barrier3A_72)
    %mul3A_73 = arith.constant 640 : i32
    %mul3A_74 = arith.muli %arg1, %mul3A_73 : i32
    %add3A_75 = arith.constant 0 : i32
    %add3A_76 = arith.addi %mul3A_74, %add3A_75 : i32
    "tpu.region"() ({
      %run_scoped3A = tpu.sem_alloc : memref<!tpu.dma_semaphore, #tpu.memory_space<semaphore_mem>>
      %dma_start3A = arith.constant 0 : i32
      %dma_start3A_161 = tpu.memref_slice %arg6[%add3A_76, %dma_start3A] : memref<10240x128xf32, #tpu.memory_space<vmem_shared>> -> memref<80x128xf32, #tpu.memory_space<vmem_shared>>
      %dma_start3A_162 = arith.constant 0 : i32
      %dma_start3A_163 = tpu.memref_slice %arg6[%add3A_76, %dma_start3A_162] : memref<10240x128xf32, #tpu.memory_space<vmem_shared>> -> memref<80x128xf32, #tpu.memory_space<vmem_shared>>
      tpu.enqueue_dma source(%dma_start3A_163 : memref<80x128xf32, #tpu.memory_space<vmem_shared>>) target(%arg9 : memref<80x128xf32, #tpu.memory_space<vmem>>) target_semaphore(%run_scoped3A : memref<!tpu.dma_semaphore, #tpu.memory_space<semaphore_mem>>)
      %dma_wait3A = arith.constant 0 : i32
      %dma_wait3A_164 = tpu.memref_slice %arg6[%add3A_76, %dma_wait3A] : memref<10240x128xf32, #tpu.memory_space<vmem_shared>> -> memref<80x128xf32, #tpu.memory_space<vmem_shared>>
      %dma_wait3A_165 = arith.constant 0 : i32
      %dma_wait3A_166 = tpu.memref_slice %arg6[%add3A_76, %dma_wait3A_165] : memref<10240x128xf32, #tpu.memory_space<vmem_shared>> -> memref<80x128xf32, #tpu.memory_space<vmem_shared>>
      tpu.wait_dma2 semaphore(%run_scoped3A : memref<!tpu.dma_semaphore, #tpu.memory_space<semaphore_mem>>) src(%dma_wait3A_166 : memref<80x128xf32, #tpu.memory_space<vmem_shared>>) dst(%arg9 : memref<80x128xf32, #tpu.memory_space<vmem>>)
      tpu.yield
    }) : () -> ()
    %mul3A_77 = arith.constant 10240 : i32
    %mul3A_78 = arith.muli %arg0, %mul3A_77 : i32
    %mul3A_79 = arith.constant 640 : i32
    %mul3A_80 = arith.muli %arg1, %mul3A_79 : i32
    %add3A_81 = arith.addi %mul3A_78, %mul3A_80 : i32
    %add3A_82 = arith.constant 0 : i32
    %add3A_83 = arith.addi %add3A_81, %add3A_82 : i32
    "tpu.region"() ({
      %run_scoped3A = tpu.sem_alloc : memref<!tpu.dma_semaphore, #tpu.memory_space<semaphore_mem>>
      %dma_start3A = arith.constant 0 : i32
      %dma_start3A_161 = tpu.memref_slice %arg5[%add3A_83, %dma_start3A] : memref<20480x128xf32, #tpu.memory_space<hbm>> -> memref<80x128xf32, #tpu.memory_space<hbm>>
      %dma_start3A_162 = arith.constant 0 : i32
      %dma_start3A_163 = tpu.memref_slice %arg5[%add3A_83, %dma_start3A_162] : memref<20480x128xf32, #tpu.memory_space<hbm>> -> memref<80x128xf32, #tpu.memory_space<hbm>>
      tpu.enqueue_dma source(%arg9 : memref<80x128xf32, #tpu.memory_space<vmem>>) target(%dma_start3A_163 : memref<80x128xf32, #tpu.memory_space<hbm>>) target_semaphore(%run_scoped3A : memref<!tpu.dma_semaphore, #tpu.memory_space<semaphore_mem>>)
      %dma_wait3A = arith.constant 0 : i32
      %dma_wait3A_164 = tpu.memref_slice %arg5[%add3A_83, %dma_wait3A] : memref<20480x128xf32, #tpu.memory_space<hbm>> -> memref<80x128xf32, #tpu.memory_space<hbm>>
      %dma_wait3A_165 = arith.constant 0 : i32
      %dma_wait3A_166 = tpu.memref_slice %arg5[%add3A_83, %dma_wait3A_165] : memref<20480x128xf32, #tpu.memory_space<hbm>> -> memref<80x128xf32, #tpu.memory_space<hbm>>
      tpu.wait_dma2 semaphore(%run_scoped3A : memref<!tpu.dma_semaphore, #tpu.memory_space<semaphore_mem>>) src(%arg9 : memref<80x128xf32, #tpu.memory_space<vmem>>) dst(%dma_wait3A_166 : memref<80x128xf32, #tpu.memory_space<hbm>>)
      tpu.yield
    }) : () -> ()
    %mul3A_84 = arith.constant 640 : i32
    %mul3A_85 = arith.muli %arg1, %mul3A_84 : i32
    %add3A_86 = arith.constant 80 : i32
    %add3A_87 = arith.addi %mul3A_85, %add3A_86 : i32
    "tpu.region"() ({
      %run_scoped3A = tpu.sem_alloc : memref<!tpu.dma_semaphore, #tpu.memory_space<semaphore_mem>>
      %dma_start3A = arith.constant 0 : i32
      %dma_start3A_161 = tpu.memref_slice %arg6[%add3A_87, %dma_start3A] : memref<10240x128xf32, #tpu.memory_space<vmem_shared>> -> memref<80x128xf32, #tpu.memory_space<vmem_shared>>
      %dma_start3A_162 = arith.constant 0 : i32
      %dma_start3A_163 = tpu.memref_slice %arg6[%add3A_87, %dma_start3A_162] : memref<10240x128xf32, #tpu.memory_space<vmem_shared>> -> memref<80x128xf32, #tpu.memory_space<vmem_shared>>
      tpu.enqueue_dma source(%dma_start3A_163 : memref<80x128xf32, #tpu.memory_space<vmem_shared>>) target(%arg9 : memref<80x128xf32, #tpu.memory_space<vmem>>) target_semaphore(%run_scoped3A : memref<!tpu.dma_semaphore, #tpu.memory_space<semaphore_mem>>)
      %dma_wait3A = arith.constant 0 : i32
      %dma_wait3A_164 = tpu.memref_slice %arg6[%add3A_87, %dma_wait3A] : memref<10240x128xf32, #tpu.memory_space<vmem_shared>> -> memref<80x128xf32, #tpu.memory_space<vmem_shared>>
      %dma_wait3A_165 = arith.constant 0 : i32
      %dma_wait3A_166 = tpu.memref_slice %arg6[%add3A_87, %dma_wait3A_165] : memref<10240x128xf32, #tpu.memory_space<vmem_shared>> -> memref<80x128xf32, #tpu.memory_space<vmem_shared>>
      tpu.wait_dma2 semaphore(%run_scoped3A : memref<!tpu.dma_semaphore, #tpu.memory_space<semaphore_mem>>) src(%dma_wait3A_166 : memref<80x128xf32, #tpu.memory_space<vmem_shared>>) dst(%arg9 : memref<80x128xf32, #tpu.memory_space<vmem>>)
      tpu.yield
    }) : () -> ()
    %mul3A_88 = arith.constant 10240 : i32
    %mul3A_89 = arith.muli %arg0, %mul3A_88 : i32
    %mul3A_90 = arith.constant 640 : i32
    %mul3A_91 = arith.muli %arg1, %mul3A_90 : i32
    %add3A_92 = arith.addi %mul3A_89, %mul3A_91 : i32
    %add3A_93 = arith.constant 80 : i32
    %add3A_94 = arith.addi %add3A_92, %add3A_93 : i32
    "tpu.region"() ({
      %run_scoped3A = tpu.sem_alloc : memref<!tpu.dma_semaphore, #tpu.memory_space<semaphore_mem>>
      %dma_start3A = arith.constant 0 : i32
      %dma_start3A_161 = tpu.memref_slice %arg5[%add3A_94, %dma_start3A] : memref<20480x128xf32, #tpu.memory_space<hbm>> -> memref<80x128xf32, #tpu.memory_space<hbm>>
      %dma_start3A_162 = arith.constant 0 : i32
      %dma_start3A_163 = tpu.memref_slice %arg5[%add3A_94, %dma_start3A_162] : memref<20480x128xf32, #tpu.memory_space<hbm>> -> memref<80x128xf32, #tpu.memory_space<hbm>>
      tpu.enqueue_dma source(%arg9 : memref<80x128xf32, #tpu.memory_space<vmem>>) target(%dma_start3A_163 : memref<80x128xf32, #tpu.memory_space<hbm>>) target_semaphore(%run_scoped3A : memref<!tpu.dma_semaphore, #tpu.memory_space<semaphore_mem>>)
      %dma_wait3A = arith.constant 0 : i32
      %dma_wait3A_164 = tpu.memref_slice %arg5[%add3A_94, %dma_wait3A] : memref<20480x128xf32, #tpu.memory_space<hbm>> -> memref<80x128xf32, #tpu.memory_space<hbm>>
      %dma_wait3A_165 = arith.constant 0 : i32
      %dma_wait3A_166 = tpu.memref_slice %arg5[%add3A_94, %dma_wait3A_165] : memref<20480x128xf32, #tpu.memory_space<hbm>> -> memref<80x128xf32, #tpu.memory_space<hbm>>
      tpu.wait_dma2 semaphore(%run_scoped3A : memref<!tpu.dma_semaphore, #tpu.memory_space<semaphore_mem>>) src(%arg9 : memref<80x128xf32, #tpu.memory_space<vmem>>) dst(%dma_wait3A_166 : memref<80x128xf32, #tpu.memory_space<hbm>>)
      tpu.yield
    }) : () -> ()
    %mul3A_95 = arith.constant 640 : i32
    %mul3A_96 = arith.muli %arg1, %mul3A_95 : i32
    %add3A_97 = arith.constant 160 : i32
    %add3A_98 = arith.addi %mul3A_96, %add3A_97 : i32
    "tpu.region"() ({
      %run_scoped3A = tpu.sem_alloc : memref<!tpu.dma_semaphore, #tpu.memory_space<semaphore_mem>>
      %dma_start3A = arith.constant 0 : i32
      %dma_start3A_161 = tpu.memref_slice %arg6[%add3A_98, %dma_start3A] : memref<10240x128xf32, #tpu.memory_space<vmem_shared>> -> memref<80x128xf32, #tpu.memory_space<vmem_shared>>
      %dma_start3A_162 = arith.constant 0 : i32
      %dma_start3A_163 = tpu.memref_slice %arg6[%add3A_98, %dma_start3A_162] : memref<10240x128xf32, #tpu.memory_space<vmem_shared>> -> memref<80x128xf32, #tpu.memory_space<vmem_shared>>
      tpu.enqueue_dma source(%dma_start3A_163 : memref<80x128xf32, #tpu.memory_space<vmem_shared>>) target(%arg9 : memref<80x128xf32, #tpu.memory_space<vmem>>) target_semaphore(%run_scoped3A : memref<!tpu.dma_semaphore, #tpu.memory_space<semaphore_mem>>)
      %dma_wait3A = arith.constant 0 : i32
      %dma_wait3A_164 = tpu.memref_slice %arg6[%add3A_98, %dma_wait3A] : memref<10240x128xf32, #tpu.memory_space<vmem_shared>> -> memref<80x128xf32, #tpu.memory_space<vmem_shared>>
      %dma_wait3A_165 = arith.constant 0 : i32
      %dma_wait3A_166 = tpu.memref_slice %arg6[%add3A_98, %dma_wait3A_165] : memref<10240x128xf32, #tpu.memory_space<vmem_shared>> -> memref<80x128xf32, #tpu.memory_space<vmem_shared>>
      tpu.wait_dma2 semaphore(%run_scoped3A : memref<!tpu.dma_semaphore, #tpu.memory_space<semaphore_mem>>) src(%dma_wait3A_166 : memref<80x128xf32, #tpu.memory_space<vmem_shared>>) dst(%arg9 : memref<80x128xf32, #tpu.memory_space<vmem>>)
      tpu.yield
    }) : () -> ()
    %mul3A_99 = arith.constant 10240 : i32
    %mul3A_100 = arith.muli %arg0, %mul3A_99 : i32
    %mul3A_101 = arith.constant 640 : i32
    %mul3A_102 = arith.muli %arg1, %mul3A_101 : i32
    %add3A_103 = arith.addi %mul3A_100, %mul3A_102 : i32
    %add3A_104 = arith.constant 160 : i32
    %add3A_105 = arith.addi %add3A_103, %add3A_104 : i32
    "tpu.region"() ({
      %run_scoped3A = tpu.sem_alloc : memref<!tpu.dma_semaphore, #tpu.memory_space<semaphore_mem>>
      %dma_start3A = arith.constant 0 : i32
      %dma_start3A_161 = tpu.memref_slice %arg5[%add3A_105, %dma_start3A] : memref<20480x128xf32, #tpu.memory_space<hbm>> -> memref<80x128xf32, #tpu.memory_space<hbm>>
      %dma_start3A_162 = arith.constant 0 : i32
      %dma_start3A_163 = tpu.memref_slice %arg5[%add3A_105, %dma_start3A_162] : memref<20480x128xf32, #tpu.memory_space<hbm>> -> memref<80x128xf32, #tpu.memory_space<hbm>>
      tpu.enqueue_dma source(%arg9 : memref<80x128xf32, #tpu.memory_space<vmem>>) target(%dma_start3A_163 : memref<80x128xf32, #tpu.memory_space<hbm>>) target_semaphore(%run_scoped3A : memref<!tpu.dma_semaphore, #tpu.memory_space<semaphore_mem>>)
      %dma_wait3A = arith.constant 0 : i32
      %dma_wait3A_164 = tpu.memref_slice %arg5[%add3A_105, %dma_wait3A] : memref<20480x128xf32, #tpu.memory_space<hbm>> -> memref<80x128xf32, #tpu.memory_space<hbm>>
      %dma_wait3A_165 = arith.constant 0 : i32
      %dma_wait3A_166 = tpu.memref_slice %arg5[%add3A_105, %dma_wait3A_165] : memref<20480x128xf32, #tpu.memory_space<hbm>> -> memref<80x128xf32, #tpu.memory_space<hbm>>
      tpu.wait_dma2 semaphore(%run_scoped3A : memref<!tpu.dma_semaphore, #tpu.memory_space<semaphore_mem>>) src(%arg9 : memref<80x128xf32, #tpu.memory_space<vmem>>) dst(%dma_wait3A_166 : memref<80x128xf32, #tpu.memory_space<hbm>>)
      tpu.yield
    }) : () -> ()
    %mul3A_106 = arith.constant 640 : i32
    %mul3A_107 = arith.muli %arg1, %mul3A_106 : i32
    %add3A_108 = arith.constant 240 : i32
    %add3A_109 = arith.addi %mul3A_107, %add3A_108 : i32
    "tpu.region"() ({
      %run_scoped3A = tpu.sem_alloc : memref<!tpu.dma_semaphore, #tpu.memory_space<semaphore_mem>>
      %dma_start3A = arith.constant 0 : i32
      %dma_start3A_161 = tpu.memref_slice %arg6[%add3A_109, %dma_start3A] : memref<10240x128xf32, #tpu.memory_space<vmem_shared>> -> memref<80x128xf32, #tpu.memory_space<vmem_shared>>
      %dma_start3A_162 = arith.constant 0 : i32
      %dma_start3A_163 = tpu.memref_slice %arg6[%add3A_109, %dma_start3A_162] : memref<10240x128xf32, #tpu.memory_space<vmem_shared>> -> memref<80x128xf32, #tpu.memory_space<vmem_shared>>
      tpu.enqueue_dma source(%dma_start3A_163 : memref<80x128xf32, #tpu.memory_space<vmem_shared>>) target(%arg9 : memref<80x128xf32, #tpu.memory_space<vmem>>) target_semaphore(%run_scoped3A : memref<!tpu.dma_semaphore, #tpu.memory_space<semaphore_mem>>)
      %dma_wait3A = arith.constant 0 : i32
      %dma_wait3A_164 = tpu.memref_slice %arg6[%add3A_109, %dma_wait3A] : memref<10240x128xf32, #tpu.memory_space<vmem_shared>> -> memref<80x128xf32, #tpu.memory_space<vmem_shared>>
      %dma_wait3A_165 = arith.constant 0 : i32
      %dma_wait3A_166 = tpu.memref_slice %arg6[%add3A_109, %dma_wait3A_165] : memref<10240x128xf32, #tpu.memory_space<vmem_shared>> -> memref<80x128xf32, #tpu.memory_space<vmem_shared>>
      tpu.wait_dma2 semaphore(%run_scoped3A : memref<!tpu.dma_semaphore, #tpu.memory_space<semaphore_mem>>) src(%dma_wait3A_166 : memref<80x128xf32, #tpu.memory_space<vmem_shared>>) dst(%arg9 : memref<80x128xf32, #tpu.memory_space<vmem>>)
      tpu.yield
    }) : () -> ()
    %mul3A_110 = arith.constant 10240 : i32
    %mul3A_111 = arith.muli %arg0, %mul3A_110 : i32
    %mul3A_112 = arith.constant 640 : i32
    %mul3A_113 = arith.muli %arg1, %mul3A_112 : i32
    %add3A_114 = arith.addi %mul3A_111, %mul3A_113 : i32
    %add3A_115 = arith.constant 240 : i32
    %add3A_116 = arith.addi %add3A_114, %add3A_115 : i32
    "tpu.region"() ({
      %run_scoped3A = tpu.sem_alloc : memref<!tpu.dma_semaphore, #tpu.memory_space<semaphore_mem>>
      %dma_start3A = arith.constant 0 : i32
      %dma_start3A_161 = tpu.memref_slice %arg5[%add3A_116, %dma_start3A] : memref<20480x128xf32, #tpu.memory_space<hbm>> -> memref<80x128xf32, #tpu.memory_space<hbm>>
      %dma_start3A_162 = arith.constant 0 : i32
      %dma_start3A_163 = tpu.memref_slice %arg5[%add3A_116, %dma_start3A_162] : memref<20480x128xf32, #tpu.memory_space<hbm>> -> memref<80x128xf32, #tpu.memory_space<hbm>>
      tpu.enqueue_dma source(%arg9 : memref<80x128xf32, #tpu.memory_space<vmem>>) target(%dma_start3A_163 : memref<80x128xf32, #tpu.memory_space<hbm>>) target_semaphore(%run_scoped3A : memref<!tpu.dma_semaphore, #tpu.memory_space<semaphore_mem>>)
      %dma_wait3A = arith.constant 0 : i32
      %dma_wait3A_164 = tpu.memref_slice %arg5[%add3A_116, %dma_wait3A] : memref<20480x128xf32, #tpu.memory_space<hbm>> -> memref<80x128xf32, #tpu.memory_space<hbm>>
      %dma_wait3A_165 = arith.constant 0 : i32
      %dma_wait3A_166 = tpu.memref_slice %arg5[%add3A_116, %dma_wait3A_165] : memref<20480x128xf32, #tpu.memory_space<hbm>> -> memref<80x128xf32, #tpu.memory_space<hbm>>
      tpu.wait_dma2 semaphore(%run_scoped3A : memref<!tpu.dma_semaphore, #tpu.memory_space<semaphore_mem>>) src(%arg9 : memref<80x128xf32, #tpu.memory_space<vmem>>) dst(%dma_wait3A_166 : memref<80x128xf32, #tpu.memory_space<hbm>>)
      tpu.yield
    }) : () -> ()
    %mul3A_117 = arith.constant 640 : i32
    %mul3A_118 = arith.muli %arg1, %mul3A_117 : i32
    %add3A_119 = arith.constant 320 : i32
    %add3A_120 = arith.addi %mul3A_118, %add3A_119 : i32
    "tpu.region"() ({
      %run_scoped3A = tpu.sem_alloc : memref<!tpu.dma_semaphore, #tpu.memory_space<semaphore_mem>>
      %dma_start3A = arith.constant 0 : i32
      %dma_start3A_161 = tpu.memref_slice %arg6[%add3A_120, %dma_start3A] : memref<10240x128xf32, #tpu.memory_space<vmem_shared>> -> memref<80x128xf32, #tpu.memory_space<vmem_shared>>
      %dma_start3A_162 = arith.constant 0 : i32
      %dma_start3A_163 = tpu.memref_slice %arg6[%add3A_120, %dma_start3A_162] : memref<10240x128xf32, #tpu.memory_space<vmem_shared>> -> memref<80x128xf32, #tpu.memory_space<vmem_shared>>
      tpu.enqueue_dma source(%dma_start3A_163 : memref<80x128xf32, #tpu.memory_space<vmem_shared>>) target(%arg9 : memref<80x128xf32, #tpu.memory_space<vmem>>) target_semaphore(%run_scoped3A : memref<!tpu.dma_semaphore, #tpu.memory_space<semaphore_mem>>)
      %dma_wait3A = arith.constant 0 : i32
      %dma_wait3A_164 = tpu.memref_slice %arg6[%add3A_120, %dma_wait3A] : memref<10240x128xf32, #tpu.memory_space<vmem_shared>> -> memref<80x128xf32, #tpu.memory_space<vmem_shared>>
      %dma_wait3A_165 = arith.constant 0 : i32
      %dma_wait3A_166 = tpu.memref_slice %arg6[%add3A_120, %dma_wait3A_165] : memref<10240x128xf32, #tpu.memory_space<vmem_shared>> -> memref<80x128xf32, #tpu.memory_space<vmem_shared>>
      tpu.wait_dma2 semaphore(%run_scoped3A : memref<!tpu.dma_semaphore, #tpu.memory_space<semaphore_mem>>) src(%dma_wait3A_166 : memref<80x128xf32, #tpu.memory_space<vmem_shared>>) dst(%arg9 : memref<80x128xf32, #tpu.memory_space<vmem>>)
      tpu.yield
    }) : () -> ()
    %mul3A_121 = arith.constant 10240 : i32
    %mul3A_122 = arith.muli %arg0, %mul3A_121 : i32
    %mul3A_123 = arith.constant 640 : i32
    %mul3A_124 = arith.muli %arg1, %mul3A_123 : i32
    %add3A_125 = arith.addi %mul3A_122, %mul3A_124 : i32
    %add3A_126 = arith.constant 320 : i32
    %add3A_127 = arith.addi %add3A_125, %add3A_126 : i32
    "tpu.region"() ({
      %run_scoped3A = tpu.sem_alloc : memref<!tpu.dma_semaphore, #tpu.memory_space<semaphore_mem>>
      %dma_start3A = arith.constant 0 : i32
      %dma_start3A_161 = tpu.memref_slice %arg5[%add3A_127, %dma_start3A] : memref<20480x128xf32, #tpu.memory_space<hbm>> -> memref<80x128xf32, #tpu.memory_space<hbm>>
      %dma_start3A_162 = arith.constant 0 : i32
      %dma_start3A_163 = tpu.memref_slice %arg5[%add3A_127, %dma_start3A_162] : memref<20480x128xf32, #tpu.memory_space<hbm>> -> memref<80x128xf32, #tpu.memory_space<hbm>>
      tpu.enqueue_dma source(%arg9 : memref<80x128xf32, #tpu.memory_space<vmem>>) target(%dma_start3A_163 : memref<80x128xf32, #tpu.memory_space<hbm>>) target_semaphore(%run_scoped3A : memref<!tpu.dma_semaphore, #tpu.memory_space<semaphore_mem>>)
      %dma_wait3A = arith.constant 0 : i32
      %dma_wait3A_164 = tpu.memref_slice %arg5[%add3A_127, %dma_wait3A] : memref<20480x128xf32, #tpu.memory_space<hbm>> -> memref<80x128xf32, #tpu.memory_space<hbm>>
      %dma_wait3A_165 = arith.constant 0 : i32
      %dma_wait3A_166 = tpu.memref_slice %arg5[%add3A_127, %dma_wait3A_165] : memref<20480x128xf32, #tpu.memory_space<hbm>> -> memref<80x128xf32, #tpu.memory_space<hbm>>
      tpu.wait_dma2 semaphore(%run_scoped3A : memref<!tpu.dma_semaphore, #tpu.memory_space<semaphore_mem>>) src(%arg9 : memref<80x128xf32, #tpu.memory_space<vmem>>) dst(%dma_wait3A_166 : memref<80x128xf32, #tpu.memory_space<hbm>>)
      tpu.yield
    }) : () -> ()
    %mul3A_128 = arith.constant 640 : i32
    %mul3A_129 = arith.muli %arg1, %mul3A_128 : i32
    %add3A_130 = arith.constant 400 : i32
    %add3A_131 = arith.addi %mul3A_129, %add3A_130 : i32
    "tpu.region"() ({
      %run_scoped3A = tpu.sem_alloc : memref<!tpu.dma_semaphore, #tpu.memory_space<semaphore_mem>>
      %dma_start3A = arith.constant 0 : i32
      %dma_start3A_161 = tpu.memref_slice %arg6[%add3A_131, %dma_start3A] : memref<10240x128xf32, #tpu.memory_space<vmem_shared>> -> memref<80x128xf32, #tpu.memory_space<vmem_shared>>
      %dma_start3A_162 = arith.constant 0 : i32
      %dma_start3A_163 = tpu.memref_slice %arg6[%add3A_131, %dma_start3A_162] : memref<10240x128xf32, #tpu.memory_space<vmem_shared>> -> memref<80x128xf32, #tpu.memory_space<vmem_shared>>
      tpu.enqueue_dma source(%dma_start3A_163 : memref<80x128xf32, #tpu.memory_space<vmem_shared>>) target(%arg9 : memref<80x128xf32, #tpu.memory_space<vmem>>) target_semaphore(%run_scoped3A : memref<!tpu.dma_semaphore, #tpu.memory_space<semaphore_mem>>)
      %dma_wait3A = arith.constant 0 : i32
      %dma_wait3A_164 = tpu.memref_slice %arg6[%add3A_131, %dma_wait3A] : memref<10240x128xf32, #tpu.memory_space<vmem_shared>> -> memref<80x128xf32, #tpu.memory_space<vmem_shared>>
      %dma_wait3A_165 = arith.constant 0 : i32
      %dma_wait3A_166 = tpu.memref_slice %arg6[%add3A_131, %dma_wait3A_165] : memref<10240x128xf32, #tpu.memory_space<vmem_shared>> -> memref<80x128xf32, #tpu.memory_space<vmem_shared>>
      tpu.wait_dma2 semaphore(%run_scoped3A : memref<!tpu.dma_semaphore, #tpu.memory_space<semaphore_mem>>) src(%dma_wait3A_166 : memref<80x128xf32, #tpu.memory_space<vmem_shared>>) dst(%arg9 : memref<80x128xf32, #tpu.memory_space<vmem>>)
      tpu.yield
    }) : () -> ()
    %mul3A_132 = arith.constant 10240 : i32
    %mul3A_133 = arith.muli %arg0, %mul3A_132 : i32
    %mul3A_134 = arith.constant 640 : i32
    %mul3A_135 = arith.muli %arg1, %mul3A_134 : i32
    %add3A_136 = arith.addi %mul3A_133, %mul3A_135 : i32
    %add3A_137 = arith.constant 400 : i32
    %add3A_138 = arith.addi %add3A_136, %add3A_137 : i32
    "tpu.region"() ({
      %run_scoped3A = tpu.sem_alloc : memref<!tpu.dma_semaphore, #tpu.memory_space<semaphore_mem>>
      %dma_start3A = arith.constant 0 : i32
      %dma_start3A_161 = tpu.memref_slice %arg5[%add3A_138, %dma_start3A] : memref<20480x128xf32, #tpu.memory_space<hbm>> -> memref<80x128xf32, #tpu.memory_space<hbm>>
      %dma_start3A_162 = arith.constant 0 : i32
      %dma_start3A_163 = tpu.memref_slice %arg5[%add3A_138, %dma_start3A_162] : memref<20480x128xf32, #tpu.memory_space<hbm>> -> memref<80x128xf32, #tpu.memory_space<hbm>>
      tpu.enqueue_dma source(%arg9 : memref<80x128xf32, #tpu.memory_space<vmem>>) target(%dma_start3A_163 : memref<80x128xf32, #tpu.memory_space<hbm>>) target_semaphore(%run_scoped3A : memref<!tpu.dma_semaphore, #tpu.memory_space<semaphore_mem>>)
      %dma_wait3A = arith.constant 0 : i32
      %dma_wait3A_164 = tpu.memref_slice %arg5[%add3A_138, %dma_wait3A] : memref<20480x128xf32, #tpu.memory_space<hbm>> -> memref<80x128xf32, #tpu.memory_space<hbm>>
      %dma_wait3A_165 = arith.constant 0 : i32
      %dma_wait3A_166 = tpu.memref_slice %arg5[%add3A_138, %dma_wait3A_165] : memref<20480x128xf32, #tpu.memory_space<hbm>> -> memref<80x128xf32, #tpu.memory_space<hbm>>
      tpu.wait_dma2 semaphore(%run_scoped3A : memref<!tpu.dma_semaphore, #tpu.memory_space<semaphore_mem>>) src(%arg9 : memref<80x128xf32, #tpu.memory_space<vmem>>) dst(%dma_wait3A_166 : memref<80x128xf32, #tpu.memory_space<hbm>>)
      tpu.yield
    }) : () -> ()
    %mul3A_139 = arith.constant 640 : i32
    %mul3A_140 = arith.muli %arg1, %mul3A_139 : i32
    %add3A_141 = arith.constant 480 : i32
    %add3A_142 = arith.addi %mul3A_140, %add3A_141 : i32
    "tpu.region"() ({
      %run_scoped3A = tpu.sem_alloc : memref<!tpu.dma_semaphore, #tpu.memory_space<semaphore_mem>>
      %dma_start3A = arith.constant 0 : i32
      %dma_start3A_161 = tpu.memref_slice %arg6[%add3A_142, %dma_start3A] : memref<10240x128xf32, #tpu.memory_space<vmem_shared>> -> memref<80x128xf32, #tpu.memory_space<vmem_shared>>
      %dma_start3A_162 = arith.constant 0 : i32
      %dma_start3A_163 = tpu.memref_slice %arg6[%add3A_142, %dma_start3A_162] : memref<10240x128xf32, #tpu.memory_space<vmem_shared>> -> memref<80x128xf32, #tpu.memory_space<vmem_shared>>
      tpu.enqueue_dma source(%dma_start3A_163 : memref<80x128xf32, #tpu.memory_space<vmem_shared>>) target(%arg9 : memref<80x128xf32, #tpu.memory_space<vmem>>) target_semaphore(%run_scoped3A : memref<!tpu.dma_semaphore, #tpu.memory_space<semaphore_mem>>)
      %dma_wait3A = arith.constant 0 : i32
      %dma_wait3A_164 = tpu.memref_slice %arg6[%add3A_142, %dma_wait3A] : memref<10240x128xf32, #tpu.memory_space<vmem_shared>> -> memref<80x128xf32, #tpu.memory_space<vmem_shared>>
      %dma_wait3A_165 = arith.constant 0 : i32
      %dma_wait3A_166 = tpu.memref_slice %arg6[%add3A_142, %dma_wait3A_165] : memref<10240x128xf32, #tpu.memory_space<vmem_shared>> -> memref<80x128xf32, #tpu.memory_space<vmem_shared>>
      tpu.wait_dma2 semaphore(%run_scoped3A : memref<!tpu.dma_semaphore, #tpu.memory_space<semaphore_mem>>) src(%dma_wait3A_166 : memref<80x128xf32, #tpu.memory_space<vmem_shared>>) dst(%arg9 : memref<80x128xf32, #tpu.memory_space<vmem>>)
      tpu.yield
    }) : () -> ()
    %mul3A_143 = arith.constant 10240 : i32
    %mul3A_144 = arith.muli %arg0, %mul3A_143 : i32
    %mul3A_145 = arith.constant 640 : i32
    %mul3A_146 = arith.muli %arg1, %mul3A_145 : i32
    %add3A_147 = arith.addi %mul3A_144, %mul3A_146 : i32
    %add3A_148 = arith.constant 480 : i32
    %add3A_149 = arith.addi %add3A_147, %add3A_148 : i32
    "tpu.region"() ({
      %run_scoped3A = tpu.sem_alloc : memref<!tpu.dma_semaphore, #tpu.memory_space<semaphore_mem>>
      %dma_start3A = arith.constant 0 : i32
      %dma_start3A_161 = tpu.memref_slice %arg5[%add3A_149, %dma_start3A] : memref<20480x128xf32, #tpu.memory_space<hbm>> -> memref<80x128xf32, #tpu.memory_space<hbm>>
      %dma_start3A_162 = arith.constant 0 : i32
      %dma_start3A_163 = tpu.memref_slice %arg5[%add3A_149, %dma_start3A_162] : memref<20480x128xf32, #tpu.memory_space<hbm>> -> memref<80x128xf32, #tpu.memory_space<hbm>>
      tpu.enqueue_dma source(%arg9 : memref<80x128xf32, #tpu.memory_space<vmem>>) target(%dma_start3A_163 : memref<80x128xf32, #tpu.memory_space<hbm>>) target_semaphore(%run_scoped3A : memref<!tpu.dma_semaphore, #tpu.memory_space<semaphore_mem>>)
      %dma_wait3A = arith.constant 0 : i32
      %dma_wait3A_164 = tpu.memref_slice %arg5[%add3A_149, %dma_wait3A] : memref<20480x128xf32, #tpu.memory_space<hbm>> -> memref<80x128xf32, #tpu.memory_space<hbm>>
      %dma_wait3A_165 = arith.constant 0 : i32
      %dma_wait3A_166 = tpu.memref_slice %arg5[%add3A_149, %dma_wait3A_165] : memref<20480x128xf32, #tpu.memory_space<hbm>> -> memref<80x128xf32, #tpu.memory_space<hbm>>
      tpu.wait_dma2 semaphore(%run_scoped3A : memref<!tpu.dma_semaphore, #tpu.memory_space<semaphore_mem>>) src(%arg9 : memref<80x128xf32, #tpu.memory_space<vmem>>) dst(%dma_wait3A_166 : memref<80x128xf32, #tpu.memory_space<hbm>>)
      tpu.yield
    }) : () -> ()
    %mul3A_150 = arith.constant 640 : i32
    %mul3A_151 = arith.muli %arg1, %mul3A_150 : i32
    %add3A_152 = arith.constant 560 : i32
    %add3A_153 = arith.addi %mul3A_151, %add3A_152 : i32
    "tpu.region"() ({
      %run_scoped3A = tpu.sem_alloc : memref<!tpu.dma_semaphore, #tpu.memory_space<semaphore_mem>>
      %dma_start3A = arith.constant 0 : i32
      %dma_start3A_161 = tpu.memref_slice %arg6[%add3A_153, %dma_start3A] : memref<10240x128xf32, #tpu.memory_space<vmem_shared>> -> memref<80x128xf32, #tpu.memory_space<vmem_shared>>
      %dma_start3A_162 = arith.constant 0 : i32
      %dma_start3A_163 = tpu.memref_slice %arg6[%add3A_153, %dma_start3A_162] : memref<10240x128xf32, #tpu.memory_space<vmem_shared>> -> memref<80x128xf32, #tpu.memory_space<vmem_shared>>
      tpu.enqueue_dma source(%dma_start3A_163 : memref<80x128xf32, #tpu.memory_space<vmem_shared>>) target(%arg9 : memref<80x128xf32, #tpu.memory_space<vmem>>) target_semaphore(%run_scoped3A : memref<!tpu.dma_semaphore, #tpu.memory_space<semaphore_mem>>)
      %dma_wait3A = arith.constant 0 : i32
      %dma_wait3A_164 = tpu.memref_slice %arg6[%add3A_153, %dma_wait3A] : memref<10240x128xf32, #tpu.memory_space<vmem_shared>> -> memref<80x128xf32, #tpu.memory_space<vmem_shared>>
      %dma_wait3A_165 = arith.constant 0 : i32
      %dma_wait3A_166 = tpu.memref_slice %arg6[%add3A_153, %dma_wait3A_165] : memref<10240x128xf32, #tpu.memory_space<vmem_shared>> -> memref<80x128xf32, #tpu.memory_space<vmem_shared>>
      tpu.wait_dma2 semaphore(%run_scoped3A : memref<!tpu.dma_semaphore, #tpu.memory_space<semaphore_mem>>) src(%dma_wait3A_166 : memref<80x128xf32, #tpu.memory_space<vmem_shared>>) dst(%arg9 : memref<80x128xf32, #tpu.memory_space<vmem>>)
      tpu.yield
    }) : () -> ()
    %mul3A_154 = arith.constant 10240 : i32
    %mul3A_155 = arith.muli %arg0, %mul3A_154 : i32
    %mul3A_156 = arith.constant 640 : i32
    %mul3A_157 = arith.muli %arg1, %mul3A_156 : i32
    %add3A_158 = arith.addi %mul3A_155, %mul3A_157 : i32
    %add3A_159 = arith.constant 560 : i32
    %add3A_160 = arith.addi %add3A_158, %add3A_159 : i32
    "tpu.region"() ({
      %run_scoped3A = tpu.sem_alloc : memref<!tpu.dma_semaphore, #tpu.memory_space<semaphore_mem>>
      %dma_start3A = arith.constant 0 : i32
      %dma_start3A_161 = tpu.memref_slice %arg5[%add3A_160, %dma_start3A] : memref<20480x128xf32, #tpu.memory_space<hbm>> -> memref<80x128xf32, #tpu.memory_space<hbm>>
      %dma_start3A_162 = arith.constant 0 : i32
      %dma_start3A_163 = tpu.memref_slice %arg5[%add3A_160, %dma_start3A_162] : memref<20480x128xf32, #tpu.memory_space<hbm>> -> memref<80x128xf32, #tpu.memory_space<hbm>>
      tpu.enqueue_dma source(%arg9 : memref<80x128xf32, #tpu.memory_space<vmem>>) target(%dma_start3A_163 : memref<80x128xf32, #tpu.memory_space<hbm>>) target_semaphore(%run_scoped3A : memref<!tpu.dma_semaphore, #tpu.memory_space<semaphore_mem>>)
      %dma_wait3A = arith.constant 0 : i32
      %dma_wait3A_164 = tpu.memref_slice %arg5[%add3A_160, %dma_wait3A] : memref<20480x128xf32, #tpu.memory_space<hbm>> -> memref<80x128xf32, #tpu.memory_space<hbm>>
      %dma_wait3A_165 = arith.constant 0 : i32
      %dma_wait3A_166 = tpu.memref_slice %arg5[%add3A_160, %dma_wait3A_165] : memref<20480x128xf32, #tpu.memory_space<hbm>> -> memref<80x128xf32, #tpu.memory_space<hbm>>
      tpu.wait_dma2 semaphore(%run_scoped3A : memref<!tpu.dma_semaphore, #tpu.memory_space<semaphore_mem>>) src(%arg9 : memref<80x128xf32, #tpu.memory_space<vmem>>) dst(%dma_wait3A_166 : memref<80x128xf32, #tpu.memory_space<hbm>>)
      tpu.yield
    }) : () -> ()
    return
  }
}

#map = affine_map<(d0, d1) -> (0, 0)>
#map1 = affine_map<(d0, d1) -> (0)>
module attributes {stable_mosaic.version = 14 : i64} {
  func.func @_spmm_pair_kernel(%arg0: i32, %arg1: i32, %arg2: memref<20480x128xf32, #tpu.memory_space<hbm>>, %arg3: memref<320000xi32, #tpu.memory_space<hbm>>, %arg4: memref<320000xi32, #tpu.memory_space<hbm>>, %arg5: memref<320000xi32, #tpu.memory_space<hbm>>, %arg6: memref<20480x128xf32, #tpu.memory_space<hbm>>, %arg7: memref<10240x128xf32, #tpu.memory_space<vmem_shared>>, %arg8: memref<80xi32, #tpu.memory_space<vmem>>, %arg9: memref<80xi32, #tpu.memory_space<vmem>>, %arg10: memref<80x128xf32, #tpu.memory_space<vmem>>, %arg11: memref<!tpu.dma_semaphore, #tpu.memory_space<semaphore_mem>>) attributes {dimension_semantics = [#tpu.dimension_semantics<core_parallel>, #tpu.dimension_semantics<subcore_parallel>], iteration_bounds = array<i64: 2, 16>, scalar_prefetch = 0 : i64, scratch_operands = 5 : i64, tpu.core_type = #tpu.core_type<sc_vector_subcore>, window_params = [{transform_indices = #map}, {transform_indices = #map1}, {transform_indices = #map1}, {transform_indices = #map1}, {transform_indices = #map}]} {
    %mul3A = arith.constant 10240 : i32
    %mul3A_0 = arith.muli %arg0, %mul3A : i32
    %mul3A_1 = arith.constant 640 : i32
    %mul3A_2 = arith.muli %arg1, %mul3A_1 : i32
    %add3A = arith.addi %mul3A_0, %mul3A_2 : i32
    %add3A_3 = arith.constant 0 : i32
    %add3A_4 = arith.addi %add3A, %add3A_3 : i32
    "tpu.region"() ({
      %run_scoped3A = tpu.sem_alloc : memref<!tpu.dma_semaphore, #tpu.memory_space<semaphore_mem>>
      %dma_start3A = arith.constant 0 : i32
      %dma_start3A_182 = tpu.memref_slice %arg2[%add3A_4, %dma_start3A] : memref<20480x128xf32, #tpu.memory_space<hbm>> -> memref<80x128xf32, #tpu.memory_space<hbm>>
      %dma_start3A_183 = arith.constant 0 : i32
      %dma_start3A_184 = tpu.memref_slice %arg2[%add3A_4, %dma_start3A_183] : memref<20480x128xf32, #tpu.memory_space<hbm>> -> memref<80x128xf32, #tpu.memory_space<hbm>>
      tpu.enqueue_dma source(%dma_start3A_184 : memref<80x128xf32, #tpu.memory_space<hbm>>) target(%arg10 : memref<80x128xf32, #tpu.memory_space<vmem>>) target_semaphore(%run_scoped3A : memref<!tpu.dma_semaphore, #tpu.memory_space<semaphore_mem>>)
      %dma_wait3A = arith.constant 0 : i32
      %dma_wait3A_185 = tpu.memref_slice %arg2[%add3A_4, %dma_wait3A] : memref<20480x128xf32, #tpu.memory_space<hbm>> -> memref<80x128xf32, #tpu.memory_space<hbm>>
      %dma_wait3A_186 = arith.constant 0 : i32
      %dma_wait3A_187 = tpu.memref_slice %arg2[%add3A_4, %dma_wait3A_186] : memref<20480x128xf32, #tpu.memory_space<hbm>> -> memref<80x128xf32, #tpu.memory_space<hbm>>
      tpu.wait_dma2 semaphore(%run_scoped3A : memref<!tpu.dma_semaphore, #tpu.memory_space<semaphore_mem>>) src(%dma_wait3A_187 : memref<80x128xf32, #tpu.memory_space<hbm>>) dst(%arg10 : memref<80x128xf32, #tpu.memory_space<vmem>>)
      tpu.yield
    }) : () -> ()
    %mul3A_5 = arith.constant 640 : i32
    %mul3A_6 = arith.muli %arg1, %mul3A_5 : i32
    %add3A_7 = arith.constant 0 : i32
    %add3A_8 = arith.addi %mul3A_6, %add3A_7 : i32
    "tpu.region"() ({
      %run_scoped3A = tpu.sem_alloc : memref<!tpu.dma_semaphore, #tpu.memory_space<semaphore_mem>>
      %dma_start3A = arith.constant 0 : i32
      %dma_start3A_182 = tpu.memref_slice %arg7[%add3A_8, %dma_start3A] : memref<10240x128xf32, #tpu.memory_space<vmem_shared>> -> memref<80x128xf32, #tpu.memory_space<vmem_shared>>
      %dma_start3A_183 = arith.constant 0 : i32
      %dma_start3A_184 = tpu.memref_slice %arg7[%add3A_8, %dma_start3A_183] : memref<10240x128xf32, #tpu.memory_space<vmem_shared>> -> memref<80x128xf32, #tpu.memory_space<vmem_shared>>
      tpu.enqueue_dma source(%arg10 : memref<80x128xf32, #tpu.memory_space<vmem>>) target(%dma_start3A_184 : memref<80x128xf32, #tpu.memory_space<vmem_shared>>) target_semaphore(%run_scoped3A : memref<!tpu.dma_semaphore, #tpu.memory_space<semaphore_mem>>)
      %dma_wait3A = arith.constant 0 : i32
      %dma_wait3A_185 = tpu.memref_slice %arg7[%add3A_8, %dma_wait3A] : memref<10240x128xf32, #tpu.memory_space<vmem_shared>> -> memref<80x128xf32, #tpu.memory_space<vmem_shared>>
      %dma_wait3A_186 = arith.constant 0 : i32
      %dma_wait3A_187 = tpu.memref_slice %arg7[%add3A_8, %dma_wait3A_186] : memref<10240x128xf32, #tpu.memory_space<vmem_shared>> -> memref<80x128xf32, #tpu.memory_space<vmem_shared>>
      tpu.wait_dma2 semaphore(%run_scoped3A : memref<!tpu.dma_semaphore, #tpu.memory_space<semaphore_mem>>) src(%arg10 : memref<80x128xf32, #tpu.memory_space<vmem>>) dst(%dma_wait3A_187 : memref<80x128xf32, #tpu.memory_space<vmem_shared>>)
      tpu.yield
    }) : () -> ()
    %mul3A_9 = arith.constant 10240 : i32
    %mul3A_10 = arith.muli %arg0, %mul3A_9 : i32
    %mul3A_11 = arith.constant 640 : i32
    %mul3A_12 = arith.muli %arg1, %mul3A_11 : i32
    %add3A_13 = arith.addi %mul3A_10, %mul3A_12 : i32
    %add3A_14 = arith.constant 80 : i32
    %add3A_15 = arith.addi %add3A_13, %add3A_14 : i32
    "tpu.region"() ({
      %run_scoped3A = tpu.sem_alloc : memref<!tpu.dma_semaphore, #tpu.memory_space<semaphore_mem>>
      %dma_start3A = arith.constant 0 : i32
      %dma_start3A_182 = tpu.memref_slice %arg2[%add3A_15, %dma_start3A] : memref<20480x128xf32, #tpu.memory_space<hbm>> -> memref<80x128xf32, #tpu.memory_space<hbm>>
      %dma_start3A_183 = arith.constant 0 : i32
      %dma_start3A_184 = tpu.memref_slice %arg2[%add3A_15, %dma_start3A_183] : memref<20480x128xf32, #tpu.memory_space<hbm>> -> memref<80x128xf32, #tpu.memory_space<hbm>>
      tpu.enqueue_dma source(%dma_start3A_184 : memref<80x128xf32, #tpu.memory_space<hbm>>) target(%arg10 : memref<80x128xf32, #tpu.memory_space<vmem>>) target_semaphore(%run_scoped3A : memref<!tpu.dma_semaphore, #tpu.memory_space<semaphore_mem>>)
      %dma_wait3A = arith.constant 0 : i32
      %dma_wait3A_185 = tpu.memref_slice %arg2[%add3A_15, %dma_wait3A] : memref<20480x128xf32, #tpu.memory_space<hbm>> -> memref<80x128xf32, #tpu.memory_space<hbm>>
      %dma_wait3A_186 = arith.constant 0 : i32
      %dma_wait3A_187 = tpu.memref_slice %arg2[%add3A_15, %dma_wait3A_186] : memref<20480x128xf32, #tpu.memory_space<hbm>> -> memref<80x128xf32, #tpu.memory_space<hbm>>
      tpu.wait_dma2 semaphore(%run_scoped3A : memref<!tpu.dma_semaphore, #tpu.memory_space<semaphore_mem>>) src(%dma_wait3A_187 : memref<80x128xf32, #tpu.memory_space<hbm>>) dst(%arg10 : memref<80x128xf32, #tpu.memory_space<vmem>>)
      tpu.yield
    }) : () -> ()
    %mul3A_16 = arith.constant 640 : i32
    %mul3A_17 = arith.muli %arg1, %mul3A_16 : i32
    %add3A_18 = arith.constant 80 : i32
    %add3A_19 = arith.addi %mul3A_17, %add3A_18 : i32
    "tpu.region"() ({
      %run_scoped3A = tpu.sem_alloc : memref<!tpu.dma_semaphore, #tpu.memory_space<semaphore_mem>>
      %dma_start3A = arith.constant 0 : i32
      %dma_start3A_182 = tpu.memref_slice %arg7[%add3A_19, %dma_start3A] : memref<10240x128xf32, #tpu.memory_space<vmem_shared>> -> memref<80x128xf32, #tpu.memory_space<vmem_shared>>
      %dma_start3A_183 = arith.constant 0 : i32
      %dma_start3A_184 = tpu.memref_slice %arg7[%add3A_19, %dma_start3A_183] : memref<10240x128xf32, #tpu.memory_space<vmem_shared>> -> memref<80x128xf32, #tpu.memory_space<vmem_shared>>
      tpu.enqueue_dma source(%arg10 : memref<80x128xf32, #tpu.memory_space<vmem>>) target(%dma_start3A_184 : memref<80x128xf32, #tpu.memory_space<vmem_shared>>) target_semaphore(%run_scoped3A : memref<!tpu.dma_semaphore, #tpu.memory_space<semaphore_mem>>)
      %dma_wait3A = arith.constant 0 : i32
      %dma_wait3A_185 = tpu.memref_slice %arg7[%add3A_19, %dma_wait3A] : memref<10240x128xf32, #tpu.memory_space<vmem_shared>> -> memref<80x128xf32, #tpu.memory_space<vmem_shared>>
      %dma_wait3A_186 = arith.constant 0 : i32
      %dma_wait3A_187 = tpu.memref_slice %arg7[%add3A_19, %dma_wait3A_186] : memref<10240x128xf32, #tpu.memory_space<vmem_shared>> -> memref<80x128xf32, #tpu.memory_space<vmem_shared>>
      tpu.wait_dma2 semaphore(%run_scoped3A : memref<!tpu.dma_semaphore, #tpu.memory_space<semaphore_mem>>) src(%arg10 : memref<80x128xf32, #tpu.memory_space<vmem>>) dst(%dma_wait3A_187 : memref<80x128xf32, #tpu.memory_space<vmem_shared>>)
      tpu.yield
    }) : () -> ()
    %mul3A_20 = arith.constant 10240 : i32
    %mul3A_21 = arith.muli %arg0, %mul3A_20 : i32
    %mul3A_22 = arith.constant 640 : i32
    %mul3A_23 = arith.muli %arg1, %mul3A_22 : i32
    %add3A_24 = arith.addi %mul3A_21, %mul3A_23 : i32
    %add3A_25 = arith.constant 160 : i32
    %add3A_26 = arith.addi %add3A_24, %add3A_25 : i32
    "tpu.region"() ({
      %run_scoped3A = tpu.sem_alloc : memref<!tpu.dma_semaphore, #tpu.memory_space<semaphore_mem>>
      %dma_start3A = arith.constant 0 : i32
      %dma_start3A_182 = tpu.memref_slice %arg2[%add3A_26, %dma_start3A] : memref<20480x128xf32, #tpu.memory_space<hbm>> -> memref<80x128xf32, #tpu.memory_space<hbm>>
      %dma_start3A_183 = arith.constant 0 : i32
      %dma_start3A_184 = tpu.memref_slice %arg2[%add3A_26, %dma_start3A_183] : memref<20480x128xf32, #tpu.memory_space<hbm>> -> memref<80x128xf32, #tpu.memory_space<hbm>>
      tpu.enqueue_dma source(%dma_start3A_184 : memref<80x128xf32, #tpu.memory_space<hbm>>) target(%arg10 : memref<80x128xf32, #tpu.memory_space<vmem>>) target_semaphore(%run_scoped3A : memref<!tpu.dma_semaphore, #tpu.memory_space<semaphore_mem>>)
      %dma_wait3A = arith.constant 0 : i32
      %dma_wait3A_185 = tpu.memref_slice %arg2[%add3A_26, %dma_wait3A] : memref<20480x128xf32, #tpu.memory_space<hbm>> -> memref<80x128xf32, #tpu.memory_space<hbm>>
      %dma_wait3A_186 = arith.constant 0 : i32
      %dma_wait3A_187 = tpu.memref_slice %arg2[%add3A_26, %dma_wait3A_186] : memref<20480x128xf32, #tpu.memory_space<hbm>> -> memref<80x128xf32, #tpu.memory_space<hbm>>
      tpu.wait_dma2 semaphore(%run_scoped3A : memref<!tpu.dma_semaphore, #tpu.memory_space<semaphore_mem>>) src(%dma_wait3A_187 : memref<80x128xf32, #tpu.memory_space<hbm>>) dst(%arg10 : memref<80x128xf32, #tpu.memory_space<vmem>>)
      tpu.yield
    }) : () -> ()
    %mul3A_27 = arith.constant 640 : i32
    %mul3A_28 = arith.muli %arg1, %mul3A_27 : i32
    %add3A_29 = arith.constant 160 : i32
    %add3A_30 = arith.addi %mul3A_28, %add3A_29 : i32
    "tpu.region"() ({
      %run_scoped3A = tpu.sem_alloc : memref<!tpu.dma_semaphore, #tpu.memory_space<semaphore_mem>>
      %dma_start3A = arith.constant 0 : i32
      %dma_start3A_182 = tpu.memref_slice %arg7[%add3A_30, %dma_start3A] : memref<10240x128xf32, #tpu.memory_space<vmem_shared>> -> memref<80x128xf32, #tpu.memory_space<vmem_shared>>
      %dma_start3A_183 = arith.constant 0 : i32
      %dma_start3A_184 = tpu.memref_slice %arg7[%add3A_30, %dma_start3A_183] : memref<10240x128xf32, #tpu.memory_space<vmem_shared>> -> memref<80x128xf32, #tpu.memory_space<vmem_shared>>
      tpu.enqueue_dma source(%arg10 : memref<80x128xf32, #tpu.memory_space<vmem>>) target(%dma_start3A_184 : memref<80x128xf32, #tpu.memory_space<vmem_shared>>) target_semaphore(%run_scoped3A : memref<!tpu.dma_semaphore, #tpu.memory_space<semaphore_mem>>)
      %dma_wait3A = arith.constant 0 : i32
      %dma_wait3A_185 = tpu.memref_slice %arg7[%add3A_30, %dma_wait3A] : memref<10240x128xf32, #tpu.memory_space<vmem_shared>> -> memref<80x128xf32, #tpu.memory_space<vmem_shared>>
      %dma_wait3A_186 = arith.constant 0 : i32
      %dma_wait3A_187 = tpu.memref_slice %arg7[%add3A_30, %dma_wait3A_186] : memref<10240x128xf32, #tpu.memory_space<vmem_shared>> -> memref<80x128xf32, #tpu.memory_space<vmem_shared>>
      tpu.wait_dma2 semaphore(%run_scoped3A : memref<!tpu.dma_semaphore, #tpu.memory_space<semaphore_mem>>) src(%arg10 : memref<80x128xf32, #tpu.memory_space<vmem>>) dst(%dma_wait3A_187 : memref<80x128xf32, #tpu.memory_space<vmem_shared>>)
      tpu.yield
    }) : () -> ()
    %mul3A_31 = arith.constant 10240 : i32
    %mul3A_32 = arith.muli %arg0, %mul3A_31 : i32
    %mul3A_33 = arith.constant 640 : i32
    %mul3A_34 = arith.muli %arg1, %mul3A_33 : i32
    %add3A_35 = arith.addi %mul3A_32, %mul3A_34 : i32
    %add3A_36 = arith.constant 240 : i32
    %add3A_37 = arith.addi %add3A_35, %add3A_36 : i32
    "tpu.region"() ({
      %run_scoped3A = tpu.sem_alloc : memref<!tpu.dma_semaphore, #tpu.memory_space<semaphore_mem>>
      %dma_start3A = arith.constant 0 : i32
      %dma_start3A_182 = tpu.memref_slice %arg2[%add3A_37, %dma_start3A] : memref<20480x128xf32, #tpu.memory_space<hbm>> -> memref<80x128xf32, #tpu.memory_space<hbm>>
      %dma_start3A_183 = arith.constant 0 : i32
      %dma_start3A_184 = tpu.memref_slice %arg2[%add3A_37, %dma_start3A_183] : memref<20480x128xf32, #tpu.memory_space<hbm>> -> memref<80x128xf32, #tpu.memory_space<hbm>>
      tpu.enqueue_dma source(%dma_start3A_184 : memref<80x128xf32, #tpu.memory_space<hbm>>) target(%arg10 : memref<80x128xf32, #tpu.memory_space<vmem>>) target_semaphore(%run_scoped3A : memref<!tpu.dma_semaphore, #tpu.memory_space<semaphore_mem>>)
      %dma_wait3A = arith.constant 0 : i32
      %dma_wait3A_185 = tpu.memref_slice %arg2[%add3A_37, %dma_wait3A] : memref<20480x128xf32, #tpu.memory_space<hbm>> -> memref<80x128xf32, #tpu.memory_space<hbm>>
      %dma_wait3A_186 = arith.constant 0 : i32
      %dma_wait3A_187 = tpu.memref_slice %arg2[%add3A_37, %dma_wait3A_186] : memref<20480x128xf32, #tpu.memory_space<hbm>> -> memref<80x128xf32, #tpu.memory_space<hbm>>
      tpu.wait_dma2 semaphore(%run_scoped3A : memref<!tpu.dma_semaphore, #tpu.memory_space<semaphore_mem>>) src(%dma_wait3A_187 : memref<80x128xf32, #tpu.memory_space<hbm>>) dst(%arg10 : memref<80x128xf32, #tpu.memory_space<vmem>>)
      tpu.yield
    }) : () -> ()
    %mul3A_38 = arith.constant 640 : i32
    %mul3A_39 = arith.muli %arg1, %mul3A_38 : i32
    %add3A_40 = arith.constant 240 : i32
    %add3A_41 = arith.addi %mul3A_39, %add3A_40 : i32
    "tpu.region"() ({
      %run_scoped3A = tpu.sem_alloc : memref<!tpu.dma_semaphore, #tpu.memory_space<semaphore_mem>>
      %dma_start3A = arith.constant 0 : i32
      %dma_start3A_182 = tpu.memref_slice %arg7[%add3A_41, %dma_start3A] : memref<10240x128xf32, #tpu.memory_space<vmem_shared>> -> memref<80x128xf32, #tpu.memory_space<vmem_shared>>
      %dma_start3A_183 = arith.constant 0 : i32
      %dma_start3A_184 = tpu.memref_slice %arg7[%add3A_41, %dma_start3A_183] : memref<10240x128xf32, #tpu.memory_space<vmem_shared>> -> memref<80x128xf32, #tpu.memory_space<vmem_shared>>
      tpu.enqueue_dma source(%arg10 : memref<80x128xf32, #tpu.memory_space<vmem>>) target(%dma_start3A_184 : memref<80x128xf32, #tpu.memory_space<vmem_shared>>) target_semaphore(%run_scoped3A : memref<!tpu.dma_semaphore, #tpu.memory_space<semaphore_mem>>)
      %dma_wait3A = arith.constant 0 : i32
      %dma_wait3A_185 = tpu.memref_slice %arg7[%add3A_41, %dma_wait3A] : memref<10240x128xf32, #tpu.memory_space<vmem_shared>> -> memref<80x128xf32, #tpu.memory_space<vmem_shared>>
      %dma_wait3A_186 = arith.constant 0 : i32
      %dma_wait3A_187 = tpu.memref_slice %arg7[%add3A_41, %dma_wait3A_186] : memref<10240x128xf32, #tpu.memory_space<vmem_shared>> -> memref<80x128xf32, #tpu.memory_space<vmem_shared>>
      tpu.wait_dma2 semaphore(%run_scoped3A : memref<!tpu.dma_semaphore, #tpu.memory_space<semaphore_mem>>) src(%arg10 : memref<80x128xf32, #tpu.memory_space<vmem>>) dst(%dma_wait3A_187 : memref<80x128xf32, #tpu.memory_space<vmem_shared>>)
      tpu.yield
    }) : () -> ()
    %mul3A_42 = arith.constant 10240 : i32
    %mul3A_43 = arith.muli %arg0, %mul3A_42 : i32
    %mul3A_44 = arith.constant 640 : i32
    %mul3A_45 = arith.muli %arg1, %mul3A_44 : i32
    %add3A_46 = arith.addi %mul3A_43, %mul3A_45 : i32
    %add3A_47 = arith.constant 320 : i32
    %add3A_48 = arith.addi %add3A_46, %add3A_47 : i32
    "tpu.region"() ({
      %run_scoped3A = tpu.sem_alloc : memref<!tpu.dma_semaphore, #tpu.memory_space<semaphore_mem>>
      %dma_start3A = arith.constant 0 : i32
      %dma_start3A_182 = tpu.memref_slice %arg2[%add3A_48, %dma_start3A] : memref<20480x128xf32, #tpu.memory_space<hbm>> -> memref<80x128xf32, #tpu.memory_space<hbm>>
      %dma_start3A_183 = arith.constant 0 : i32
      %dma_start3A_184 = tpu.memref_slice %arg2[%add3A_48, %dma_start3A_183] : memref<20480x128xf32, #tpu.memory_space<hbm>> -> memref<80x128xf32, #tpu.memory_space<hbm>>
      tpu.enqueue_dma source(%dma_start3A_184 : memref<80x128xf32, #tpu.memory_space<hbm>>) target(%arg10 : memref<80x128xf32, #tpu.memory_space<vmem>>) target_semaphore(%run_scoped3A : memref<!tpu.dma_semaphore, #tpu.memory_space<semaphore_mem>>)
      %dma_wait3A = arith.constant 0 : i32
      %dma_wait3A_185 = tpu.memref_slice %arg2[%add3A_48, %dma_wait3A] : memref<20480x128xf32, #tpu.memory_space<hbm>> -> memref<80x128xf32, #tpu.memory_space<hbm>>
      %dma_wait3A_186 = arith.constant 0 : i32
      %dma_wait3A_187 = tpu.memref_slice %arg2[%add3A_48, %dma_wait3A_186] : memref<20480x128xf32, #tpu.memory_space<hbm>> -> memref<80x128xf32, #tpu.memory_space<hbm>>
      tpu.wait_dma2 semaphore(%run_scoped3A : memref<!tpu.dma_semaphore, #tpu.memory_space<semaphore_mem>>) src(%dma_wait3A_187 : memref<80x128xf32, #tpu.memory_space<hbm>>) dst(%arg10 : memref<80x128xf32, #tpu.memory_space<vmem>>)
      tpu.yield
    }) : () -> ()
    %mul3A_49 = arith.constant 640 : i32
    %mul3A_50 = arith.muli %arg1, %mul3A_49 : i32
    %add3A_51 = arith.constant 320 : i32
    %add3A_52 = arith.addi %mul3A_50, %add3A_51 : i32
    "tpu.region"() ({
      %run_scoped3A = tpu.sem_alloc : memref<!tpu.dma_semaphore, #tpu.memory_space<semaphore_mem>>
      %dma_start3A = arith.constant 0 : i32
      %dma_start3A_182 = tpu.memref_slice %arg7[%add3A_52, %dma_start3A] : memref<10240x128xf32, #tpu.memory_space<vmem_shared>> -> memref<80x128xf32, #tpu.memory_space<vmem_shared>>
      %dma_start3A_183 = arith.constant 0 : i32
      %dma_start3A_184 = tpu.memref_slice %arg7[%add3A_52, %dma_start3A_183] : memref<10240x128xf32, #tpu.memory_space<vmem_shared>> -> memref<80x128xf32, #tpu.memory_space<vmem_shared>>
      tpu.enqueue_dma source(%arg10 : memref<80x128xf32, #tpu.memory_space<vmem>>) target(%dma_start3A_184 : memref<80x128xf32, #tpu.memory_space<vmem_shared>>) target_semaphore(%run_scoped3A : memref<!tpu.dma_semaphore, #tpu.memory_space<semaphore_mem>>)
      %dma_wait3A = arith.constant 0 : i32
      %dma_wait3A_185 = tpu.memref_slice %arg7[%add3A_52, %dma_wait3A] : memref<10240x128xf32, #tpu.memory_space<vmem_shared>> -> memref<80x128xf32, #tpu.memory_space<vmem_shared>>
      %dma_wait3A_186 = arith.constant 0 : i32
      %dma_wait3A_187 = tpu.memref_slice %arg7[%add3A_52, %dma_wait3A_186] : memref<10240x128xf32, #tpu.memory_space<vmem_shared>> -> memref<80x128xf32, #tpu.memory_space<vmem_shared>>
      tpu.wait_dma2 semaphore(%run_scoped3A : memref<!tpu.dma_semaphore, #tpu.memory_space<semaphore_mem>>) src(%arg10 : memref<80x128xf32, #tpu.memory_space<vmem>>) dst(%dma_wait3A_187 : memref<80x128xf32, #tpu.memory_space<vmem_shared>>)
      tpu.yield
    }) : () -> ()
    %mul3A_53 = arith.constant 10240 : i32
    %mul3A_54 = arith.muli %arg0, %mul3A_53 : i32
    %mul3A_55 = arith.constant 640 : i32
    %mul3A_56 = arith.muli %arg1, %mul3A_55 : i32
    %add3A_57 = arith.addi %mul3A_54, %mul3A_56 : i32
    %add3A_58 = arith.constant 400 : i32
    %add3A_59 = arith.addi %add3A_57, %add3A_58 : i32
    "tpu.region"() ({
      %run_scoped3A = tpu.sem_alloc : memref<!tpu.dma_semaphore, #tpu.memory_space<semaphore_mem>>
      %dma_start3A = arith.constant 0 : i32
      %dma_start3A_182 = tpu.memref_slice %arg2[%add3A_59, %dma_start3A] : memref<20480x128xf32, #tpu.memory_space<hbm>> -> memref<80x128xf32, #tpu.memory_space<hbm>>
      %dma_start3A_183 = arith.constant 0 : i32
      %dma_start3A_184 = tpu.memref_slice %arg2[%add3A_59, %dma_start3A_183] : memref<20480x128xf32, #tpu.memory_space<hbm>> -> memref<80x128xf32, #tpu.memory_space<hbm>>
      tpu.enqueue_dma source(%dma_start3A_184 : memref<80x128xf32, #tpu.memory_space<hbm>>) target(%arg10 : memref<80x128xf32, #tpu.memory_space<vmem>>) target_semaphore(%run_scoped3A : memref<!tpu.dma_semaphore, #tpu.memory_space<semaphore_mem>>)
      %dma_wait3A = arith.constant 0 : i32
      %dma_wait3A_185 = tpu.memref_slice %arg2[%add3A_59, %dma_wait3A] : memref<20480x128xf32, #tpu.memory_space<hbm>> -> memref<80x128xf32, #tpu.memory_space<hbm>>
      %dma_wait3A_186 = arith.constant 0 : i32
      %dma_wait3A_187 = tpu.memref_slice %arg2[%add3A_59, %dma_wait3A_186] : memref<20480x128xf32, #tpu.memory_space<hbm>> -> memref<80x128xf32, #tpu.memory_space<hbm>>
      tpu.wait_dma2 semaphore(%run_scoped3A : memref<!tpu.dma_semaphore, #tpu.memory_space<semaphore_mem>>) src(%dma_wait3A_187 : memref<80x128xf32, #tpu.memory_space<hbm>>) dst(%arg10 : memref<80x128xf32, #tpu.memory_space<vmem>>)
      tpu.yield
    }) : () -> ()
    %mul3A_60 = arith.constant 640 : i32
    %mul3A_61 = arith.muli %arg1, %mul3A_60 : i32
    %add3A_62 = arith.constant 400 : i32
    %add3A_63 = arith.addi %mul3A_61, %add3A_62 : i32
    "tpu.region"() ({
      %run_scoped3A = tpu.sem_alloc : memref<!tpu.dma_semaphore, #tpu.memory_space<semaphore_mem>>
      %dma_start3A = arith.constant 0 : i32
      %dma_start3A_182 = tpu.memref_slice %arg7[%add3A_63, %dma_start3A] : memref<10240x128xf32, #tpu.memory_space<vmem_shared>> -> memref<80x128xf32, #tpu.memory_space<vmem_shared>>
      %dma_start3A_183 = arith.constant 0 : i32
      %dma_start3A_184 = tpu.memref_slice %arg7[%add3A_63, %dma_start3A_183] : memref<10240x128xf32, #tpu.memory_space<vmem_shared>> -> memref<80x128xf32, #tpu.memory_space<vmem_shared>>
      tpu.enqueue_dma source(%arg10 : memref<80x128xf32, #tpu.memory_space<vmem>>) target(%dma_start3A_184 : memref<80x128xf32, #tpu.memory_space<vmem_shared>>) target_semaphore(%run_scoped3A : memref<!tpu.dma_semaphore, #tpu.memory_space<semaphore_mem>>)
      %dma_wait3A = arith.constant 0 : i32
      %dma_wait3A_185 = tpu.memref_slice %arg7[%add3A_63, %dma_wait3A] : memref<10240x128xf32, #tpu.memory_space<vmem_shared>> -> memref<80x128xf32, #tpu.memory_space<vmem_shared>>
      %dma_wait3A_186 = arith.constant 0 : i32
      %dma_wait3A_187 = tpu.memref_slice %arg7[%add3A_63, %dma_wait3A_186] : memref<10240x128xf32, #tpu.memory_space<vmem_shared>> -> memref<80x128xf32, #tpu.memory_space<vmem_shared>>
      tpu.wait_dma2 semaphore(%run_scoped3A : memref<!tpu.dma_semaphore, #tpu.memory_space<semaphore_mem>>) src(%arg10 : memref<80x128xf32, #tpu.memory_space<vmem>>) dst(%dma_wait3A_187 : memref<80x128xf32, #tpu.memory_space<vmem_shared>>)
      tpu.yield
    }) : () -> ()
    %mul3A_64 = arith.constant 10240 : i32
    %mul3A_65 = arith.muli %arg0, %mul3A_64 : i32
    %mul3A_66 = arith.constant 640 : i32
    %mul3A_67 = arith.muli %arg1, %mul3A_66 : i32
    %add3A_68 = arith.addi %mul3A_65, %mul3A_67 : i32
    %add3A_69 = arith.constant 480 : i32
    %add3A_70 = arith.addi %add3A_68, %add3A_69 : i32
    "tpu.region"() ({
      %run_scoped3A = tpu.sem_alloc : memref<!tpu.dma_semaphore, #tpu.memory_space<semaphore_mem>>
      %dma_start3A = arith.constant 0 : i32
      %dma_start3A_182 = tpu.memref_slice %arg2[%add3A_70, %dma_start3A] : memref<20480x128xf32, #tpu.memory_space<hbm>> -> memref<80x128xf32, #tpu.memory_space<hbm>>
      %dma_start3A_183 = arith.constant 0 : i32
      %dma_start3A_184 = tpu.memref_slice %arg2[%add3A_70, %dma_start3A_183] : memref<20480x128xf32, #tpu.memory_space<hbm>> -> memref<80x128xf32, #tpu.memory_space<hbm>>
      tpu.enqueue_dma source(%dma_start3A_184 : memref<80x128xf32, #tpu.memory_space<hbm>>) target(%arg10 : memref<80x128xf32, #tpu.memory_space<vmem>>) target_semaphore(%run_scoped3A : memref<!tpu.dma_semaphore, #tpu.memory_space<semaphore_mem>>)
      %dma_wait3A = arith.constant 0 : i32
      %dma_wait3A_185 = tpu.memref_slice %arg2[%add3A_70, %dma_wait3A] : memref<20480x128xf32, #tpu.memory_space<hbm>> -> memref<80x128xf32, #tpu.memory_space<hbm>>
      %dma_wait3A_186 = arith.constant 0 : i32
      %dma_wait3A_187 = tpu.memref_slice %arg2[%add3A_70, %dma_wait3A_186] : memref<20480x128xf32, #tpu.memory_space<hbm>> -> memref<80x128xf32, #tpu.memory_space<hbm>>
      tpu.wait_dma2 semaphore(%run_scoped3A : memref<!tpu.dma_semaphore, #tpu.memory_space<semaphore_mem>>) src(%dma_wait3A_187 : memref<80x128xf32, #tpu.memory_space<hbm>>) dst(%arg10 : memref<80x128xf32, #tpu.memory_space<vmem>>)
      tpu.yield
    }) : () -> ()
    %mul3A_71 = arith.constant 640 : i32
    %mul3A_72 = arith.muli %arg1, %mul3A_71 : i32
    %add3A_73 = arith.constant 480 : i32
    %add3A_74 = arith.addi %mul3A_72, %add3A_73 : i32
    "tpu.region"() ({
      %run_scoped3A = tpu.sem_alloc : memref<!tpu.dma_semaphore, #tpu.memory_space<semaphore_mem>>
      %dma_start3A = arith.constant 0 : i32
      %dma_start3A_182 = tpu.memref_slice %arg7[%add3A_74, %dma_start3A] : memref<10240x128xf32, #tpu.memory_space<vmem_shared>> -> memref<80x128xf32, #tpu.memory_space<vmem_shared>>
      %dma_start3A_183 = arith.constant 0 : i32
      %dma_start3A_184 = tpu.memref_slice %arg7[%add3A_74, %dma_start3A_183] : memref<10240x128xf32, #tpu.memory_space<vmem_shared>> -> memref<80x128xf32, #tpu.memory_space<vmem_shared>>
      tpu.enqueue_dma source(%arg10 : memref<80x128xf32, #tpu.memory_space<vmem>>) target(%dma_start3A_184 : memref<80x128xf32, #tpu.memory_space<vmem_shared>>) target_semaphore(%run_scoped3A : memref<!tpu.dma_semaphore, #tpu.memory_space<semaphore_mem>>)
      %dma_wait3A = arith.constant 0 : i32
      %dma_wait3A_185 = tpu.memref_slice %arg7[%add3A_74, %dma_wait3A] : memref<10240x128xf32, #tpu.memory_space<vmem_shared>> -> memref<80x128xf32, #tpu.memory_space<vmem_shared>>
      %dma_wait3A_186 = arith.constant 0 : i32
      %dma_wait3A_187 = tpu.memref_slice %arg7[%add3A_74, %dma_wait3A_186] : memref<10240x128xf32, #tpu.memory_space<vmem_shared>> -> memref<80x128xf32, #tpu.memory_space<vmem_shared>>
      tpu.wait_dma2 semaphore(%run_scoped3A : memref<!tpu.dma_semaphore, #tpu.memory_space<semaphore_mem>>) src(%arg10 : memref<80x128xf32, #tpu.memory_space<vmem>>) dst(%dma_wait3A_187 : memref<80x128xf32, #tpu.memory_space<vmem_shared>>)
      tpu.yield
    }) : () -> ()
    %mul3A_75 = arith.constant 10240 : i32
    %mul3A_76 = arith.muli %arg0, %mul3A_75 : i32
    %mul3A_77 = arith.constant 640 : i32
    %mul3A_78 = arith.muli %arg1, %mul3A_77 : i32
    %add3A_79 = arith.addi %mul3A_76, %mul3A_78 : i32
    %add3A_80 = arith.constant 560 : i32
    %add3A_81 = arith.addi %add3A_79, %add3A_80 : i32
    "tpu.region"() ({
      %run_scoped3A = tpu.sem_alloc : memref<!tpu.dma_semaphore, #tpu.memory_space<semaphore_mem>>
      %dma_start3A = arith.constant 0 : i32
      %dma_start3A_182 = tpu.memref_slice %arg2[%add3A_81, %dma_start3A] : memref<20480x128xf32, #tpu.memory_space<hbm>> -> memref<80x128xf32, #tpu.memory_space<hbm>>
      %dma_start3A_183 = arith.constant 0 : i32
      %dma_start3A_184 = tpu.memref_slice %arg2[%add3A_81, %dma_start3A_183] : memref<20480x128xf32, #tpu.memory_space<hbm>> -> memref<80x128xf32, #tpu.memory_space<hbm>>
      tpu.enqueue_dma source(%dma_start3A_184 : memref<80x128xf32, #tpu.memory_space<hbm>>) target(%arg10 : memref<80x128xf32, #tpu.memory_space<vmem>>) target_semaphore(%run_scoped3A : memref<!tpu.dma_semaphore, #tpu.memory_space<semaphore_mem>>)
      %dma_wait3A = arith.constant 0 : i32
      %dma_wait3A_185 = tpu.memref_slice %arg2[%add3A_81, %dma_wait3A] : memref<20480x128xf32, #tpu.memory_space<hbm>> -> memref<80x128xf32, #tpu.memory_space<hbm>>
      %dma_wait3A_186 = arith.constant 0 : i32
      %dma_wait3A_187 = tpu.memref_slice %arg2[%add3A_81, %dma_wait3A_186] : memref<20480x128xf32, #tpu.memory_space<hbm>> -> memref<80x128xf32, #tpu.memory_space<hbm>>
      tpu.wait_dma2 semaphore(%run_scoped3A : memref<!tpu.dma_semaphore, #tpu.memory_space<semaphore_mem>>) src(%dma_wait3A_187 : memref<80x128xf32, #tpu.memory_space<hbm>>) dst(%arg10 : memref<80x128xf32, #tpu.memory_space<vmem>>)
      tpu.yield
    }) : () -> ()
    %mul3A_82 = arith.constant 640 : i32
    %mul3A_83 = arith.muli %arg1, %mul3A_82 : i32
    %add3A_84 = arith.constant 560 : i32
    %add3A_85 = arith.addi %mul3A_83, %add3A_84 : i32
    "tpu.region"() ({
      %run_scoped3A = tpu.sem_alloc : memref<!tpu.dma_semaphore, #tpu.memory_space<semaphore_mem>>
      %dma_start3A = arith.constant 0 : i32
      %dma_start3A_182 = tpu.memref_slice %arg7[%add3A_85, %dma_start3A] : memref<10240x128xf32, #tpu.memory_space<vmem_shared>> -> memref<80x128xf32, #tpu.memory_space<vmem_shared>>
      %dma_start3A_183 = arith.constant 0 : i32
      %dma_start3A_184 = tpu.memref_slice %arg7[%add3A_85, %dma_start3A_183] : memref<10240x128xf32, #tpu.memory_space<vmem_shared>> -> memref<80x128xf32, #tpu.memory_space<vmem_shared>>
      tpu.enqueue_dma source(%arg10 : memref<80x128xf32, #tpu.memory_space<vmem>>) target(%dma_start3A_184 : memref<80x128xf32, #tpu.memory_space<vmem_shared>>) target_semaphore(%run_scoped3A : memref<!tpu.dma_semaphore, #tpu.memory_space<semaphore_mem>>)
      %dma_wait3A = arith.constant 0 : i32
      %dma_wait3A_185 = tpu.memref_slice %arg7[%add3A_85, %dma_wait3A] : memref<10240x128xf32, #tpu.memory_space<vmem_shared>> -> memref<80x128xf32, #tpu.memory_space<vmem_shared>>
      %dma_wait3A_186 = arith.constant 0 : i32
      %dma_wait3A_187 = tpu.memref_slice %arg7[%add3A_85, %dma_wait3A_186] : memref<10240x128xf32, #tpu.memory_space<vmem_shared>> -> memref<80x128xf32, #tpu.memory_space<vmem_shared>>
      tpu.wait_dma2 semaphore(%run_scoped3A : memref<!tpu.dma_semaphore, #tpu.memory_space<semaphore_mem>>) src(%arg10 : memref<80x128xf32, #tpu.memory_space<vmem>>) dst(%dma_wait3A_187 : memref<80x128xf32, #tpu.memory_space<vmem_shared>>)
      tpu.yield
    }) : () -> ()
    %barrier3A = arith.constant 0 : index
    tpu.barrier barrier_id(%barrier3A)
    %mul3A_86 = arith.constant 20000 : i32
    %mul3A_87 = arith.muli %arg1, %mul3A_86 : i32
    %scan3A = arith.constant 0 : i32
    %scan3A_88 = arith.constant 0 : i32
    %scan3A_89 = arith.constant 250 : i32
    %scan3A_90 = arith.addi %scan3A_88, %scan3A_89 : i32
    %scan3A_91 = arith.constant 1 : i32
    scf.for %scan3A_182 = %scan3A_88 to %scan3A_90 step %scan3A_91  : i32 {
      %mul3A_183 = arith.constant 80 : i32
      %mul3A_184 = arith.muli %scan3A_182, %mul3A_183 : i32
      %add3A_185 = arith.addi %mul3A_87, %mul3A_184 : i32
      "tpu.region"() ({
        %run_scoped3A = tpu.sem_alloc : memref<!tpu.dma_semaphore, #tpu.memory_space<semaphore_mem>>
        %dma_start3A_197 = tpu.memref_slice %arg5[%add3A_185] : memref<320000xi32, #tpu.memory_space<hbm>> -> memref<80xi32, #tpu.memory_space<hbm>>
        %dma_start3A_198 = tpu.memref_slice %arg5[%add3A_185] : memref<320000xi32, #tpu.memory_space<hbm>> -> memref<80xi32, #tpu.memory_space<hbm>>
        tpu.enqueue_dma source(%dma_start3A_198 : memref<80xi32, #tpu.memory_space<hbm>>) target(%arg9 : memref<80xi32, #tpu.memory_space<vmem>>) target_semaphore(%run_scoped3A : memref<!tpu.dma_semaphore, #tpu.memory_space<semaphore_mem>>)
        %dma_wait3A_199 = tpu.memref_slice %arg5[%add3A_185] : memref<320000xi32, #tpu.memory_space<hbm>> -> memref<80xi32, #tpu.memory_space<hbm>>
        %dma_wait3A_200 = tpu.memref_slice %arg5[%add3A_185] : memref<320000xi32, #tpu.memory_space<hbm>> -> memref<80xi32, #tpu.memory_space<hbm>>
        tpu.wait_dma2 semaphore(%run_scoped3A : memref<!tpu.dma_semaphore, #tpu.memory_space<semaphore_mem>>) src(%dma_wait3A_200 : memref<80xi32, #tpu.memory_space<hbm>>) dst(%arg9 : memref<80xi32, #tpu.memory_space<vmem>>)
        tpu.yield
      }) : () -> ()
      %eq3A = arith.constant 0 : i32
      %eq3A_186 = arith.cmpi eq, %arg0, %eq3A : i32
      %convert_element_type3A = arith.extui %eq3A_186 : i1 to i32
      %cond3A = arith.constant 0 : i32
      %cond3A_187 = arith.cmpi ne, %convert_element_type3A, %cond3A : i32
      scf.if %cond3A_187 {
        "tpu.region"() ({
          %run_scoped3A = tpu.sem_alloc : memref<!tpu.dma_semaphore, #tpu.memory_space<semaphore_mem>>
          %dma_start3A_197 = tpu.memref_slice %arg3[%add3A_185] : memref<320000xi32, #tpu.memory_space<hbm>> -> memref<80xi32, #tpu.memory_space<hbm>>
          %dma_start3A_198 = tpu.memref_slice %arg3[%add3A_185] : memref<320000xi32, #tpu.memory_space<hbm>> -> memref<80xi32, #tpu.memory_space<hbm>>
          tpu.enqueue_dma source(%dma_start3A_198 : memref<80xi32, #tpu.memory_space<hbm>>) target(%arg8 : memref<80xi32, #tpu.memory_space<vmem>>) target_semaphore(%run_scoped3A : memref<!tpu.dma_semaphore, #tpu.memory_space<semaphore_mem>>)
          %dma_wait3A_199 = tpu.memref_slice %arg3[%add3A_185] : memref<320000xi32, #tpu.memory_space<hbm>> -> memref<80xi32, #tpu.memory_space<hbm>>
          %dma_wait3A_200 = tpu.memref_slice %arg3[%add3A_185] : memref<320000xi32, #tpu.memory_space<hbm>> -> memref<80xi32, #tpu.memory_space<hbm>>
          tpu.wait_dma2 semaphore(%run_scoped3A : memref<!tpu.dma_semaphore, #tpu.memory_space<semaphore_mem>>) src(%dma_wait3A_200 : memref<80xi32, #tpu.memory_space<hbm>>) dst(%arg8 : memref<80xi32, #tpu.memory_space<vmem>>)
          tpu.yield
        }) : () -> ()
      } else {
      }
      %eq3A_188 = arith.constant 1 : i32
      %eq3A_189 = arith.cmpi eq, %arg0, %eq3A_188 : i32
      %convert_element_type3A_190 = arith.extui %eq3A_189 : i1 to i32
      %cond3A_191 = arith.constant 0 : i32
      %cond3A_192 = arith.cmpi ne, %convert_element_type3A_190, %cond3A_191 : i32
      scf.if %cond3A_192 {
        "tpu.region"() ({
          %run_scoped3A = tpu.sem_alloc : memref<!tpu.dma_semaphore, #tpu.memory_space<semaphore_mem>>
          %dma_start3A_197 = tpu.memref_slice %arg4[%add3A_185] : memref<320000xi32, #tpu.memory_space<hbm>> -> memref<80xi32, #tpu.memory_space<hbm>>
          %dma_start3A_198 = tpu.memref_slice %arg4[%add3A_185] : memref<320000xi32, #tpu.memory_space<hbm>> -> memref<80xi32, #tpu.memory_space<hbm>>
          tpu.enqueue_dma source(%dma_start3A_198 : memref<80xi32, #tpu.memory_space<hbm>>) target(%arg8 : memref<80xi32, #tpu.memory_space<vmem>>) target_semaphore(%run_scoped3A : memref<!tpu.dma_semaphore, #tpu.memory_space<semaphore_mem>>)
          %dma_wait3A_199 = tpu.memref_slice %arg4[%add3A_185] : memref<320000xi32, #tpu.memory_space<hbm>> -> memref<80xi32, #tpu.memory_space<hbm>>
          %dma_wait3A_200 = tpu.memref_slice %arg4[%add3A_185] : memref<320000xi32, #tpu.memory_space<hbm>> -> memref<80xi32, #tpu.memory_space<hbm>>
          tpu.wait_dma2 semaphore(%run_scoped3A : memref<!tpu.dma_semaphore, #tpu.memory_space<semaphore_mem>>) src(%dma_wait3A_200 : memref<80xi32, #tpu.memory_space<hbm>>) dst(%arg8 : memref<80xi32, #tpu.memory_space<vmem>>)
          tpu.yield
        }) : () -> ()
      } else {
      }
      %dma_start3A = arith.constant 0 : i32
      %dma_start3A_193 = arith.constant 0 : i32
      %dma_start3A_194 = tpu.memref_slice %arg2[%dma_start3A, %dma_start3A_193] : memref<20480x128xf32, #tpu.memory_space<hbm>> -> memref<20480x128xf32, #tpu.memory_space<hbm>>
      tpu.enqueue_indirect_dma source(%dma_start3A_194 : memref<20480x128xf32, #tpu.memory_space<hbm>>) target(%arg10 : memref<80x128xf32, #tpu.memory_space<vmem>>) offsets(%arg8 : memref<80xi32, #tpu.memory_space<vmem>>) semaphore(%arg11 : memref<!tpu.dma_semaphore, #tpu.memory_space<semaphore_mem>>)
      %dma_wait3A = arith.constant 0 : i32
      %dma_wait3A_195 = arith.constant 0 : i32
      %dma_wait3A_196 = tpu.memref_slice %arg2[%dma_wait3A, %dma_wait3A_195] : memref<20480x128xf32, #tpu.memory_space<hbm>> -> memref<20480x128xf32, #tpu.memory_space<hbm>>
      tpu.wait_indirect_dma semaphore(%arg11 : memref<!tpu.dma_semaphore, #tpu.memory_space<semaphore_mem>>) src(%dma_wait3A_196 : memref<20480x128xf32, #tpu.memory_space<hbm>>) dst(%arg10 : memref<80x128xf32, #tpu.memory_space<vmem>>)
      "tpu.region"() ({
        %run_scoped3A = tpu.sem_alloc : memref<!tpu.dma_semaphore, #tpu.memory_space<semaphore_mem>>
        %dma_start3A_197 = arith.constant 0 : i32
        %dma_start3A_198 = arith.constant 0 : i32
        %dma_start3A_199 = tpu.memref_slice %arg7[%dma_start3A_197, %dma_start3A_198] : memref<10240x128xf32, #tpu.memory_space<vmem_shared>> -> memref<10240x128xf32, #tpu.memory_space<vmem_shared>>
        tpu.enqueue_indirect_dma source(%arg10 : memref<80x128xf32, #tpu.memory_space<vmem>>) target(%dma_start3A_199 : memref<10240x128xf32, #tpu.memory_space<vmem_shared>>) offsets(%arg9 : memref<80xi32, #tpu.memory_space<vmem>>) semaphore(%run_scoped3A : memref<!tpu.dma_semaphore, #tpu.memory_space<semaphore_mem>>) {add = true}
        %dma_wait3A_200 = arith.constant 0 : i32
        %dma_wait3A_201 = arith.constant 0 : i32
        %dma_wait3A_202 = tpu.memref_slice %arg7[%dma_wait3A_200, %dma_wait3A_201] : memref<10240x128xf32, #tpu.memory_space<vmem_shared>> -> memref<10240x128xf32, #tpu.memory_space<vmem_shared>>
        tpu.wait_indirect_dma semaphore(%run_scoped3A : memref<!tpu.dma_semaphore, #tpu.memory_space<semaphore_mem>>) src(%arg10 : memref<80x128xf32, #tpu.memory_space<vmem>>) dst(%dma_wait3A_202 : memref<10240x128xf32, #tpu.memory_space<vmem_shared>>)
        tpu.yield
      }) : () -> ()
    }
    %scan3A_92 = arith.constant 250 : i32
    %barrier3A_93 = arith.constant 0 : index
    tpu.barrier barrier_id(%barrier3A_93)
    %mul3A_94 = arith.constant 640 : i32
    %mul3A_95 = arith.muli %arg1, %mul3A_94 : i32
    %add3A_96 = arith.constant 0 : i32
    %add3A_97 = arith.addi %mul3A_95, %add3A_96 : i32
    "tpu.region"() ({
      %run_scoped3A = tpu.sem_alloc : memref<!tpu.dma_semaphore, #tpu.memory_space<semaphore_mem>>
      %dma_start3A = arith.constant 0 : i32
      %dma_start3A_182 = tpu.memref_slice %arg7[%add3A_97, %dma_start3A] : memref<10240x128xf32, #tpu.memory_space<vmem_shared>> -> memref<80x128xf32, #tpu.memory_space<vmem_shared>>
      %dma_start3A_183 = arith.constant 0 : i32
      %dma_start3A_184 = tpu.memref_slice %arg7[%add3A_97, %dma_start3A_183] : memref<10240x128xf32, #tpu.memory_space<vmem_shared>> -> memref<80x128xf32, #tpu.memory_space<vmem_shared>>
      tpu.enqueue_dma source(%dma_start3A_184 : memref<80x128xf32, #tpu.memory_space<vmem_shared>>) target(%arg10 : memref<80x128xf32, #tpu.memory_space<vmem>>) target_semaphore(%run_scoped3A : memref<!tpu.dma_semaphore, #tpu.memory_space<semaphore_mem>>)
      %dma_wait3A = arith.constant 0 : i32
      %dma_wait3A_185 = tpu.memref_slice %arg7[%add3A_97, %dma_wait3A] : memref<10240x128xf32, #tpu.memory_space<vmem_shared>> -> memref<80x128xf32, #tpu.memory_space<vmem_shared>>
      %dma_wait3A_186 = arith.constant 0 : i32
      %dma_wait3A_187 = tpu.memref_slice %arg7[%add3A_97, %dma_wait3A_186] : memref<10240x128xf32, #tpu.memory_space<vmem_shared>> -> memref<80x128xf32, #tpu.memory_space<vmem_shared>>
      tpu.wait_dma2 semaphore(%run_scoped3A : memref<!tpu.dma_semaphore, #tpu.memory_space<semaphore_mem>>) src(%dma_wait3A_187 : memref<80x128xf32, #tpu.memory_space<vmem_shared>>) dst(%arg10 : memref<80x128xf32, #tpu.memory_space<vmem>>)
      tpu.yield
    }) : () -> ()
    %mul3A_98 = arith.constant 10240 : i32
    %mul3A_99 = arith.muli %arg0, %mul3A_98 : i32
    %mul3A_100 = arith.constant 640 : i32
    %mul3A_101 = arith.muli %arg1, %mul3A_100 : i32
    %add3A_102 = arith.addi %mul3A_99, %mul3A_101 : i32
    %add3A_103 = arith.constant 0 : i32
    %add3A_104 = arith.addi %add3A_102, %add3A_103 : i32
    "tpu.region"() ({
      %run_scoped3A = tpu.sem_alloc : memref<!tpu.dma_semaphore, #tpu.memory_space<semaphore_mem>>
      %dma_start3A = arith.constant 0 : i32
      %dma_start3A_182 = tpu.memref_slice %arg6[%add3A_104, %dma_start3A] : memref<20480x128xf32, #tpu.memory_space<hbm>> -> memref<80x128xf32, #tpu.memory_space<hbm>>
      %dma_start3A_183 = arith.constant 0 : i32
      %dma_start3A_184 = tpu.memref_slice %arg6[%add3A_104, %dma_start3A_183] : memref<20480x128xf32, #tpu.memory_space<hbm>> -> memref<80x128xf32, #tpu.memory_space<hbm>>
      tpu.enqueue_dma source(%arg10 : memref<80x128xf32, #tpu.memory_space<vmem>>) target(%dma_start3A_184 : memref<80x128xf32, #tpu.memory_space<hbm>>) target_semaphore(%run_scoped3A : memref<!tpu.dma_semaphore, #tpu.memory_space<semaphore_mem>>)
      %dma_wait3A = arith.constant 0 : i32
      %dma_wait3A_185 = tpu.memref_slice %arg6[%add3A_104, %dma_wait3A] : memref<20480x128xf32, #tpu.memory_space<hbm>> -> memref<80x128xf32, #tpu.memory_space<hbm>>
      %dma_wait3A_186 = arith.constant 0 : i32
      %dma_wait3A_187 = tpu.memref_slice %arg6[%add3A_104, %dma_wait3A_186] : memref<20480x128xf32, #tpu.memory_space<hbm>> -> memref<80x128xf32, #tpu.memory_space<hbm>>
      tpu.wait_dma2 semaphore(%run_scoped3A : memref<!tpu.dma_semaphore, #tpu.memory_space<semaphore_mem>>) src(%arg10 : memref<80x128xf32, #tpu.memory_space<vmem>>) dst(%dma_wait3A_187 : memref<80x128xf32, #tpu.memory_space<hbm>>)
      tpu.yield
    }) : () -> ()
    %mul3A_105 = arith.constant 640 : i32
    %mul3A_106 = arith.muli %arg1, %mul3A_105 : i32
    %add3A_107 = arith.constant 80 : i32
    %add3A_108 = arith.addi %mul3A_106, %add3A_107 : i32
    "tpu.region"() ({
      %run_scoped3A = tpu.sem_alloc : memref<!tpu.dma_semaphore, #tpu.memory_space<semaphore_mem>>
      %dma_start3A = arith.constant 0 : i32
      %dma_start3A_182 = tpu.memref_slice %arg7[%add3A_108, %dma_start3A] : memref<10240x128xf32, #tpu.memory_space<vmem_shared>> -> memref<80x128xf32, #tpu.memory_space<vmem_shared>>
      %dma_start3A_183 = arith.constant 0 : i32
      %dma_start3A_184 = tpu.memref_slice %arg7[%add3A_108, %dma_start3A_183] : memref<10240x128xf32, #tpu.memory_space<vmem_shared>> -> memref<80x128xf32, #tpu.memory_space<vmem_shared>>
      tpu.enqueue_dma source(%dma_start3A_184 : memref<80x128xf32, #tpu.memory_space<vmem_shared>>) target(%arg10 : memref<80x128xf32, #tpu.memory_space<vmem>>) target_semaphore(%run_scoped3A : memref<!tpu.dma_semaphore, #tpu.memory_space<semaphore_mem>>)
      %dma_wait3A = arith.constant 0 : i32
      %dma_wait3A_185 = tpu.memref_slice %arg7[%add3A_108, %dma_wait3A] : memref<10240x128xf32, #tpu.memory_space<vmem_shared>> -> memref<80x128xf32, #tpu.memory_space<vmem_shared>>
      %dma_wait3A_186 = arith.constant 0 : i32
      %dma_wait3A_187 = tpu.memref_slice %arg7[%add3A_108, %dma_wait3A_186] : memref<10240x128xf32, #tpu.memory_space<vmem_shared>> -> memref<80x128xf32, #tpu.memory_space<vmem_shared>>
      tpu.wait_dma2 semaphore(%run_scoped3A : memref<!tpu.dma_semaphore, #tpu.memory_space<semaphore_mem>>) src(%dma_wait3A_187 : memref<80x128xf32, #tpu.memory_space<vmem_shared>>) dst(%arg10 : memref<80x128xf32, #tpu.memory_space<vmem>>)
      tpu.yield
    }) : () -> ()
    %mul3A_109 = arith.constant 10240 : i32
    %mul3A_110 = arith.muli %arg0, %mul3A_109 : i32
    %mul3A_111 = arith.constant 640 : i32
    %mul3A_112 = arith.muli %arg1, %mul3A_111 : i32
    %add3A_113 = arith.addi %mul3A_110, %mul3A_112 : i32
    %add3A_114 = arith.constant 80 : i32
    %add3A_115 = arith.addi %add3A_113, %add3A_114 : i32
    "tpu.region"() ({
      %run_scoped3A = tpu.sem_alloc : memref<!tpu.dma_semaphore, #tpu.memory_space<semaphore_mem>>
      %dma_start3A = arith.constant 0 : i32
      %dma_start3A_182 = tpu.memref_slice %arg6[%add3A_115, %dma_start3A] : memref<20480x128xf32, #tpu.memory_space<hbm>> -> memref<80x128xf32, #tpu.memory_space<hbm>>
      %dma_start3A_183 = arith.constant 0 : i32
      %dma_start3A_184 = tpu.memref_slice %arg6[%add3A_115, %dma_start3A_183] : memref<20480x128xf32, #tpu.memory_space<hbm>> -> memref<80x128xf32, #tpu.memory_space<hbm>>
      tpu.enqueue_dma source(%arg10 : memref<80x128xf32, #tpu.memory_space<vmem>>) target(%dma_start3A_184 : memref<80x128xf32, #tpu.memory_space<hbm>>) target_semaphore(%run_scoped3A : memref<!tpu.dma_semaphore, #tpu.memory_space<semaphore_mem>>)
      %dma_wait3A = arith.constant 0 : i32
      %dma_wait3A_185 = tpu.memref_slice %arg6[%add3A_115, %dma_wait3A] : memref<20480x128xf32, #tpu.memory_space<hbm>> -> memref<80x128xf32, #tpu.memory_space<hbm>>
      %dma_wait3A_186 = arith.constant 0 : i32
      %dma_wait3A_187 = tpu.memref_slice %arg6[%add3A_115, %dma_wait3A_186] : memref<20480x128xf32, #tpu.memory_space<hbm>> -> memref<80x128xf32, #tpu.memory_space<hbm>>
      tpu.wait_dma2 semaphore(%run_scoped3A : memref<!tpu.dma_semaphore, #tpu.memory_space<semaphore_mem>>) src(%arg10 : memref<80x128xf32, #tpu.memory_space<vmem>>) dst(%dma_wait3A_187 : memref<80x128xf32, #tpu.memory_space<hbm>>)
      tpu.yield
    }) : () -> ()
    %mul3A_116 = arith.constant 640 : i32
    %mul3A_117 = arith.muli %arg1, %mul3A_116 : i32
    %add3A_118 = arith.constant 160 : i32
    %add3A_119 = arith.addi %mul3A_117, %add3A_118 : i32
    "tpu.region"() ({
      %run_scoped3A = tpu.sem_alloc : memref<!tpu.dma_semaphore, #tpu.memory_space<semaphore_mem>>
      %dma_start3A = arith.constant 0 : i32
      %dma_start3A_182 = tpu.memref_slice %arg7[%add3A_119, %dma_start3A] : memref<10240x128xf32, #tpu.memory_space<vmem_shared>> -> memref<80x128xf32, #tpu.memory_space<vmem_shared>>
      %dma_start3A_183 = arith.constant 0 : i32
      %dma_start3A_184 = tpu.memref_slice %arg7[%add3A_119, %dma_start3A_183] : memref<10240x128xf32, #tpu.memory_space<vmem_shared>> -> memref<80x128xf32, #tpu.memory_space<vmem_shared>>
      tpu.enqueue_dma source(%dma_start3A_184 : memref<80x128xf32, #tpu.memory_space<vmem_shared>>) target(%arg10 : memref<80x128xf32, #tpu.memory_space<vmem>>) target_semaphore(%run_scoped3A : memref<!tpu.dma_semaphore, #tpu.memory_space<semaphore_mem>>)
      %dma_wait3A = arith.constant 0 : i32
      %dma_wait3A_185 = tpu.memref_slice %arg7[%add3A_119, %dma_wait3A] : memref<10240x128xf32, #tpu.memory_space<vmem_shared>> -> memref<80x128xf32, #tpu.memory_space<vmem_shared>>
      %dma_wait3A_186 = arith.constant 0 : i32
      %dma_wait3A_187 = tpu.memref_slice %arg7[%add3A_119, %dma_wait3A_186] : memref<10240x128xf32, #tpu.memory_space<vmem_shared>> -> memref<80x128xf32, #tpu.memory_space<vmem_shared>>
      tpu.wait_dma2 semaphore(%run_scoped3A : memref<!tpu.dma_semaphore, #tpu.memory_space<semaphore_mem>>) src(%dma_wait3A_187 : memref<80x128xf32, #tpu.memory_space<vmem_shared>>) dst(%arg10 : memref<80x128xf32, #tpu.memory_space<vmem>>)
      tpu.yield
    }) : () -> ()
    %mul3A_120 = arith.constant 10240 : i32
    %mul3A_121 = arith.muli %arg0, %mul3A_120 : i32
    %mul3A_122 = arith.constant 640 : i32
    %mul3A_123 = arith.muli %arg1, %mul3A_122 : i32
    %add3A_124 = arith.addi %mul3A_121, %mul3A_123 : i32
    %add3A_125 = arith.constant 160 : i32
    %add3A_126 = arith.addi %add3A_124, %add3A_125 : i32
    "tpu.region"() ({
      %run_scoped3A = tpu.sem_alloc : memref<!tpu.dma_semaphore, #tpu.memory_space<semaphore_mem>>
      %dma_start3A = arith.constant 0 : i32
      %dma_start3A_182 = tpu.memref_slice %arg6[%add3A_126, %dma_start3A] : memref<20480x128xf32, #tpu.memory_space<hbm>> -> memref<80x128xf32, #tpu.memory_space<hbm>>
      %dma_start3A_183 = arith.constant 0 : i32
      %dma_start3A_184 = tpu.memref_slice %arg6[%add3A_126, %dma_start3A_183] : memref<20480x128xf32, #tpu.memory_space<hbm>> -> memref<80x128xf32, #tpu.memory_space<hbm>>
      tpu.enqueue_dma source(%arg10 : memref<80x128xf32, #tpu.memory_space<vmem>>) target(%dma_start3A_184 : memref<80x128xf32, #tpu.memory_space<hbm>>) target_semaphore(%run_scoped3A : memref<!tpu.dma_semaphore, #tpu.memory_space<semaphore_mem>>)
      %dma_wait3A = arith.constant 0 : i32
      %dma_wait3A_185 = tpu.memref_slice %arg6[%add3A_126, %dma_wait3A] : memref<20480x128xf32, #tpu.memory_space<hbm>> -> memref<80x128xf32, #tpu.memory_space<hbm>>
      %dma_wait3A_186 = arith.constant 0 : i32
      %dma_wait3A_187 = tpu.memref_slice %arg6[%add3A_126, %dma_wait3A_186] : memref<20480x128xf32, #tpu.memory_space<hbm>> -> memref<80x128xf32, #tpu.memory_space<hbm>>
      tpu.wait_dma2 semaphore(%run_scoped3A : memref<!tpu.dma_semaphore, #tpu.memory_space<semaphore_mem>>) src(%arg10 : memref<80x128xf32, #tpu.memory_space<vmem>>) dst(%dma_wait3A_187 : memref<80x128xf32, #tpu.memory_space<hbm>>)
      tpu.yield
    }) : () -> ()
    %mul3A_127 = arith.constant 640 : i32
    %mul3A_128 = arith.muli %arg1, %mul3A_127 : i32
    %add3A_129 = arith.constant 240 : i32
    %add3A_130 = arith.addi %mul3A_128, %add3A_129 : i32
    "tpu.region"() ({
      %run_scoped3A = tpu.sem_alloc : memref<!tpu.dma_semaphore, #tpu.memory_space<semaphore_mem>>
      %dma_start3A = arith.constant 0 : i32
      %dma_start3A_182 = tpu.memref_slice %arg7[%add3A_130, %dma_start3A] : memref<10240x128xf32, #tpu.memory_space<vmem_shared>> -> memref<80x128xf32, #tpu.memory_space<vmem_shared>>
      %dma_start3A_183 = arith.constant 0 : i32
      %dma_start3A_184 = tpu.memref_slice %arg7[%add3A_130, %dma_start3A_183] : memref<10240x128xf32, #tpu.memory_space<vmem_shared>> -> memref<80x128xf32, #tpu.memory_space<vmem_shared>>
      tpu.enqueue_dma source(%dma_start3A_184 : memref<80x128xf32, #tpu.memory_space<vmem_shared>>) target(%arg10 : memref<80x128xf32, #tpu.memory_space<vmem>>) target_semaphore(%run_scoped3A : memref<!tpu.dma_semaphore, #tpu.memory_space<semaphore_mem>>)
      %dma_wait3A = arith.constant 0 : i32
      %dma_wait3A_185 = tpu.memref_slice %arg7[%add3A_130, %dma_wait3A] : memref<10240x128xf32, #tpu.memory_space<vmem_shared>> -> memref<80x128xf32, #tpu.memory_space<vmem_shared>>
      %dma_wait3A_186 = arith.constant 0 : i32
      %dma_wait3A_187 = tpu.memref_slice %arg7[%add3A_130, %dma_wait3A_186] : memref<10240x128xf32, #tpu.memory_space<vmem_shared>> -> memref<80x128xf32, #tpu.memory_space<vmem_shared>>
      tpu.wait_dma2 semaphore(%run_scoped3A : memref<!tpu.dma_semaphore, #tpu.memory_space<semaphore_mem>>) src(%dma_wait3A_187 : memref<80x128xf32, #tpu.memory_space<vmem_shared>>) dst(%arg10 : memref<80x128xf32, #tpu.memory_space<vmem>>)
      tpu.yield
    }) : () -> ()
    %mul3A_131 = arith.constant 10240 : i32
    %mul3A_132 = arith.muli %arg0, %mul3A_131 : i32
    %mul3A_133 = arith.constant 640 : i32
    %mul3A_134 = arith.muli %arg1, %mul3A_133 : i32
    %add3A_135 = arith.addi %mul3A_132, %mul3A_134 : i32
    %add3A_136 = arith.constant 240 : i32
    %add3A_137 = arith.addi %add3A_135, %add3A_136 : i32
    "tpu.region"() ({
      %run_scoped3A = tpu.sem_alloc : memref<!tpu.dma_semaphore, #tpu.memory_space<semaphore_mem>>
      %dma_start3A = arith.constant 0 : i32
      %dma_start3A_182 = tpu.memref_slice %arg6[%add3A_137, %dma_start3A] : memref<20480x128xf32, #tpu.memory_space<hbm>> -> memref<80x128xf32, #tpu.memory_space<hbm>>
      %dma_start3A_183 = arith.constant 0 : i32
      %dma_start3A_184 = tpu.memref_slice %arg6[%add3A_137, %dma_start3A_183] : memref<20480x128xf32, #tpu.memory_space<hbm>> -> memref<80x128xf32, #tpu.memory_space<hbm>>
      tpu.enqueue_dma source(%arg10 : memref<80x128xf32, #tpu.memory_space<vmem>>) target(%dma_start3A_184 : memref<80x128xf32, #tpu.memory_space<hbm>>) target_semaphore(%run_scoped3A : memref<!tpu.dma_semaphore, #tpu.memory_space<semaphore_mem>>)
      %dma_wait3A = arith.constant 0 : i32
      %dma_wait3A_185 = tpu.memref_slice %arg6[%add3A_137, %dma_wait3A] : memref<20480x128xf32, #tpu.memory_space<hbm>> -> memref<80x128xf32, #tpu.memory_space<hbm>>
      %dma_wait3A_186 = arith.constant 0 : i32
      %dma_wait3A_187 = tpu.memref_slice %arg6[%add3A_137, %dma_wait3A_186] : memref<20480x128xf32, #tpu.memory_space<hbm>> -> memref<80x128xf32, #tpu.memory_space<hbm>>
      tpu.wait_dma2 semaphore(%run_scoped3A : memref<!tpu.dma_semaphore, #tpu.memory_space<semaphore_mem>>) src(%arg10 : memref<80x128xf32, #tpu.memory_space<vmem>>) dst(%dma_wait3A_187 : memref<80x128xf32, #tpu.memory_space<hbm>>)
      tpu.yield
    }) : () -> ()
    %mul3A_138 = arith.constant 640 : i32
    %mul3A_139 = arith.muli %arg1, %mul3A_138 : i32
    %add3A_140 = arith.constant 320 : i32
    %add3A_141 = arith.addi %mul3A_139, %add3A_140 : i32
    "tpu.region"() ({
      %run_scoped3A = tpu.sem_alloc : memref<!tpu.dma_semaphore, #tpu.memory_space<semaphore_mem>>
      %dma_start3A = arith.constant 0 : i32
      %dma_start3A_182 = tpu.memref_slice %arg7[%add3A_141, %dma_start3A] : memref<10240x128xf32, #tpu.memory_space<vmem_shared>> -> memref<80x128xf32, #tpu.memory_space<vmem_shared>>
      %dma_start3A_183 = arith.constant 0 : i32
      %dma_start3A_184 = tpu.memref_slice %arg7[%add3A_141, %dma_start3A_183] : memref<10240x128xf32, #tpu.memory_space<vmem_shared>> -> memref<80x128xf32, #tpu.memory_space<vmem_shared>>
      tpu.enqueue_dma source(%dma_start3A_184 : memref<80x128xf32, #tpu.memory_space<vmem_shared>>) target(%arg10 : memref<80x128xf32, #tpu.memory_space<vmem>>) target_semaphore(%run_scoped3A : memref<!tpu.dma_semaphore, #tpu.memory_space<semaphore_mem>>)
      %dma_wait3A = arith.constant 0 : i32
      %dma_wait3A_185 = tpu.memref_slice %arg7[%add3A_141, %dma_wait3A] : memref<10240x128xf32, #tpu.memory_space<vmem_shared>> -> memref<80x128xf32, #tpu.memory_space<vmem_shared>>
      %dma_wait3A_186 = arith.constant 0 : i32
      %dma_wait3A_187 = tpu.memref_slice %arg7[%add3A_141, %dma_wait3A_186] : memref<10240x128xf32, #tpu.memory_space<vmem_shared>> -> memref<80x128xf32, #tpu.memory_space<vmem_shared>>
      tpu.wait_dma2 semaphore(%run_scoped3A : memref<!tpu.dma_semaphore, #tpu.memory_space<semaphore_mem>>) src(%dma_wait3A_187 : memref<80x128xf32, #tpu.memory_space<vmem_shared>>) dst(%arg10 : memref<80x128xf32, #tpu.memory_space<vmem>>)
      tpu.yield
    }) : () -> ()
    %mul3A_142 = arith.constant 10240 : i32
    %mul3A_143 = arith.muli %arg0, %mul3A_142 : i32
    %mul3A_144 = arith.constant 640 : i32
    %mul3A_145 = arith.muli %arg1, %mul3A_144 : i32
    %add3A_146 = arith.addi %mul3A_143, %mul3A_145 : i32
    %add3A_147 = arith.constant 320 : i32
    %add3A_148 = arith.addi %add3A_146, %add3A_147 : i32
    "tpu.region"() ({
      %run_scoped3A = tpu.sem_alloc : memref<!tpu.dma_semaphore, #tpu.memory_space<semaphore_mem>>
      %dma_start3A = arith.constant 0 : i32
      %dma_start3A_182 = tpu.memref_slice %arg6[%add3A_148, %dma_start3A] : memref<20480x128xf32, #tpu.memory_space<hbm>> -> memref<80x128xf32, #tpu.memory_space<hbm>>
      %dma_start3A_183 = arith.constant 0 : i32
      %dma_start3A_184 = tpu.memref_slice %arg6[%add3A_148, %dma_start3A_183] : memref<20480x128xf32, #tpu.memory_space<hbm>> -> memref<80x128xf32, #tpu.memory_space<hbm>>
      tpu.enqueue_dma source(%arg10 : memref<80x128xf32, #tpu.memory_space<vmem>>) target(%dma_start3A_184 : memref<80x128xf32, #tpu.memory_space<hbm>>) target_semaphore(%run_scoped3A : memref<!tpu.dma_semaphore, #tpu.memory_space<semaphore_mem>>)
      %dma_wait3A = arith.constant 0 : i32
      %dma_wait3A_185 = tpu.memref_slice %arg6[%add3A_148, %dma_wait3A] : memref<20480x128xf32, #tpu.memory_space<hbm>> -> memref<80x128xf32, #tpu.memory_space<hbm>>
      %dma_wait3A_186 = arith.constant 0 : i32
      %dma_wait3A_187 = tpu.memref_slice %arg6[%add3A_148, %dma_wait3A_186] : memref<20480x128xf32, #tpu.memory_space<hbm>> -> memref<80x128xf32, #tpu.memory_space<hbm>>
      tpu.wait_dma2 semaphore(%run_scoped3A : memref<!tpu.dma_semaphore, #tpu.memory_space<semaphore_mem>>) src(%arg10 : memref<80x128xf32, #tpu.memory_space<vmem>>) dst(%dma_wait3A_187 : memref<80x128xf32, #tpu.memory_space<hbm>>)
      tpu.yield
    }) : () -> ()
    %mul3A_149 = arith.constant 640 : i32
    %mul3A_150 = arith.muli %arg1, %mul3A_149 : i32
    %add3A_151 = arith.constant 400 : i32
    %add3A_152 = arith.addi %mul3A_150, %add3A_151 : i32
    "tpu.region"() ({
      %run_scoped3A = tpu.sem_alloc : memref<!tpu.dma_semaphore, #tpu.memory_space<semaphore_mem>>
      %dma_start3A = arith.constant 0 : i32
      %dma_start3A_182 = tpu.memref_slice %arg7[%add3A_152, %dma_start3A] : memref<10240x128xf32, #tpu.memory_space<vmem_shared>> -> memref<80x128xf32, #tpu.memory_space<vmem_shared>>
      %dma_start3A_183 = arith.constant 0 : i32
      %dma_start3A_184 = tpu.memref_slice %arg7[%add3A_152, %dma_start3A_183] : memref<10240x128xf32, #tpu.memory_space<vmem_shared>> -> memref<80x128xf32, #tpu.memory_space<vmem_shared>>
      tpu.enqueue_dma source(%dma_start3A_184 : memref<80x128xf32, #tpu.memory_space<vmem_shared>>) target(%arg10 : memref<80x128xf32, #tpu.memory_space<vmem>>) target_semaphore(%run_scoped3A : memref<!tpu.dma_semaphore, #tpu.memory_space<semaphore_mem>>)
      %dma_wait3A = arith.constant 0 : i32
      %dma_wait3A_185 = tpu.memref_slice %arg7[%add3A_152, %dma_wait3A] : memref<10240x128xf32, #tpu.memory_space<vmem_shared>> -> memref<80x128xf32, #tpu.memory_space<vmem_shared>>
      %dma_wait3A_186 = arith.constant 0 : i32
      %dma_wait3A_187 = tpu.memref_slice %arg7[%add3A_152, %dma_wait3A_186] : memref<10240x128xf32, #tpu.memory_space<vmem_shared>> -> memref<80x128xf32, #tpu.memory_space<vmem_shared>>
      tpu.wait_dma2 semaphore(%run_scoped3A : memref<!tpu.dma_semaphore, #tpu.memory_space<semaphore_mem>>) src(%dma_wait3A_187 : memref<80x128xf32, #tpu.memory_space<vmem_shared>>) dst(%arg10 : memref<80x128xf32, #tpu.memory_space<vmem>>)
      tpu.yield
    }) : () -> ()
    %mul3A_153 = arith.constant 10240 : i32
    %mul3A_154 = arith.muli %arg0, %mul3A_153 : i32
    %mul3A_155 = arith.constant 640 : i32
    %mul3A_156 = arith.muli %arg1, %mul3A_155 : i32
    %add3A_157 = arith.addi %mul3A_154, %mul3A_156 : i32
    %add3A_158 = arith.constant 400 : i32
    %add3A_159 = arith.addi %add3A_157, %add3A_158 : i32
    "tpu.region"() ({
      %run_scoped3A = tpu.sem_alloc : memref<!tpu.dma_semaphore, #tpu.memory_space<semaphore_mem>>
      %dma_start3A = arith.constant 0 : i32
      %dma_start3A_182 = tpu.memref_slice %arg6[%add3A_159, %dma_start3A] : memref<20480x128xf32, #tpu.memory_space<hbm>> -> memref<80x128xf32, #tpu.memory_space<hbm>>
      %dma_start3A_183 = arith.constant 0 : i32
      %dma_start3A_184 = tpu.memref_slice %arg6[%add3A_159, %dma_start3A_183] : memref<20480x128xf32, #tpu.memory_space<hbm>> -> memref<80x128xf32, #tpu.memory_space<hbm>>
      tpu.enqueue_dma source(%arg10 : memref<80x128xf32, #tpu.memory_space<vmem>>) target(%dma_start3A_184 : memref<80x128xf32, #tpu.memory_space<hbm>>) target_semaphore(%run_scoped3A : memref<!tpu.dma_semaphore, #tpu.memory_space<semaphore_mem>>)
      %dma_wait3A = arith.constant 0 : i32
      %dma_wait3A_185 = tpu.memref_slice %arg6[%add3A_159, %dma_wait3A] : memref<20480x128xf32, #tpu.memory_space<hbm>> -> memref<80x128xf32, #tpu.memory_space<hbm>>
      %dma_wait3A_186 = arith.constant 0 : i32
      %dma_wait3A_187 = tpu.memref_slice %arg6[%add3A_159, %dma_wait3A_186] : memref<20480x128xf32, #tpu.memory_space<hbm>> -> memref<80x128xf32, #tpu.memory_space<hbm>>
      tpu.wait_dma2 semaphore(%run_scoped3A : memref<!tpu.dma_semaphore, #tpu.memory_space<semaphore_mem>>) src(%arg10 : memref<80x128xf32, #tpu.memory_space<vmem>>) dst(%dma_wait3A_187 : memref<80x128xf32, #tpu.memory_space<hbm>>)
      tpu.yield
    }) : () -> ()
    %mul3A_160 = arith.constant 640 : i32
    %mul3A_161 = arith.muli %arg1, %mul3A_160 : i32
    %add3A_162 = arith.constant 480 : i32
    %add3A_163 = arith.addi %mul3A_161, %add3A_162 : i32
    "tpu.region"() ({
      %run_scoped3A = tpu.sem_alloc : memref<!tpu.dma_semaphore, #tpu.memory_space<semaphore_mem>>
      %dma_start3A = arith.constant 0 : i32
      %dma_start3A_182 = tpu.memref_slice %arg7[%add3A_163, %dma_start3A] : memref<10240x128xf32, #tpu.memory_space<vmem_shared>> -> memref<80x128xf32, #tpu.memory_space<vmem_shared>>
      %dma_start3A_183 = arith.constant 0 : i32
      %dma_start3A_184 = tpu.memref_slice %arg7[%add3A_163, %dma_start3A_183] : memref<10240x128xf32, #tpu.memory_space<vmem_shared>> -> memref<80x128xf32, #tpu.memory_space<vmem_shared>>
      tpu.enqueue_dma source(%dma_start3A_184 : memref<80x128xf32, #tpu.memory_space<vmem_shared>>) target(%arg10 : memref<80x128xf32, #tpu.memory_space<vmem>>) target_semaphore(%run_scoped3A : memref<!tpu.dma_semaphore, #tpu.memory_space<semaphore_mem>>)
      %dma_wait3A = arith.constant 0 : i32
      %dma_wait3A_185 = tpu.memref_slice %arg7[%add3A_163, %dma_wait3A] : memref<10240x128xf32, #tpu.memory_space<vmem_shared>> -> memref<80x128xf32, #tpu.memory_space<vmem_shared>>
      %dma_wait3A_186 = arith.constant 0 : i32
      %dma_wait3A_187 = tpu.memref_slice %arg7[%add3A_163, %dma_wait3A_186] : memref<10240x128xf32, #tpu.memory_space<vmem_shared>> -> memref<80x128xf32, #tpu.memory_space<vmem_shared>>
      tpu.wait_dma2 semaphore(%run_scoped3A : memref<!tpu.dma_semaphore, #tpu.memory_space<semaphore_mem>>) src(%dma_wait3A_187 : memref<80x128xf32, #tpu.memory_space<vmem_shared>>) dst(%arg10 : memref<80x128xf32, #tpu.memory_space<vmem>>)
      tpu.yield
    }) : () -> ()
    %mul3A_164 = arith.constant 10240 : i32
    %mul3A_165 = arith.muli %arg0, %mul3A_164 : i32
    %mul3A_166 = arith.constant 640 : i32
    %mul3A_167 = arith.muli %arg1, %mul3A_166 : i32
    %add3A_168 = arith.addi %mul3A_165, %mul3A_167 : i32
    %add3A_169 = arith.constant 480 : i32
    %add3A_170 = arith.addi %add3A_168, %add3A_169 : i32
    "tpu.region"() ({
      %run_scoped3A = tpu.sem_alloc : memref<!tpu.dma_semaphore, #tpu.memory_space<semaphore_mem>>
      %dma_start3A = arith.constant 0 : i32
      %dma_start3A_182 = tpu.memref_slice %arg6[%add3A_170, %dma_start3A] : memref<20480x128xf32, #tpu.memory_space<hbm>> -> memref<80x128xf32, #tpu.memory_space<hbm>>
      %dma_start3A_183 = arith.constant 0 : i32
      %dma_start3A_184 = tpu.memref_slice %arg6[%add3A_170, %dma_start3A_183] : memref<20480x128xf32, #tpu.memory_space<hbm>> -> memref<80x128xf32, #tpu.memory_space<hbm>>
      tpu.enqueue_dma source(%arg10 : memref<80x128xf32, #tpu.memory_space<vmem>>) target(%dma_start3A_184 : memref<80x128xf32, #tpu.memory_space<hbm>>) target_semaphore(%run_scoped3A : memref<!tpu.dma_semaphore, #tpu.memory_space<semaphore_mem>>)
      %dma_wait3A = arith.constant 0 : i32
      %dma_wait3A_185 = tpu.memref_slice %arg6[%add3A_170, %dma_wait3A] : memref<20480x128xf32, #tpu.memory_space<hbm>> -> memref<80x128xf32, #tpu.memory_space<hbm>>
      %dma_wait3A_186 = arith.constant 0 : i32
      %dma_wait3A_187 = tpu.memref_slice %arg6[%add3A_170, %dma_wait3A_186] : memref<20480x128xf32, #tpu.memory_space<hbm>> -> memref<80x128xf32, #tpu.memory_space<hbm>>
      tpu.wait_dma2 semaphore(%run_scoped3A : memref<!tpu.dma_semaphore, #tpu.memory_space<semaphore_mem>>) src(%arg10 : memref<80x128xf32, #tpu.memory_space<vmem>>) dst(%dma_wait3A_187 : memref<80x128xf32, #tpu.memory_space<hbm>>)
      tpu.yield
    }) : () -> ()
    %mul3A_171 = arith.constant 640 : i32
    %mul3A_172 = arith.muli %arg1, %mul3A_171 : i32
    %add3A_173 = arith.constant 560 : i32
    %add3A_174 = arith.addi %mul3A_172, %add3A_173 : i32
    "tpu.region"() ({
      %run_scoped3A = tpu.sem_alloc : memref<!tpu.dma_semaphore, #tpu.memory_space<semaphore_mem>>
      %dma_start3A = arith.constant 0 : i32
      %dma_start3A_182 = tpu.memref_slice %arg7[%add3A_174, %dma_start3A] : memref<10240x128xf32, #tpu.memory_space<vmem_shared>> -> memref<80x128xf32, #tpu.memory_space<vmem_shared>>
      %dma_start3A_183 = arith.constant 0 : i32
      %dma_start3A_184 = tpu.memref_slice %arg7[%add3A_174, %dma_start3A_183] : memref<10240x128xf32, #tpu.memory_space<vmem_shared>> -> memref<80x128xf32, #tpu.memory_space<vmem_shared>>
      tpu.enqueue_dma source(%dma_start3A_184 : memref<80x128xf32, #tpu.memory_space<vmem_shared>>) target(%arg10 : memref<80x128xf32, #tpu.memory_space<vmem>>) target_semaphore(%run_scoped3A : memref<!tpu.dma_semaphore, #tpu.memory_space<semaphore_mem>>)
      %dma_wait3A = arith.constant 0 : i32
      %dma_wait3A_185 = tpu.memref_slice %arg7[%add3A_174, %dma_wait3A] : memref<10240x128xf32, #tpu.memory_space<vmem_shared>> -> memref<80x128xf32, #tpu.memory_space<vmem_shared>>
      %dma_wait3A_186 = arith.constant 0 : i32
      %dma_wait3A_187 = tpu.memref_slice %arg7[%add3A_174, %dma_wait3A_186] : memref<10240x128xf32, #tpu.memory_space<vmem_shared>> -> memref<80x128xf32, #tpu.memory_space<vmem_shared>>
      tpu.wait_dma2 semaphore(%run_scoped3A : memref<!tpu.dma_semaphore, #tpu.memory_space<semaphore_mem>>) src(%dma_wait3A_187 : memref<80x128xf32, #tpu.memory_space<vmem_shared>>) dst(%arg10 : memref<80x128xf32, #tpu.memory_space<vmem>>)
      tpu.yield
    }) : () -> ()
    %mul3A_175 = arith.constant 10240 : i32
    %mul3A_176 = arith.muli %arg0, %mul3A_175 : i32
    %mul3A_177 = arith.constant 640 : i32
    %mul3A_178 = arith.muli %arg1, %mul3A_177 : i32
    %add3A_179 = arith.addi %mul3A_176, %mul3A_178 : i32
    %add3A_180 = arith.constant 560 : i32
    %add3A_181 = arith.addi %add3A_179, %add3A_180 : i32
    "tpu.region"() ({
      %run_scoped3A = tpu.sem_alloc : memref<!tpu.dma_semaphore, #tpu.memory_space<semaphore_mem>>
      %dma_start3A = arith.constant 0 : i32
      %dma_start3A_182 = tpu.memref_slice %arg6[%add3A_181, %dma_start3A] : memref<20480x128xf32, #tpu.memory_space<hbm>> -> memref<80x128xf32, #tpu.memory_space<hbm>>
      %dma_start3A_183 = arith.constant 0 : i32
      %dma_start3A_184 = tpu.memref_slice %arg6[%add3A_181, %dma_start3A_183] : memref<20480x128xf32, #tpu.memory_space<hbm>> -> memref<80x128xf32, #tpu.memory_space<hbm>>
      tpu.enqueue_dma source(%arg10 : memref<80x128xf32, #tpu.memory_space<vmem>>) target(%dma_start3A_184 : memref<80x128xf32, #tpu.memory_space<hbm>>) target_semaphore(%run_scoped3A : memref<!tpu.dma_semaphore, #tpu.memory_space<semaphore_mem>>)
      %dma_wait3A = arith.constant 0 : i32
      %dma_wait3A_185 = tpu.memref_slice %arg6[%add3A_181, %dma_wait3A] : memref<20480x128xf32, #tpu.memory_space<hbm>> -> memref<80x128xf32, #tpu.memory_space<hbm>>
      %dma_wait3A_186 = arith.constant 0 : i32
      %dma_wait3A_187 = tpu.memref_slice %arg6[%add3A_181, %dma_wait3A_186] : memref<20480x128xf32, #tpu.memory_space<hbm>> -> memref<80x128xf32, #tpu.memory_space<hbm>>
      tpu.wait_dma2 semaphore(%run_scoped3A : memref<!tpu.dma_semaphore, #tpu.memory_space<semaphore_mem>>) src(%arg10 : memref<80x128xf32, #tpu.memory_space<vmem>>) dst(%dma_wait3A_187 : memref<80x128xf32, #tpu.memory_space<hbm>>)
      tpu.yield
    }) : () -> ()
    return
  }
}

module attributes {stable_mosaic.version = 14 : i64} {
  func.func @_s_body(%arg0: i32, %arg1: memref<2x2048xf32, #tpu.memory_space<vmem>>, %arg2: memref<2048x1xf32, #tpu.memory_space<vmem>>) attributes {dimension_semantics = [#tpu.dimension_semantics<arbitrary>], iteration_bounds = array<i64: 5>, scalar_prefetch = 0 : i64, scratch_operands = 0 : i64, tpu.core_type = #tpu.core_type<tc>, window_params = [{transform_indices = @transform_0, window_bounds = array<i64: 2, 2048>}, {transform_indices = @transform_1, window_bounds = array<i64: 2048, 1>}]} {
    %get3A = arith.constant 0 : index
    %get3A_0 = arith.constant 0 : index
    %get3A_1 = vector.load %arg1[%get3A, %get3A_0] : memref<2x2048xf32, #tpu.memory_space<vmem>>, vector<1x2048xf32>
    %get3A_2 = vector.shape_cast %get3A_1 : vector<1x2048xf32> to vector<2048xf32>
    %add3A = arith.constant 1.000000e+00 : f32
    %add3A_3 = vector.broadcast %add3A : f32 to vector<2048xf32>
    %add3A_4 = arith.addf %add3A_3, %get3A_2 : vector<2048xf32>
    %get3A_5 = arith.constant 1 : index
    %get3A_6 = arith.constant 0 : index
    %get3A_7 = vector.load %arg1[%get3A_5, %get3A_6] : memref<2x2048xf32, #tpu.memory_space<vmem>>, vector<1x2048xf32>
    %get3A_8 = vector.shape_cast %get3A_7 : vector<1x2048xf32> to vector<2048xf32>
    %add3A_9 = arith.addf %add3A_4, %get3A_8 : vector<2048xf32>
    %rsqrt3A = math.rsqrt %add3A_9 : vector<2048xf32>
    %broadcast_in_dim3A = vector.shape_cast %rsqrt3A : vector<2048xf32> to vector<2048x1xf32>
    %swap3A = arith.constant 0 : index
    %swap3A_10 = arith.constant 0 : index
    %swap3A_11 = vector.load %arg2[%swap3A, %swap3A_10] : memref<2048x1xf32, #tpu.memory_space<vmem>>, vector<2048x1xf32>
    tpu.vector_store %arg2[%swap3A, %swap3A_10], %broadcast_in_dim3A {strides = array<i32>} : memref<2048x1xf32, #tpu.memory_space<vmem>>, vector<2048x1xf32>,
    return
  }
  func.func @transform_0(%arg0: i32) -> (i32, i32) {
    %c0_i32 = arith.constant 0 : i32
    %c0_i32_0 = arith.constant 0 : i32
    return %c0_i32, %arg0 : i32, i32
  }
  func.func @transform_1(%arg0: i32) -> (i32, i32) {
    %c0_i32 = arith.constant 0 : i32
    %c0_i32_0 = arith.constant 0 : i32
    return %arg0, %c0_i32 : i32, i32
  }
}

module attributes {stable_mosaic.version = 14 : i64} {
  func.func @_fused_body(%arg0: i32, %arg1: memref<2000x128xf32, #tpu.memory_space<vmem>>, %arg2: memref<128x384xf32, #tpu.memory_space<vmem>>, %arg3: memref<1x384xf32, #tpu.memory_space<vmem>>, %arg4: memref<2000x1xf32, #tpu.memory_space<vmem>>, %arg5: memref<2000x128xf32, #tpu.memory_space<vmem>>, %arg6: memref<2x2000x128xf32, #tpu.memory_space<vmem>>) attributes {dimension_semantics = [#tpu.dimension_semantics<arbitrary>], iteration_bounds = array<i64: 5>, scalar_prefetch = 0 : i64, scratch_operands = 0 : i64, tpu.core_type = #tpu.core_type<tc>, window_params = [{transform_indices = @transform_0, window_bounds = array<i64: 2000, 128>}, {pipeline_mode = #tpu.pipeline_mode<synchronous>, transform_indices = @transform_1, window_bounds = array<i64: 128, 384>}, {pipeline_mode = #tpu.pipeline_mode<synchronous>, transform_indices = @transform_2, window_bounds = array<i64: 1, 384>}, {transform_indices = @transform_3, window_bounds = array<i64: 2000, 1>}, {transform_indices = @transform_4, window_bounds = array<i64: 2000, 128>}, {transform_indices = @transform_5, window_bounds = array<i64: 2, 2000, 128>}]} {
    %get3A = arith.constant 0 : index
    %get3A_0 = arith.constant 0 : index
    %get3A_1 = vector.load %arg1[%get3A, %get3A_0] : memref<2000x128xf32, #tpu.memory_space<vmem>>, vector<2000x128xf32>
    %get3A_2 = arith.constant 0 : index
    %get3A_3 = arith.constant 0 : index
    %get3A_4 = vector.load %arg2[%get3A_2, %get3A_3] : memref<128x384xf32, #tpu.memory_space<vmem>>, vector<128x384xf32>
    %dot_general3A = arith.constant dense<0.000000e+00> : vector<2000x384xf32>
    %dot_general3A_5 = tpu.matmul %get3A_1, %get3A_4, %dot_general3A {dimension_numbers = #tpu.dot_dimension_numbers<[1], [0], [0], [1], [0, 0, 1, 1], [], []>, transpose_lhs_hint = false} : vector<2000x128xf32>, vector<128x384xf32>, vector<2000x384xf32> -> vector<2000x384xf32>
    %get3A_6 = arith.constant 0 : index
    %get3A_7 = arith.constant 0 : index
    %get3A_8 = vector.load %arg3[%get3A_6, %get3A_7] : memref<1x384xf32, #tpu.memory_space<vmem>>, vector<1x384xf32>
    %add3A = vector.broadcast %get3A_8 : vector<1x384xf32> to vector<2000x384xf32>
    %add3A_9 = arith.addf %dot_general3A_5, %add3A : vector<2000x384xf32>
    %get3A_10 = arith.constant 0 : index
    %get3A_11 = arith.constant 0 : index
    %get3A_12 = vector.load %arg4[%get3A_10, %get3A_11] : memref<2000x1xf32, #tpu.memory_space<vmem>>, vector<2000x1xf32>
    %slice3A = vector.extract_strided_slice %add3A_9 {offsets = [0, 0], sizes = [2000, 128], strides = [1, 1]} : vector<2000x384xf32> to vector<2000x128xf32>
    %swap3A = arith.constant 0 : index
    %swap3A_13 = arith.constant 0 : index
    %swap3A_14 = vector.load %arg5[%swap3A, %swap3A_13] : memref<2000x128xf32, #tpu.memory_space<vmem>>, vector<2000x128xf32>
    tpu.vector_store %arg5[%swap3A, %swap3A_13], %slice3A {strides = array<i32>} : memref<2000x128xf32, #tpu.memory_space<vmem>>, vector<2000x128xf32>,
    %slice3A_15 = vector.extract_strided_slice %add3A_9 {offsets = [0, 128], sizes = [2000, 128], strides = [1, 1]} : vector<2000x384xf32> to vector<2000x128xf32>
    %mul3A = vector.broadcast %get3A_12 : vector<2000x1xf32> to vector<2000x128xf32>
    %mul3A_16 = arith.mulf %mul3A, %slice3A_15 : vector<2000x128xf32>
    %swap3A_17 = arith.constant 0 : index
    %swap3A_18 = arith.constant 0 : index
    %swap3A_19 = arith.constant 0 : index
    %swap3A_20 = vector.load %arg6[%swap3A_17, %swap3A_18, %swap3A_19] : memref<2x2000x128xf32, #tpu.memory_space<vmem>>, vector<1x2000x128xf32>
    %swap3A_21 = vector.shape_cast %swap3A_20 : vector<1x2000x128xf32> to vector<2000x128xf32>
    %swap3A_22 = vector.shape_cast %mul3A_16 : vector<2000x128xf32> to vector<1x2000x128xf32>
    tpu.vector_store %arg6[%swap3A_17, %swap3A_18, %swap3A_19], %swap3A_22 {strides = array<i32>} : memref<2x2000x128xf32, #tpu.memory_space<vmem>>, vector<1x2000x128xf32>,
    %slice3A_23 = vector.extract_strided_slice %add3A_9 {offsets = [0, 256], sizes = [2000, 128], strides = [1, 1]} : vector<2000x384xf32> to vector<2000x128xf32>
    %mul3A_24 = vector.broadcast %get3A_12 : vector<2000x1xf32> to vector<2000x128xf32>
    %mul3A_25 = arith.mulf %mul3A_24, %slice3A_23 : vector<2000x128xf32>
    %swap3A_26 = arith.constant 1 : index
    %swap3A_27 = arith.constant 0 : index
    %swap3A_28 = arith.constant 0 : index
    %swap3A_29 = vector.load %arg6[%swap3A_26, %swap3A_27, %swap3A_28] : memref<2x2000x128xf32, #tpu.memory_space<vmem>>, vector<1x2000x128xf32>
    %swap3A_30 = vector.shape_cast %swap3A_29 : vector<1x2000x128xf32> to vector<2000x128xf32>
    %swap3A_31 = vector.shape_cast %mul3A_25 : vector<2000x128xf32> to vector<1x2000x128xf32>
    tpu.vector_store %arg6[%swap3A_26, %swap3A_27, %swap3A_28], %swap3A_31 {strides = array<i32>} : memref<2x2000x128xf32, #tpu.memory_space<vmem>>, vector<1x2000x128xf32>,
    return
  }
  func.func @transform_0(%arg0: i32) -> (i32, i32) {
    %c0_i32 = arith.constant 0 : i32
    %c0_i32_0 = arith.constant 0 : i32
    return %arg0, %c0_i32 : i32, i32
  }
  func.func @transform_1(%arg0: i32) -> (i32, i32) {
    %c0_i32 = arith.constant 0 : i32
    %c0_i32_0 = arith.constant 0 : i32
    %c0_i32_1 = arith.constant 0 : i32
    return %c0_i32, %c0_i32_0 : i32, i32
  }
  func.func @transform_2(%arg0: i32) -> (i32, i32) {
    %c0_i32 = arith.constant 0 : i32
    %c0_i32_0 = arith.constant 0 : i32
    %c0_i32_1 = arith.constant 0 : i32
    return %c0_i32, %c0_i32_0 : i32, i32
  }
  func.func @transform_3(%arg0: i32) -> (i32, i32) {
    %c0_i32 = arith.constant 0 : i32
    %c0_i32_0 = arith.constant 0 : i32
    return %arg0, %c0_i32 : i32, i32
  }
  func.func @transform_4(%arg0: i32) -> (i32, i32) {
    %c0_i32 = arith.constant 0 : i32
    %c0_i32_0 = arith.constant 0 : i32
    return %arg0, %c0_i32 : i32, i32
  }
  func.func @transform_5(%arg0: i32) -> (i32, i32, i32) {
    %c0_i32 = arith.constant 0 : i32
    %c0_i32_0 = arith.constant 0 : i32
    %c0_i32_1 = arith.constant 0 : i32
    return %c0_i32, %arg0, %c0_i32_0 : i32, i32, i32
  }
}

module attributes {stable_mosaic.version = 14 : i64} {
  func.func @_mid_body(%arg0: i32, %arg1: memref<2x2000x128xf32, #tpu.memory_space<vmem>>, %arg2: memref<2000x1xf32, #tpu.memory_space<vmem>>, %arg3: memref<2000x128xf32, #tpu.memory_space<vmem>>, %arg4: memref<2000x128xf32, #tpu.memory_space<vmem>>) attributes {dimension_semantics = [#tpu.dimension_semantics<arbitrary>], iteration_bounds = array<i64: 5>, scalar_prefetch = 0 : i64, scratch_operands = 0 : i64, tpu.core_type = #tpu.core_type<tc>, window_params = [{transform_indices = @transform_0, window_bounds = array<i64: 2, 2000, 128>}, {transform_indices = @transform_1, window_bounds = array<i64: 2000, 1>}, {transform_indices = @transform_2, window_bounds = array<i64: 2000, 128>}, {transform_indices = @transform_3, window_bounds = array<i64: 2000, 128>}]} {
    %get3A = arith.constant 0 : index
    %get3A_0 = arith.constant 0 : index
    %get3A_1 = vector.load %arg2[%get3A, %get3A_0] : memref<2000x1xf32, #tpu.memory_space<vmem>>, vector<2000x1xf32>
    %get3A_2 = arith.constant 0 : index
    %get3A_3 = arith.constant 0 : index
    %get3A_4 = arith.constant 0 : index
    %get3A_5 = vector.load %arg1[%get3A_2, %get3A_3, %get3A_4] : memref<2x2000x128xf32, #tpu.memory_space<vmem>>, vector<1x2000x128xf32>
    %get3A_6 = vector.shape_cast %get3A_5 : vector<1x2000x128xf32> to vector<2000x128xf32>
    %mul3A = vector.broadcast %get3A_1 : vector<2000x1xf32> to vector<2000x128xf32>
    %mul3A_7 = arith.mulf %mul3A, %get3A_6 : vector<2000x128xf32>
    %swap3A = arith.constant 0 : index
    %swap3A_8 = arith.constant 0 : index
    %swap3A_9 = vector.load %arg3[%swap3A, %swap3A_8] : memref<2000x128xf32, #tpu.memory_space<vmem>>, vector<2000x128xf32>
    tpu.vector_store %arg3[%swap3A, %swap3A_8], %mul3A_7 {strides = array<i32>} : memref<2000x128xf32, #tpu.memory_space<vmem>>, vector<2000x128xf32>,
    %mul3A_10 = arith.mulf %get3A_1, %get3A_1 : vector<2000x1xf32>
    %get3A_11 = arith.constant 1 : index
    %get3A_12 = arith.constant 0 : index
    %get3A_13 = arith.constant 0 : index
    %get3A_14 = vector.load %arg1[%get3A_11, %get3A_12, %get3A_13] : memref<2x2000x128xf32, #tpu.memory_space<vmem>>, vector<1x2000x128xf32>
    %get3A_15 = vector.shape_cast %get3A_14 : vector<1x2000x128xf32> to vector<2000x128xf32>
    %mul3A_16 = vector.broadcast %mul3A_10 : vector<2000x1xf32> to vector<2000x128xf32>
    %mul3A_17 = arith.mulf %mul3A_16, %get3A_15 : vector<2000x128xf32>
    %swap3A_18 = arith.constant 0 : index
    %swap3A_19 = arith.constant 0 : index
    %swap3A_20 = vector.load %arg4[%swap3A_18, %swap3A_19] : memref<2000x128xf32, #tpu.memory_space<vmem>>, vector<2000x128xf32>
    tpu.vector_store %arg4[%swap3A_18, %swap3A_19], %mul3A_17 {strides = array<i32>} : memref<2000x128xf32, #tpu.memory_space<vmem>>, vector<2000x128xf32>,
    return
  }
  func.func @transform_0(%arg0: i32) -> (i32, i32, i32) {
    %c0_i32 = arith.constant 0 : i32
    %c0_i32_0 = arith.constant 0 : i32
    %c0_i32_1 = arith.constant 0 : i32
    return %c0_i32, %arg0, %c0_i32_0 : i32, i32, i32
  }
  func.func @transform_1(%arg0: i32) -> (i32, i32) {
    %c0_i32 = arith.constant 0 : i32
    %c0_i32_0 = arith.constant 0 : i32
    return %arg0, %c0_i32 : i32, i32
  }
  func.func @transform_2(%arg0: i32) -> (i32, i32) {
    %c0_i32 = arith.constant 0 : i32
    %c0_i32_0 = arith.constant 0 : i32
    return %arg0, %c0_i32 : i32, i32
  }
  func.func @transform_3(%arg0: i32) -> (i32, i32) {
    %c0_i32 = arith.constant 0 : i32
    %c0_i32_0 = arith.constant 0 : i32
    return %arg0, %c0_i32 : i32, i32
  }
}

module attributes {stable_mosaic.version = 14 : i64} {
  func.func @_final_body(%arg0: i32, %arg1: memref<2x2000x128xf32, #tpu.memory_space<vmem>>, %arg2: memref<2000x128xf32, #tpu.memory_space<vmem>>, %arg3: memref<2000x1xf32, #tpu.memory_space<vmem>>, %arg4: memref<2000x128xf32, #tpu.memory_space<vmem>>) attributes {dimension_semantics = [#tpu.dimension_semantics<arbitrary>], iteration_bounds = array<i64: 5>, scalar_prefetch = 0 : i64, scratch_operands = 0 : i64, tpu.core_type = #tpu.core_type<tc>, window_params = [{transform_indices = @transform_0, window_bounds = array<i64: 2, 2000, 128>}, {transform_indices = @transform_1, window_bounds = array<i64: 2000, 128>}, {transform_indices = @transform_2, window_bounds = array<i64: 2000, 1>}, {transform_indices = @transform_3, window_bounds = array<i64: 2000, 128>}]} {
    %get3A = arith.constant 0 : index
    %get3A_0 = arith.constant 0 : index
    %get3A_1 = vector.load %arg3[%get3A, %get3A_0] : memref<2000x1xf32, #tpu.memory_space<vmem>>, vector<2000x1xf32>
    %get3A_2 = arith.constant 0 : index
    %get3A_3 = arith.constant 0 : index
    %get3A_4 = arith.constant 0 : index
    %get3A_5 = vector.load %arg1[%get3A_2, %get3A_3, %get3A_4] : memref<2x2000x128xf32, #tpu.memory_space<vmem>>, vector<1x2000x128xf32>
    %get3A_6 = vector.shape_cast %get3A_5 : vector<1x2000x128xf32> to vector<2000x128xf32>
    %get3A_7 = arith.constant 1 : index
    %get3A_8 = arith.constant 0 : index
    %get3A_9 = arith.constant 0 : index
    %get3A_10 = vector.load %arg1[%get3A_7, %get3A_8, %get3A_9] : memref<2x2000x128xf32, #tpu.memory_space<vmem>>, vector<1x2000x128xf32>
    %get3A_11 = vector.shape_cast %get3A_10 : vector<1x2000x128xf32> to vector<2000x128xf32>
    %add3A = arith.addf %get3A_6, %get3A_11 : vector<2000x128xf32>
    %get3A_12 = arith.constant 0 : index
    %get3A_13 = arith.constant 0 : index
    %get3A_14 = vector.load %arg2[%get3A_12, %get3A_13] : memref<2000x128xf32, #tpu.memory_space<vmem>>, vector<2000x128xf32>
    %sub3A = arith.subf %add3A, %get3A_14 : vector<2000x128xf32>
    %mul3A = vector.broadcast %get3A_1 : vector<2000x1xf32> to vector<2000x128xf32>
    %mul3A_15 = arith.mulf %mul3A, %sub3A : vector<2000x128xf32>
    %swap3A = arith.constant 0 : index
    %swap3A_16 = arith.constant 0 : index
    %swap3A_17 = vector.load %arg4[%swap3A, %swap3A_16] : memref<2000x128xf32, #tpu.memory_space<vmem>>, vector<2000x128xf32>
    tpu.vector_store %arg4[%swap3A, %swap3A_16], %mul3A_15 {strides = array<i32>} : memref<2000x128xf32, #tpu.memory_space<vmem>>, vector<2000x128xf32>,
    return
  }
  func.func @transform_0(%arg0: i32) -> (i32, i32, i32) {
    %c0_i32 = arith.constant 0 : i32
    %c0_i32_0 = arith.constant 0 : i32
    %c0_i32_1 = arith.constant 0 : i32
    return %c0_i32, %arg0, %c0_i32_0 : i32, i32, i32
  }
  func.func @transform_1(%arg0: i32) -> (i32, i32) {
    %c0_i32 = arith.constant 0 : i32
    %c0_i32_0 = arith.constant 0 : i32
    return %arg0, %c0_i32 : i32, i32
  }
  func.func @transform_2(%arg0: i32) -> (i32, i32) {
    %c0_i32 = arith.constant 0 : i32
    %c0_i32_0 = arith.constant 0 : i32
    return %arg0, %c0_i32 : i32, i32
  }
  func.func @transform_3(%arg0: i32) -> (i32, i32) {
    %c0_i32 = arith.constant 0 : i32
    %c0_i32_0 = arith.constant 0 : i32
    return %arg0, %c0_i32 : i32, i32
  }
}

</mosaic_0001>

<sc_bundles>
// kernel: kernel.12.cloned.1.call-start
scs
__scs_entry_jumppad:
0x0: {  	(pc) =	sbr.rel $0x88, $3  }
0x1: {  	(tag) =	ssettag $0x0;
	lr =	simm.s32 $0x1  }
0x2: {  	[smem:$0x3F99] =	sst lr;
	_ =	strace $0xD0000000  }
0x3: {  	_ = 	snop  }
0x4: {  	_ = 	snop  }
0x5: {  	_ = 	snop  }
0x6: {  	_ = 	snop  }
0x7: {  	_ = 	snop  }
__scs_overlays_trampoline_lowered:
0x8: {  	[smem:$0x3FA8] =	sst s0  }
0x9: {  	[smem:$0x3FA9] =	sst s1  }
0xa: {  	[smem:$0x3FAA] =	sst s2  }
0xb: {  	[smem:$0x3FAB] =	sst s3  }
0xc: {  	[smem:$0x3FAC] =	sst s4  }
0xd: {  	[smem:$0x3FAD] =	sst s5  }
0xe: {  	[smem:$0x3FAE] =	sst s6  }
0xf: {  	[smem:$0x3FAF] =	sst s7  }
0x10: {  	[smem:$0x3FB0] =	sst s8  }
0x11: {  	[smem:$0x3FB1] =	sst s9;
	s0 =	simm.s32 @!p0 $0x0  }
0x12: {  	s1 =	sld [smem:$0x3F97];
	s0 =	simm.s32 @p0 $0x1  }
0x13: {  	[smem:$0x3FB2] =	sst s0;
	s0 =	simm.s32 @!p1 $0x0  }
0x14: {  	s2 =	sld [smem:$0x3F96];
	s0 =	simm.s32 @p1 $0x1  }
0x15: {  	[smem:$0x3FB3] =	sst s0;
	s0 =	simm.s32 @!p2 $0x0  }
0x16: {  	s3 =	sld [smem:$0x3FDB];
	s0 =	simm.s32 @p2 $0x1  }
0x17: {  	s4 =	simm.s32 $0x1BF5;
	[smem:$0x3FB5] =	sst s0  }
0x18: {  	s0 =	sld [smem:$0x3F98];
	_ =	swait.ge [sflag:s4], $0x0  }
0x19: {  	s7 =	sld [smem:$0x3F99]  }
0x1a: {  	s8 =	sadd.s32 $0xFFFFE003, lr  }
0x1b: {  	s9 =	sadd.s32 $0xFFFFFEF7, lr;
	s5 =	simm.s32 $0xFFFFFFFF;
	p2 =	slt.u32 s8, $0xFFFFF086  }
0x1c: {  	p1 =	slt.u32 s9, $0xF7A;
	s5 =	simm.s32 @!p2 $0x0  }
0x1d: {  	s5 =	simm.s32 @p1 $0x1;
	p0 =	seq.s32 s7, s2  }
0x1e: {  	s7 =	smul.u32 @!p0 $0xF7A, s2;
	p2 =	seq.s32 @!p0 s5, $0x0  }
0x1f: {  	s9 =	smul.u32 $0xF7A, s1;
	s8 =	simm.s32 @!p0 $0x1BF5;
	p2 =	por !p2, p0  }
0x20: {  	[sflag:s8] =	ssyncset.s32 @!p0 $0xFFFFF086;
	s6 =	sadd.s32 @!p0 s3, s7;
	s7 =	simm.s32 @!p0 $0x108  }
0x21: {  	s3 =	sadd.s32 s3, s9;
	s6 =	sadd.s32 @!p0 $0x88, s6;
	s7 =	simm.s32 @p2 $0x1082  }
0x22: {  	[simem:s7], [sflag:s8] =	dma.local @!p0 [hbm:s6], $0xF7A  }
0x23: {  	s9 =	sor.u32 $0xD0000000, s2;
	s6 =	simm.s32 $0x108;
	_ =	swait.ge @!p0 [sflag:s8], $0x0  }
0x24: {  	s3 =	sadd.s32 $0x88, s3;
	s6 =	simm.s32 @!p1 $0x1082;
	[sflag:s4] =	ssyncset.s32 $0xFFFFF086  }
0x25: {  	[simem:s6], [sflag:s4] =	dma.local [hbm:s3], $0xF7A  }
0x26: {  	[smem:$0x3F99] =	sst s1;
	(tag) =	ssettag s2;
	_ =	strace s9  }
0x27: {  	s1 =	sld [smem:$0x3FA9]  }
0x28: {  	s2 =	sld [smem:$0x3FAA]  }
0x29: {  	s4 =	sld [smem:$0x3FAC]  }
0x2a: {  	p0 =	seq.s32 s5, $0x0;
	s5 =	sld [smem:$0x3FAD]  }
0x2b: {  	s6 =	sld [smem:$0x3FAE]  }
0x2c: {  	s7 =	sld [smem:$0x3FAF]  }
0x2d: {  	s3 =	simm.s32 $0x108;
	s8 =	sld [smem:$0x3FB0]  }
0x2e: {  	s3 =	simm.s32 @!p0 $0x1082;
	s9 =	sld [smem:$0x3FB1]  }
0x2f: {  	lr =	sadd.s32 s0, s3;
	s0 =	sld [smem:$0x3FA8]  }
0x30: {  	s3 =	sld [smem:$0x3FAB]  }
0x31: {  	[smem:$0x3FB4] =	sst s10  }
0x32: {  	s10 =	sld [smem:$0x3FB2];
	_ =	sdelay $0x3  }
0x33: {  	p0 =	seq.s32 s10, $0x1;
	s10 =	sld [smem:$0x3FB4];
	_ =	sdelay $0x3  }
0x34: {  	[smem:$0x3FB4] =	sst s10  }
0x35: {  	s10 =	sld [smem:$0x3FB3];
	_ =	sdelay $0x3  }
0x36: {  	p1 =	seq.s32 s10, $0x1;
	s10 =	sld [smem:$0x3FB4];
	_ =	sdelay $0x3  }
0x37: {  	[smem:$0x3FB4] =	sst s10  }
0x38: {  	s10 =	sld [smem:$0x3FB5]  }
0x39: {  	_ = 	snop;
	(pc) =	sbr.ind lr, $3  }
0x3a: {  	_ = 	snop  }
0x3b: {  	_ = 	snop  }
0x3c: {  	p2 =	seq.s32 s10, $0x1;
	s10 =	sld [smem:$0x3FB4]  }
0x3d: {  	_ =	shalt  }
0x3e: {  	_ =	shalt  }
0x3f: {  	_ =	shalt  }
0x40: {  	_ =	shalt  }
0x41: {  	_ =	shalt  }
0x42: {  	_ =	shalt  }
0x43: {  	_ =	shalt  }
0x44: {  	_ =	shalt  }
0x45: {  	_ =	shalt  }
0x46: {  	_ =	shalt  }
0x47: {  	_ =	shalt  }
0x48: {  	_ =	shalt  }
0x49: {  	_ =	shalt  }
0x4a: {  	_ =	shalt  }
0x4b: {  	_ =	shalt  }
0x4c: {  	_ =	shalt  }
0x4d: {  	_ =	shalt  }
0x4e: {  	_ =	shalt  }
0x4f: {  	_ =	shalt  }
0x50: {  	_ =	shalt  }
0x51: {  	_ =	shalt  }
0x52: {  	_ =	shalt  }
0x53: {  	_ =	shalt  }
0x54: {  	_ =	shalt  }
0x55: {  	_ =	shalt  }
0x56: {  	_ =	shalt  }
0x57: {  	_ =	shalt  }
0x58: {  	_ =	shalt  }
0x59: {  	_ =	shalt  }
0x5a: {  	_ =	shalt  }
0x5b: {  	_ =	shalt  }
0x5c: {  	_ =	shalt  }
0x5d: {  	_ =	shalt  }
0x5e: {  	_ =	shalt  }
0x5f: {  	_ =	shalt  }
0x60: {  	_ =	shalt  }
0x61: {  	_ =	shalt  }
0x62: {  	_ =	shalt  }
0x63: {  	_ =	shalt  }
0x64: {  	_ =	shalt  }
0x65: {  	_ =	shalt  }
0x66: {  	_ =	shalt  }
0x67: {  	_ =	shalt  }
0x68: {  	_ =	shalt  }
0x69: {  	_ =	shalt  }
0x6a: {  	_ =	shalt  }
0x6b: {  	_ =	shalt  }
0x6c: {  	_ =	shalt  }
0x6d: {  	_ =	shalt  }
0x6e: {  	_ =	shalt  }
0x6f: {  	_ =	shalt  }
0x70: {  	_ =	shalt  }
0x71: {  	_ =	shalt  }
0x72: {  	_ =	shalt  }
0x73: {  	_ =	shalt  }
0x74: {  	_ =	shalt  }
0x75: {  	_ =	shalt  }
0x76: {  	_ =	shalt  }
0x77: {  	_ =	shalt  }
0x78: {  	_ =	shalt  }
0x79: {  	_ =	shalt  }
0x7a: {  	_ =	shalt  }
0x7b: {  	_ =	shalt  }
0x7c: {  	_ =	shalt  }
0x7d: {  	_ =	shalt  }
0x7e: {  	_ =	shalt  }
0x7f: {  	_ =	shalt  }
0x80: {  	_ =	shalt  }
0x81: {  	_ =	shalt  }
0x82: {  	_ =	shalt  }
0x83: {  	_ =	shalt  }
0x84: {  	_ =	shalt  }
0x85: {  	_ =	shalt  }
0x86: {  	_ =	shalt  }
0x87: {  	_ =	shalt  }
.Lfunc_end0:
.L_simem_size_0:
called_computation.1_lowered:
.L_overlay_start_0:
0x88: {  	s2 =	sld [smem:$0x3FD9]  }
0x89: {  	s3 =	sld [smem:$0x3FFE];
	_ =	sdelay $0x1  }
0x8a: {  	s1 =	srdreg.scid  }
0x8b: {  	s0 =	sand.u32 $0x1, s1  }
0x8c: {  	s17 =	sshll.u32 s0, $0xA;
	s2 =	sadd.s32 s3, s2  }
0x8d: {  	s2 =	sadd.s32 s2, s17  }
0x8e: {  	[smem:$0x3FC0] =	sst s2  }
0x8f: {  	_ = 	snop  }
0x90: {  	s2 =	sld [smem:$0x3FD0];
	(tm) =	ssettm $0x1  }
0x91: {  	s18 =	sld [smem:$0x3FFB];
	_ =	sdelay $0x3  }
0x92: {  	_ =	strace s18  }
0x93: {  	s3 =	sld [smem:$0x3FFC];
	_ =	sdelay $0x3  }
0x94: {  	_ =	strace s3  }
0x95: {  	s3 =	sld [smem:$0x3FFD];
	_ =	sdelay $0x3  }
0x96: {  	_ =	strace s3  }
0x97: {  	_ =	strace $0x8FFFFFFF  }
0x98: {  	s19 =	sld [smem:$0x3FDB];
	_ =	sdelay $0x1  }
0x99: {  	s4 =	simm.s32 $_scs_section_size  }
0x9a: {  	s5 =	simm.s32 $_size__tile_overlayer_lowered;
	s6 =	simm.s32 $_tile_overlayer_lowered  }
0x9b: {  	s22 =	simm.s32 $0x1BFF;
	s21 =	sshll.u32 s6, $0x1;
	s3 =	sadd.s32 s4, s19  }
0x9c: {  	s7 =	simm.s32 $0x0;
	s20 =	sshll.u32 s5, $0x1;
	s5 =	sadd.s32 s21, s3  }
0x9d: {  	[timem:s7], [sflag:s22] =	dma.local [hbm:s5], s20  }
0x9e: {  	_ =	swait.ge [sflag:s22], s20  }
0x9f: {  	s4 =	ssub.s32 $0x0, s20;
	[sflag:s22] =	ssyncset.done $0x0  }
0xa0: {  	[sflag:s22] =	ssyncadd.s32 s4;
	_ =	sdelay $0x1  }
0xa1: {  	s23 =	simm.s32 $0x1B8B  }
0xa2: {  	_ =	swait.ge [sflag:s23], $0x1  }
0xa3: {  	[sflag:s23] =	ssyncset.done $0x0  }
0xa4: {  	s25 =	simm.s32 $0x1B8E;
	s24 =	sld [smem:$0x3FFE];
	[sflag:s23] =	ssyncadd.s32 $0xFFFFFFFF  }
0xa5: {  	s26 =	simm.s32 $execute0_lowered;
	[smem:$0x3FD2] =	sst s25  }
0xa6: {  	s5 =	sshll.u32 s26, $0x1;
	_ =	strace $0x80000049;
	[dreg:$0x1] =	wrdreg $0xFFFFFFFF  }
0xa7: {  	s28 =	simm.s32 $_size_execute0_lowered;
	s3 =	sadd.s32 s3, s5;
	[dreg:$0x0] =	wrdreg $0x0  }
0xa8: {  	s5 =	sshll.u32 s28, $0x1;
	[dreg:$0x2] =	wrdreg s3  }
0xa9: {  	[dreg:$0x3] =	wrdreg s5  }
0xaa: {  	[dreg:$0x4] =	wrdreg $0xC0  }
0xab: {  	_ =	task [dreg:s7], $0x5FFFF  }
0xac: {  	[dreg:$0x1] =	wrdreg $0xFFFFFFFF  }
0xad: {  	[dreg:$0x0] =	wrdreg $0x60  }
0xae: {  	[dreg:$0x2] =	wrdreg s2  }
0xaf: {  	[dreg:$0x3] =	wrdreg s24  }
0xb0: {  	[dreg:$0x4] =	wrdreg $0x0  }
0xb1: {  	[dreg:$0x5] =	wrdreg $0x9  }
0xb2: {  	_ =	task.clear_ibuf [dreg:s7], $0x6FFFF;
	_ =	strace $0x90000049  }
0xb3: {  	s29 =	simm.s32 $0x9;
	_ =	strace $0x8000004B  }
0xb4: {  	_ =	swait.ge [sflag:s29], $0x1  }
0xb5: {  	[sflag:s29] =	ssyncadd.s32 $0xFFFFFFFF  }
0xb6: {  	_ =	strace $0x9000004B  }
0xb7: {  	_ =	sfence  }
0xb8: {  	s30 =	sld [smem:$0x0];
	_ =	sdelay $0x2  }
0xb9: {  	s31 =	sshll.u32 s1, $0xD;
	s1 =	sshrl.u32 s1, $0x2  }
0xba: {  	s3 =	sand.u32 $0x4000, s31;
	s1 =	sadd.s32 s1, s30  }
0xbb: {  	s0 =	sor.u32 s3, s0;
	s1 =	sshll.u32 s1, $0x11  }
0xbc: {  	s0 =	sor.u32 s1, s0  }
0xbd: {  	s0 =	sadd.s32 $0x8F2B, s0  }
0xbe: {  	[sflag:s0] =	ssyncadd.remote.s32 $0x1  }
0xbf: {  	_ =	sfence.sel $0xFFFF  }
0xc0: {  	[dreg:$0x0] =	wrdreg $0xFFFFFFFF;
	(pc) =	sbr.abs _section_cstart, $3  }
0xc1: {  	[dreg:$0x1] =	wrdreg $0xFFFFFFFF  }
0xc2: {  	_ =	task.clear_ibuf [dreg:s7], $0x2FFFF;
	_ =	strace $0x9FFFFFFF  }
0xc3: {  	(tm) =	ssettm $0x7FFFFFFF  }
tec
execute0_lowered:
.L_overlay_start_1:
0x0: {  	(tag) =	ssettag $0x1  }
0x1: {  	s1 =	rddreg [dreg:$0x0]  }
0x2: {  	s0 =	rddreg [dreg:$0x1];
	s10 =	stileid.u32  }
0x3: {  	s2 =	srdreg.scid;
	s5 =	smul.u32 $0x9C4, s10  }
0x4: {  	s3 =	rddreg [dreg:$0x2];
	s7 =	smul.u32 $0x280, s10  }
0x5: {  	s4 =	simm.s32 $0x0;
	s2 =	sand.u32 $0x1, s2;
	s25 =	smul.u32 $0x50000, s10  }
0x6: {  	[smem:$0x7FF] =	sst s4;
	s10 =	simm.s32 $0x50;
	s6 =	smul.u32 $0x2800, s2  }
0x7: {  	_ =	strace $0x8000004A;
	s8 =	ssub.s32 $0x2, s2;
	p0 =	seq.s32 s2, $0x1  }
0x8: {  	s5 =	sadd.s32 s5, s0;
	s9 =	sshrl.u32 s8, $0x1;
	s6 =	sadd.s32 s7, s6  }
0x9: {  	s0 =	sadd.s32 $0x1FC00, s0;
	s15 =	sshrl.u32 s25, $0x2;
	s26 =	sshll.u32 s6, $0x4  }
0xa: {  	s9 =	ssub.s32 s8, s9;
	s7 =	simm.s32 $0x14050;
	s6 =	sadd.s32 s1, s26  }
0xb: {  	s16 =	sor.u32 $0x500, s26;
	s11 =	sadd.s32 $0xA00, s26;
	s18 =	sadd.s32 $0xF00, s26  }
0xc: {  	s19 =	sadd.s32 $0x1400, s26;
	s23 =	sadd.s32 s0, s26;
	[dreg:$0x4] =	wrdreg s6  }
0xd: {  	s14 =	sadd.s32 $0x1900, s26;
	s17 =	sadd.s32 s1, s16;
	[dreg:$0xb] =	wrdreg s23  }
0xe: {  	s20 =	sadd.s32 $0x1E00, s26;
	s12 =	sadd.s32 s1, s11;
	[dreg:$0x5] =	wrdreg s17  }
0xf: {  	s6 =	sadd.s32 s15, s3;
	s13 =	sadd.s32 s1, s18;
	[dreg:$0x6] =	wrdreg s12  }
0x10: {  	s15 =	sadd.s32 s1, s19;
	s21 =	sadd.s32 s1, s14;
	[dreg:$0x7] =	wrdreg s13  }
0x11: {  	s22 =	sadd.s32 s1, s20;
	s24 =	sadd.s32 s0, s16;
	[dreg:$0x8] =	wrdreg s15  }
0x12: {  	s25 =	sadd.s32 s0, s11;
	s20 =	sadd.s32 s0, s20;
	[dreg:$0x9] =	wrdreg s21  }
0x13: {  	s23 =	smax.u32 s9, $0x1;
	s9 =	simm.s32 $0x14000;
	[dreg:$0xa] =	wrdreg s22  }
0x14: {  	s11 =	simm.s32 $0x1;
	s8 =	sadd.s32 $0x2800, s6;
	[dreg:$0xc] =	wrdreg s24  }
0x15: {  	s22 =	sadd.s32 $0x2300, s26;
	[dreg:$0xd] =	wrdreg s25;
	s26 =	sadd.s32 s0, s18  }
0x16: {  	s18 =	sadd.s32 s0, s19;
	s19 =	sadd.s32 s0, s14;
	s25 =	sadd.s32 $0x2200, s5  }
0x17: {  	s28 =	sadd.s32 $0x7800, s6;
	s29 =	sadd.s32 $0xA000, s6;
	s30 =	sadd.s32 $0xC800, s6  }
0x18: {  	s31 =	sadd.s32 $0xF000, s6;
	s2 =	sadd.s32 $0x11800, s6;
	s12 =	simm.s32 $0x0  }
0x19: {  	[dreg:$0xe] =	wrdreg s26;
	s21 =	sadd.s32 s0, s22;
	s0 =	simm.s32 $0x15E00  }
0x1a: {  	s22 =	sadd.s32 s1, s22;
	s26 =	sadd.s32 $0x5000, s6;
	s0 =	simm.s32 @!p0 $0xC000  }
0x1b: {  	s24 =	sadd.s32 s0, s5;
	s0 =	simm.s32 $0x140A0;
	s5 =	simm.s32 $0x2  }
.LBB2_1:
0x1c: {  	s13 =	rddreg [dreg:$0x4]  }
0x1d: {  	[tilespmem:s0], [sflag:$0x2] =	stream.linear.gather [hbm4b:s13+s4], $0x2800, $0x38;
	[tilespmem:$0x168A0] =	vst v63  }
0x1e: {  	_ =	swait.ge [sflag:s5], $0x2800  }
0x1f: {  	[sflag:s5] =	ssyncset.done $0x0  }
0x20: {  	[sflag:s5] =	ssyncadd.s32 $0xFFFFD800  }
0x21: {  	[spmem:s6] =	stream.linear.scatter [tilespmem:s0], [sflag:$0x2], $0x2800, $0x38;
	[tilespmem:$0x168A0] =	vst v63  }
0x22: {  	_ =	swait.ge [sflag:s5], $0x2800  }
0x23: {  	[sflag:s5] =	ssyncset.done $0x0  }
0x24: {  	s14 =	rddreg [dreg:$0x5];
	[sflag:s5] =	ssyncadd.s32 $0xFFFFD800  }
0x25: {  	[tilespmem:s0], [sflag:$0x2] =	stream.linear.gather [hbm4b:s14+s4], $0x2800, $0x38;
	[tilespmem:$0x168A0] =	vst v63  }
0x26: {  	_ =	swait.ge [sflag:s5], $0x2800  }
0x27: {  	[sflag:s5] =	ssyncset.done $0x0  }
0x28: {  	[sflag:s5] =	ssyncadd.s32 $0xFFFFD800  }
0x29: {  	[spmem:s8] =	stream.linear.scatter [tilespmem:s0], [sflag:$0x2], $0x2800, $0x38;
	[tilespmem:$0x168A0] =	vst v63  }
0x2a: {  	_ =	swait.ge [sflag:s5], $0x2800  }
0x2b: {  	[sflag:s5] =	ssyncset.done $0x0  }
0x2c: {  	s15 =	rddreg [dreg:$0x6];
	[sflag:s5] =	ssyncadd.s32 $0xFFFFD800  }
0x2d: {  	[tilespmem:s0], [sflag:$0x2] =	stream.linear.gather [hbm4b:s15+s4], $0x2800, $0x38;
	[tilespmem:$0x168A0] =	vst v63  }
0x2e: {  	_ =	swait.ge [sflag:s5], $0x2800  }
0x2f: {  	[sflag:s5] =	ssyncset.done $0x0  }
0x30: {  	[sflag:s5] =	ssyncadd.s32 $0xFFFFD800  }
0x31: {  	[spmem:s26] =	stream.linear.scatter [tilespmem:s0], [sflag:$0x2], $0x2800, $0x38;
	[tilespmem:$0x168A0] =	vst v63  }
0x32: {  	_ =	swait.ge [sflag:s5], $0x2800  }
0x33: {  	[sflag:s5] =	ssyncset.done $0x0  }
0x34: {  	s16 =	rddreg [dreg:$0x7];
	[sflag:s5] =	ssyncadd.s32 $0xFFFFD800  }
0x35: {  	[tilespmem:s0], [sflag:$0x2] =	stream.linear.gather [hbm4b:s16+s4], $0x2800, $0x38;
	[tilespmem:$0x168A0] =	vst v63  }
0x36: {  	_ =	swait.ge [sflag:s5], $0x2800  }
0x37: {  	[sflag:s5] =	ssyncset.done $0x0  }
0x38: {  	[sflag:s5] =	ssyncadd.s32 $0xFFFFD800  }
0x39: {  	[spmem:s28] =	stream.linear.scatter [tilespmem:s0], [sflag:$0x2], $0x2800, $0x38;
	[tilespmem:$0x168A0] =	vst v63  }
0x3a: {  	_ =	swait.ge [sflag:s5], $0x2800  }
0x3b: {  	[sflag:s5] =	ssyncset.done $0x0  }
0x3c: {  	s17 =	rddreg [dreg:$0x8];
	[sflag:s5] =	ssyncadd.s32 $0xFFFFD800  }
0x3d: {  	[tilespmem:s0], [sflag:$0x2] =	stream.linear.gather [hbm4b:s17+s4], $0x2800, $0x38;
	[tilespmem:$0x168A0] =	vst v63  }
0x3e: {  	_ =	swait.ge [sflag:s5], $0x2800  }
0x3f: {  	[sflag:s5] =	ssyncset.done $0x0  }
0x40: {  	[sflag:s5] =	ssyncadd.s32 $0xFFFFD800  }
0x41: {  	[spmem:s29] =	stream.linear.scatter [tilespmem:s0], [sflag:$0x2], $0x2800, $0x38;
	[tilespmem:$0x168A0] =	vst v63  }
0x42: {  	_ =	swait.ge [sflag:s5], $0x2800  }
0x43: {  	[sflag:s5] =	ssyncset.done $0x0  }
0x44: {  	s14 =	rddreg [dreg:$0x9];
	[sflag:s5] =	ssyncadd.s32 $0xFFFFD800  }
0x45: {  	[tilespmem:s0], [sflag:$0x2] =	stream.linear.gather [hbm4b:s14+s4], $0x2800, $0x38;
	[tilespmem:$0x168A0] =	vst v63  }
0x46: {  	_ =	swait.ge [sflag:s5], $0x2800  }
0x47: {  	[sflag:s5] =	ssyncset.done $0x0  }
0x48: {  	[sflag:s5] =	ssyncadd.s32 $0xFFFFD800  }
0x49: {  	[spmem:s30] =	stream.linear.scatter [tilespmem:s0], [sflag:$0x2], $0x2800, $0x38;
	[tilespmem:$0x168A0] =	vst v63  }
0x4a: {  	_ =	swait.ge [sflag:s5], $0x2800  }
0x4b: {  	[sflag:s5] =	ssyncset.done $0x0  }
0x4c: {  	s15 =	rddreg [dreg:$0xa];
	[sflag:s5] =	ssyncadd.s32 $0xFFFFD800  }
0x4d: {  	[tilespmem:s0], [sflag:$0x2] =	stream.linear.gather [hbm4b:s15+s4], $0x2800, $0x38;
	[tilespmem:$0x168A0] =	vst v63  }
0x4e: {  	_ =	swait.ge [sflag:s5], $0x2800  }
0x4f: {  	[sflag:s5] =	ssyncset.done $0x0  }
0x50: {  	[sflag:s5] =	ssyncadd.s32 $0xFFFFD800  }
0x51: {  	[spmem:s31] =	stream.linear.scatter [tilespmem:s0], [sflag:$0x2], $0x2800, $0x38;
	[tilespmem:$0x168A0] =	vst v63  }
0x52: {  	_ =	swait.ge [sflag:s5], $0x2800  }
0x53: {  	[sflag:s5] =	ssyncset.done $0x0  }
0x54: {  	[sflag:s5] =	ssyncadd.s32 $0xFFFFD800  }
0x55: {  	[tilespmem:s0], [sflag:$0x2] =	stream.linear.gather [hbm4b:s22+s4], $0x2800, $0x38;
	[tilespmem:$0x168A0] =	vst v63  }
0x56: {  	_ =	swait.ge [sflag:s5], $0x2800  }
0x57: {  	[sflag:s5] =	ssyncset.done $0x0  }
0x58: {  	[sflag:s5] =	ssyncadd.s32 $0xFFFFD800  }
0x59: {  	[spmem:s2] =	stream.linear.scatter [tilespmem:s0], [sflag:$0x2], $0x2800, $0x38;
	[tilespmem:$0x168A0] =	vst v63  }
0x5a: {  	_ =	swait.ge [sflag:s5], $0x2800  }
0x5b: {  	[sflag:s5] =	ssyncset.done $0x0  }
0x5c: {  	[sflag:s5] =	ssyncadd.s32 $0xFFFFD800  }
0x5d: {  	s16 =	sadd.s32 $0x0, s25;
	[bflag:$0x0] =	sbarrier.arrive $0xFFFF  }
0x5e: {  	[tilespmem:s7], [sflag:$0x2] =	stream.linear.gather [hbm4b:s16+s4], $0x50, $0x38;
	[tilespmem:$0x168A0] =	vst v63  }
0x5f: {  	_ =	swait.ge [sflag:s5], $0x50  }
0x60: {  	[sflag:s5] =	ssyncset.done $0x0  }
0x61: {  	s17 =	sadd.s32 $0x0, s24;
	[sflag:s5] =	ssyncadd.s32 $0xFFFFFFB0  }
0x62: {  	[tilespmem:s9], [sflag:$0x2] =	stream.linear.gather [hbm4b:s17+s4], $0x50, $0x38;
	[tilespmem:$0x168A0] =	vst v63  }
0x63: {  	_ =	swait.ge [sflag:s5], $0x50  }
0x64: {  	[sflag:s5] =	ssyncset.done $0x0  }
0x65: {  	[sflag:s5] =	ssyncadd.s32 $0xFFFFFFB0  }
0x66: {  	[tilespmem:s0], [sflag:$0x1] =	stream.indirect.gather [hbm4b:s1+s10], $0x80, s9, s10, $0xb8;
	[tilespmem:$0x168A0] =	vst v63  }
0x67: {  	_ =	swait.ge [sflag:s11], $0x2800  }
0x68: {  	[sflag:s11] =	ssyncset.done $0x0  }
0x69: {  	[sflag:s11] =	ssyncadd.s32 $0xFFFFD800  }
0x6a: {  	[spmem:s3] =	stream.indirect.scatter.add.f32 [tilespmem:s0], [sflag:$0x2], $0x80, s7, s10, $0xb8;
	[tilespmem:$0x168A0] =	vst v63  }
0x6b: {  	_ =	swait.ge [sflag:s5], $0x2800  }
0x6c: {  	s13 =	simm.s32 $0xA;
	s14 =	simm.s32 $0x14;
	[sflag:s5] =	ssyncset.done $0x0  }
.LBB2_2:
0x6d: {  	s15 =	sadd.s32 s13, s25  }
0x6e: {  	[sflag:s5] =	ssyncadd.s32 $0xFFFFD800;
	s16 =	smov.u32 s14;
	s17 =	sadd.s32 $0xA, s14  }
0x6f: {  	[tilespmem:s7], [sflag:$0x2] =	stream.linear.gather [hbm4b:s15+s4], $0x50, $0x38;
	[tilespmem:$0x168A0] =	vst v63  }
0x70: {  	p0 =	sne.s32 s14, $0x9BA;
	_ =	swait.ge [sflag:s5], $0x50  }
0x71: {  	[sflag:s5] =	ssyncset.done $0x0  }
0x72: {  	s14 =	sadd.s32 s13, s24;
	s13 =	smov.u32 s16;
	[sflag:s5] =	ssyncadd.s32 $0xFFFFFFB0  }
0x73: {  	[tilespmem:s9], [sflag:$0x2] =	stream.linear.gather [hbm4b:s14+s4], $0x50, $0x38;
	[tilespmem:$0x168A0] =	vst v63  }
0x74: {  	_ =	swait.ge [sflag:s5], $0x50  }
0x75: {  	[sflag:s5] =	ssyncset.done $0x0  }
0x76: {  	[sflag:s5] =	ssyncadd.s32 $0xFFFFFFB0  }
0x77: {  	[tilespmem:s0], [sflag:$0x1] =	stream.indirect.gather [hbm4b:s1+s10], $0x80, s9, s10, $0xb8;
	[tilespmem:$0x168A0] =	vst v63  }
0x78: {  	_ =	swait.ge [sflag:s11], $0x2800  }
.Ltmp0:
0x79: {  	[sflag:s11] =	ssyncset.done $0x0;
	(pc) =	sbr.rel @p0 .LBB2_2-.Ltmp0, $4  }
0x7a: {  	[sflag:s11] =	ssyncadd.s32 $0xFFFFD800  }
0x7b: {  	[spmem:s3] =	stream.indirect.scatter.add.f32 [tilespmem:s0], [sflag:$0x2], $0x80, s7, s10, $0xb8;
	[tilespmem:$0x168A0] =	vst v63  }
0x7c: {  	_ =	swait.ge [sflag:s5], $0x2800  }
0x7d: {  	s14 =	smov.u32 s17;
	[sflag:s5] =	ssyncset.done $0x0  }
0x7e: {  	s14 =	sadd.s32 s13, s25;
	[sflag:s5] =	ssyncadd.s32 $0xFFFFD800  }
0x7f: {  	[tilespmem:s7], [sflag:$0x2] =	stream.linear.gather [hbm4b:s14+s4], $0x50, $0x38;
	[tilespmem:$0x168A0] =	vst v63  }
0x80: {  	_ =	swait.ge [sflag:s5], $0x50  }
0x81: {  	[sflag:s5] =	ssyncset.done $0x0  }
0x82: {  	s17 =	sadd.s32 s13, s24;
	[sflag:s5] =	ssyncadd.s32 $0xFFFFFFB0  }
0x83: {  	[tilespmem:s9], [sflag:$0x2] =	stream.linear.gather [hbm4b:s17+s4], $0x50, $0x38;
	[tilespmem:$0x168A0] =	vst v63  }
0x84: {  	_ =	swait.ge [sflag:s5], $0x50  }
0x85: {  	[sflag:s5] =	ssyncset.done $0x0  }
0x86: {  	[sflag:s5] =	ssyncadd.s32 $0xFFFFFFB0  }
0x87: {  	[tilespmem:s0], [sflag:$0x1] =	stream.indirect.gather [hbm4b:s1+s10], $0x80, s9, s10, $0xb8;
	[tilespmem:$0x168A0] =	vst v63  }
0x88: {  	_ =	swait.ge [sflag:s11], $0x2800  }
0x89: {  	[sflag:s11] =	ssyncset.done $0x0  }
0x8a: {  	[sflag:s11] =	ssyncadd.s32 $0xFFFFD800  }
0x8b: {  	[spmem:s3] =	stream.indirect.scatter.add.f32 [tilespmem:s0], [sflag:$0x2], $0x80, s7, s10, $0xb8;
	[tilespmem:$0x168A0] =	vst v63  }
0x8c: {  	_ =	swait.ge [sflag:s5], $0x2800  }
0x8d: {  	[sflag:s5] =	ssyncset.done $0x0  }
0x8e: {  	[sflag:s5] =	ssyncadd.s32 $0xFFFFD800  }
0x8f: {  	[bflag:$0x0] =	sbarrier.arrive $0xFFFF  }
0x90: {  	[tilespmem:s0], [sflag:$0x2] =	stream.linear.gather [spmem:s6], $0x2800, $0x38;
	[tilespmem:$0x168A0] =	vst v63  }
0x91: {  	_ =	swait.ge [sflag:s5], $0x2800  }
0x92: {  	[sflag:s5] =	ssyncset.done $0x0  }
0x93: {  	s14 =	rddreg [dreg:$0xb];
	[sflag:s5] =	ssyncadd.s32 $0xFFFFD800  }
0x94: {  	[hbm4b:s14+s4] =	stream.linear.scatter [tilespmem:s0], [sflag:$0x2], $0x2800, $0x38;
	[tilespmem:$0x168A0] =	vst v63  }
0x95: {  	_ =	swait.ge [sflag:s5], $0x2800  }
0x96: {  	[sflag:s5] =	ssyncset.done $0x0  }
0x97: {  	[sflag:s5] =	ssyncadd.s32 $0xFFFFD800  }
0x98: {  	[tilespmem:s0], [sflag:$0x2] =	stream.linear.gather [spmem:s8], $0x2800, $0x38;
	[tilespmem:$0x168A0] =	vst v63  }
0x99: {  	_ =	swait.ge [sflag:s5], $0x2800  }
0x9a: {  	[sflag:s5] =	ssyncset.done $0x0  }
0x9b: {  	s15 =	rddreg [dreg:$0xc];
	[sflag:s5] =	ssyncadd.s32 $0xFFFFD800  }
0x9c: {  	[hbm4b:s15+s4] =	stream.linear.scatter [tilespmem:s0], [sflag:$0x2], $0x2800, $0x38;
	[tilespmem:$0x168A0] =	vst v63  }
0x9d: {  	_ =	swait.ge [sflag:s5], $0x2800  }
0x9e: {  	[sflag:s5] =	ssyncset.done $0x0  }
0x9f: {  	[sflag:s5] =	ssyncadd.s32 $0xFFFFD800  }
0xa0: {  	[tilespmem:s0], [sflag:$0x2] =	stream.linear.gather [spmem:s26], $0x2800, $0x38;
	[tilespmem:$0x168A0] =	vst v63  }
0xa1: {  	_ =	swait.ge [sflag:s5], $0x2800  }
0xa2: {  	[sflag:s5] =	ssyncset.done $0x0  }
0xa3: {  	s16 =	rddreg [dreg:$0xd];
	[sflag:s5] =	ssyncadd.s32 $0xFFFFD800  }
0xa4: {  	[hbm4b:s16+s4] =	stream.linear.scatter [tilespmem:s0], [sflag:$0x2], $0x2800, $0x38;
	[tilespmem:$0x168A0] =	vst v63  }
0xa5: {  	_ =	swait.ge [sflag:s5], $0x2800  }
0xa6: {  	[sflag:s5] =	ssyncset.done $0x0  }
0xa7: {  	[sflag:s5] =	ssyncadd.s32 $0xFFFFD800  }
0xa8: {  	[tilespmem:s0], [sflag:$0x2] =	stream.linear.gather [spmem:s28], $0x2800, $0x38;
	[tilespmem:$0x168A0] =	vst v63  }
0xa9: {  	_ =	swait.ge [sflag:s5], $0x2800  }
0xaa: {  	[sflag:s5] =	ssyncset.done $0x0  }
0xab: {  	s17 =	rddreg [dreg:$0xe];
	[sflag:s5] =	ssyncadd.s32 $0xFFFFD800  }
0xac: {  	[hbm4b:s17+s4] =	stream.linear.scatter [tilespmem:s0], [sflag:$0x2], $0x2800, $0x38;
	[tilespmem:$0x168A0] =	vst v63  }
0xad: {  	_ =	swait.ge [sflag:s5], $0x2800  }
0xae: {  	[sflag:s5] =	ssyncset.done $0x0  }
0xaf: {  	[sflag:s5] =	ssyncadd.s32 $0xFFFFD800  }
0xb0: {  	[tilespmem:s0], [sflag:$0x2] =	stream.linear.gather [spmem:s29], $0x2800, $0x38;
	[tilespmem:$0x168A0] =	vst v63  }
0xb1: {  	_ =	swait.ge [sflag:s5], $0x2800  }
0xb2: {  	[sflag:s5] =	ssyncset.done $0x0  }
0xb3: {  	[sflag:s5] =	ssyncadd.s32 $0xFFFFD800  }
0xb4: {  	[hbm4b:s18+s4] =	stream.linear.scatter [tilespmem:s0], [sflag:$0x2], $0x2800, $0x38;
	[tilespmem:$0x168A0] =	vst v63  }
0xb5: {  	_ =	swait.ge [sflag:s5], $0x2800  }
0xb6: {  	[sflag:s5] =	ssyncset.done $0x0  }
0xb7: {  	[sflag:s5] =	ssyncadd.s32 $0xFFFFD800  }
0xb8: {  	[tilespmem:s0], [sflag:$0x2] =	stream.linear.gather [spmem:s30], $0x2800, $0x38;
	[tilespmem:$0x168A0] =	vst v63  }
0xb9: {  	_ =	swait.ge [sflag:s5], $0x2800  }
0xba: {  	[sflag:s5] =	ssyncset.done $0x0  }
0xbb: {  	[sflag:s5] =	ssyncadd.s32 $0xFFFFD800  }
0xbc: {  	[hbm4b:s19+s4] =	stream.linear.scatter [tilespmem:s0], [sflag:$0x2], $0x2800, $0x38;
	[tilespmem:$0x168A0] =	vst v63  }
0xbd: {  	_ =	swait.ge [sflag:s5], $0x2800  }
0xbe: {  	[sflag:s5] =	ssyncset.done $0x0  }
0xbf: {  	[sflag:s5] =	ssyncadd.s32 $0xFFFFD800  }
0xc0: {  	[tilespmem:s0], [sflag:$0x2] =	stream.linear.gather [spmem:s31], $0x2800, $0x38;
	[tilespmem:$0x168A0] =	vst v63  }
0xc1: {  	_ =	swait.ge [sflag:s5], $0x2800  }
0xc2: {  	[sflag:s5] =	ssyncset.done $0x0  }
0xc3: {  	[sflag:s5] =	ssyncadd.s32 $0xFFFFD800  }
0xc4: {  	[hbm4b:s20+s4] =	stream.linear.scatter [tilespmem:s0], [sflag:$0x2], $0x2800, $0x38;
	[tilespmem:$0x168A0] =	vst v63  }
0xc5: {  	_ =	swait.ge [sflag:s5], $0x2800  }
0xc6: {  	[sflag:s5] =	ssyncset.done $0x0  }
0xc7: {  	[sflag:s5] =	ssyncadd.s32 $0xFFFFD800  }
0xc8: {  	[tilespmem:s0], [sflag:$0x2] =	stream.linear.gather [spmem:s2], $0x2800, $0x38;
	[tilespmem:$0x168A0] =	vst v63  }
0xc9: {  	s12 =	sadd.s32 $0x1, s12;
	_ =	swait.ge [sflag:s5], $0x2800  }
0xca: {  	p0 =	sne.s32 s12, s23;
	[sflag:s5] =	ssyncset.done $0x0  }
.Ltmp1:
0xcb: {  	[sflag:s5] =	ssyncadd.s32 $0xFFFFD800;
	(pc) =	sbr.rel @p0 .LBB2_1-.Ltmp1, $4  }
0xcc: {  	[hbm4b:s21+s4] =	stream.linear.scatter [tilespmem:s0], [sflag:$0x2], $0x2800, $0x38;
	[tilespmem:$0x168A0] =	vst v63  }
0xcd: {  	_ =	swait.ge [sflag:s5], $0x2800  }
0xce: {  	[sflag:s5] =	ssyncset.done $0x0  }
0xcf: {  	[sflag:s5] =	ssyncadd.s32 $0xFFFFD800  }
0xd0: {  	_ =	sfence.sel $0x180000  }
0xd1: {  	[bflag:$0x0] =	sbarrier.arrive $0xFFFF  }
0xd2: {  	_ =	strace $0x9000004A  }
0xd3: {  	s0 =	stileid.u32;
	[bflag:$0x2] =	sbarrier.arrive $0xFFFF  }
0xd4: {  	p0 =	sne.s32 s0, $0x0;
	s0 =	rddreg [dreg:$0x3]  }
0xd5: {  	s0 =	sadd.s32 @!p0 $0x100000, s0  }
0xd6: {  	[sflag:s0] =	ssyncadd.tile.s32 @!p0 $0x1;
	_ =	shalt  }
.Lfunc_end2:
_tile_overlayer_lowered:
.L_overlay_start_2:
0xd7: {  	(tag) =	ssettag $0x2  }
0xd8: {  	s0 =	rddreg [dreg:$0x0];
	s2 =	stileid.u32  }
0xd9: {  	s1 =	rddreg [dreg:$0x1];
	p0 =	sne.s32 s2, $0x0  }
0xda: {  	s3 =	rddreg [dreg:$0x2];
	[bflag:$0x3] =	sbarrier.arrive $0xFFFF;
	s2 =	simm.s32 @!p0 $0x1C02  }
0xdb: {  	[timem:s3], [sflag:s2] =	dma.local @!p0 [hbm:s0], s1  }
0xdc: {  	s0 =	simm.s32 @!p0 $0x2  }
0xdd: {  	_ =	swait.ge @!p0 [sflag:s0], s1  }
0xde: {  	s1 =	ssub.s32 @!p0 $0x0, s1;
	[sflag:s0] =	ssyncset.done @!p0 $0x0  }
0xdf: {  	[sflag:s0] =	ssyncadd.s32 @!p0 s1  }
0xe0: {  	[bflag:$0x3] =	sbarrier.arrive $0xFFFF  }
0xe1: {  	_ =	shalt  }

// kernel: kernel.15.cloned.1.call-start
scs
__scs_entry_jumppad:
0x0: {  	(pc) =	sbr.rel $0x88, $3  }
0x1: {  	(tag) =	ssettag $0x0;
	lr =	simm.s32 $0x1  }
0x2: {  	[smem:$0x3F99] =	sst lr;
	_ =	strace $0xD0000000  }
0x3: {  	_ = 	snop  }
0x4: {  	_ = 	snop  }
0x5: {  	_ = 	snop  }
0x6: {  	_ = 	snop  }
0x7: {  	_ = 	snop  }
__scs_overlays_trampoline_lowered:
0x8: {  	[smem:$0x3FA8] =	sst s0  }
0x9: {  	[smem:$0x3FA9] =	sst s1  }
0xa: {  	[smem:$0x3FAA] =	sst s2  }
0xb: {  	[smem:$0x3FAB] =	sst s3  }
0xc: {  	[smem:$0x3FAC] =	sst s4  }
0xd: {  	[smem:$0x3FAD] =	sst s5  }
0xe: {  	[smem:$0x3FAE] =	sst s6  }
0xf: {  	[smem:$0x3FAF] =	sst s7  }
0x10: {  	[smem:$0x3FB0] =	sst s8  }
0x11: {  	[smem:$0x3FB1] =	sst s9;
	s0 =	simm.s32 @!p0 $0x0  }
0x12: {  	s1 =	sld [smem:$0x3F97];
	s0 =	simm.s32 @p0 $0x1  }
0x13: {  	[smem:$0x3FB2] =	sst s0;
	s0 =	simm.s32 @!p1 $0x0  }
0x14: {  	s2 =	sld [smem:$0x3F96];
	s0 =	simm.s32 @p1 $0x1  }
0x15: {  	[smem:$0x3FB3] =	sst s0;
	s0 =	simm.s32 @!p2 $0x0  }
0x16: {  	s3 =	sld [smem:$0x3FDB];
	s0 =	simm.s32 @p2 $0x1  }
0x17: {  	s4 =	simm.s32 $0x1BF5;
	[smem:$0x3FB5] =	sst s0  }
0x18: {  	s0 =	sld [smem:$0x3F98];
	_ =	swait.ge [sflag:s4], $0x0  }
0x19: {  	s7 =	sld [smem:$0x3F99]  }
0x1a: {  	s8 =	sadd.s32 $0xFFFFE003, lr  }
0x1b: {  	s9 =	sadd.s32 $0xFFFFFEF7, lr;
	s5 =	simm.s32 $0xFFFFFFFF;
	p2 =	slt.u32 s8, $0xFFFFF086  }
0x1c: {  	p1 =	slt.u32 s9, $0xF7A;
	s5 =	simm.s32 @!p2 $0x0  }
0x1d: {  	s5 =	simm.s32 @p1 $0x1;
	p0 =	seq.s32 s7, s2  }
0x1e: {  	s7 =	smul.u32 @!p0 $0xF7A, s2;
	p2 =	seq.s32 @!p0 s5, $0x0  }
0x1f: {  	s9 =	smul.u32 $0xF7A, s1;
	s8 =	simm.s32 @!p0 $0x1BF5;
	p2 =	por !p2, p0  }
0x20: {  	[sflag:s8] =	ssyncset.s32 @!p0 $0xFFFFF086;
	s6 =	sadd.s32 @!p0 s3, s7;
	s7 =	simm.s32 @!p0 $0x108  }
0x21: {  	s3 =	sadd.s32 s3, s9;
	s6 =	sadd.s32 @!p0 $0x88, s6;
	s7 =	simm.s32 @p2 $0x1082  }
0x22: {  	[simem:s7], [sflag:s8] =	dma.local @!p0 [hbm:s6], $0xF7A  }
0x23: {  	s9 =	sor.u32 $0xD0000000, s2;
	s6 =	simm.s32 $0x108;
	_ =	swait.ge @!p0 [sflag:s8], $0x0  }
0x24: {  	s3 =	sadd.s32 $0x88, s3;
	s6 =	simm.s32 @!p1 $0x1082;
	[sflag:s4] =	ssyncset.s32 $0xFFFFF086  }
0x25: {  	[simem:s6], [sflag:s4] =	dma.local [hbm:s3], $0xF7A  }
0x26: {  	[smem:$0x3F99] =	sst s1;
	(tag) =	ssettag s2;
	_ =	strace s9  }
0x27: {  	s1 =	sld [smem:$0x3FA9]  }
0x28: {  	s2 =	sld [smem:$0x3FAA]  }
0x29: {  	s4 =	sld [smem:$0x3FAC]  }
0x2a: {  	p0 =	seq.s32 s5, $0x0;
	s5 =	sld [smem:$0x3FAD]  }
0x2b: {  	s6 =	sld [smem:$0x3FAE]  }
0x2c: {  	s7 =	sld [smem:$0x3FAF]  }
0x2d: {  	s3 =	simm.s32 $0x108;
	s8 =	sld [smem:$0x3FB0]  }
0x2e: {  	s3 =	simm.s32 @!p0 $0x1082;
	s9 =	sld [smem:$0x3FB1]  }
0x2f: {  	lr =	sadd.s32 s0, s3;
	s0 =	sld [smem:$0x3FA8]  }
0x30: {  	s3 =	sld [smem:$0x3FAB]  }
0x31: {  	[smem:$0x3FB4] =	sst s10  }
0x32: {  	s10 =	sld [smem:$0x3FB2];
	_ =	sdelay $0x3  }
0x33: {  	p0 =	seq.s32 s10, $0x1;
	s10 =	sld [smem:$0x3FB4];
	_ =	sdelay $0x3  }
0x34: {  	[smem:$0x3FB4] =	sst s10  }
0x35: {  	s10 =	sld [smem:$0x3FB3];
	_ =	sdelay $0x3  }
0x36: {  	p1 =	seq.s32 s10, $0x1;
	s10 =	sld [smem:$0x3FB4];
	_ =	sdelay $0x3  }
0x37: {  	[smem:$0x3FB4] =	sst s10  }
0x38: {  	s10 =	sld [smem:$0x3FB5]  }
0x39: {  	_ = 	snop;
	(pc) =	sbr.ind lr, $3  }
0x3a: {  	_ = 	snop  }
0x3b: {  	_ = 	snop  }
0x3c: {  	p2 =	seq.s32 s10, $0x1;
	s10 =	sld [smem:$0x3FB4]  }
0x3d: {  	_ =	shalt  }
0x3e: {  	_ =	shalt  }
0x3f: {  	_ =	shalt  }
0x40: {  	_ =	shalt  }
0x41: {  	_ =	shalt  }
0x42: {  	_ =	shalt  }
0x43: {  	_ =	shalt  }
0x44: {  	_ =	shalt  }
0x45: {  	_ =	shalt  }
0x46: {  	_ =	shalt  }
0x47: {  	_ =	shalt  }
0x48: {  	_ =	shalt  }
0x49: {  	_ =	shalt  }
0x4a: {  	_ =	shalt  }
0x4b: {  	_ =	shalt  }
0x4c: {  	_ =	shalt  }
0x4d: {  	_ =	shalt  }
0x4e: {  	_ =	shalt  }
0x4f: {  	_ =	shalt  }
0x50: {  	_ =	shalt  }
0x51: {  	_ =	shalt  }
0x52: {  	_ =	shalt  }
0x53: {  	_ =	shalt  }
0x54: {  	_ =	shalt  }
0x55: {  	_ =	shalt  }
0x56: {  	_ =	shalt  }
0x57: {  	_ =	shalt  }
0x58: {  	_ =	shalt  }
0x59: {  	_ =	shalt  }
0x5a: {  	_ =	shalt  }
0x5b: {  	_ =	shalt  }
0x5c: {  	_ =	shalt  }
0x5d: {  	_ =	shalt  }
0x5e: {  	_ =	shalt  }
0x5f: {  	_ =	shalt  }
0x60: {  	_ =	shalt  }
0x61: {  	_ =	shalt  }
0x62: {  	_ =	shalt  }
0x63: {  	_ =	shalt  }
0x64: {  	_ =	shalt  }
0x65: {  	_ =	shalt  }
0x66: {  	_ =	shalt  }
0x67: {  	_ =	shalt  }
0x68: {  	_ =	shalt  }
0x69: {  	_ =	shalt  }
0x6a: {  	_ =	shalt  }
0x6b: {  	_ =	shalt  }
0x6c: {  	_ =	shalt  }
0x6d: {  	_ =	shalt  }
0x6e: {  	_ =	shalt  }
0x6f: {  	_ =	shalt  }
0x70: {  	_ =	shalt  }
0x71: {  	_ =	shalt  }
0x72: {  	_ =	shalt  }
0x73: {  	_ =	shalt  }
0x74: {  	_ =	shalt  }
0x75: {  	_ =	shalt  }
0x76: {  	_ =	shalt  }
0x77: {  	_ =	shalt  }
0x78: {  	_ =	shalt  }
0x79: {  	_ =	shalt  }
0x7a: {  	_ =	shalt  }
0x7b: {  	_ =	shalt  }
0x7c: {  	_ =	shalt  }
0x7d: {  	_ =	shalt  }
0x7e: {  	_ =	shalt  }
0x7f: {  	_ =	shalt  }
0x80: {  	_ =	shalt  }
0x81: {  	_ =	shalt  }
0x82: {  	_ =	shalt  }
0x83: {  	_ =	shalt  }
0x84: {  	_ =	shalt  }
0x85: {  	_ =	shalt  }
0x86: {  	_ =	shalt  }
0x87: {  	_ =	shalt  }
.Lfunc_end0:
.L_simem_size_0:
called_computation.2_lowered:
.L_overlay_start_0:
0x88: {  	s2 =	sld [smem:$0x3FD9]  }
0x89: {  	s3 =	sld [smem:$0x3FFE];
	_ =	sdelay $0x1  }
0x8a: {  	s1 =	srdreg.scid  }
0x8b: {  	s0 =	sand.u32 $0x1, s1  }
0x8c: {  	s17 =	sshll.u32 s0, $0xA;
	s2 =	sadd.s32 s3, s2  }
0x8d: {  	s2 =	sadd.s32 s2, s17  }
0x8e: {  	[smem:$0x3FC0] =	sst s2  }
0x8f: {  	_ = 	snop  }
0x90: {  	s2 =	sld [smem:$0x3FD0];
	(tm) =	ssettm $0x1  }
0x91: {  	s18 =	sld [smem:$0x3FFB];
	_ =	sdelay $0x3  }
0x92: {  	_ =	strace s18  }
0x93: {  	s3 =	sld [smem:$0x3FFC];
	_ =	sdelay $0x3  }
0x94: {  	_ =	strace s3  }
0x95: {  	s3 =	sld [smem:$0x3FFD];
	_ =	sdelay $0x3  }
0x96: {  	_ =	strace s3  }
0x97: {  	_ =	strace $0x8FFFFFFF  }
0x98: {  	s19 =	sld [smem:$0x3FDB];
	_ =	sdelay $0x1  }
0x99: {  	s4 =	simm.s32 $_scs_section_size  }
0x9a: {  	s5 =	simm.s32 $_size__tile_overlayer_lowered;
	s6 =	simm.s32 $_tile_overlayer_lowered  }
0x9b: {  	s22 =	simm.s32 $0x1BFF;
	s21 =	sshll.u32 s6, $0x1;
	s3 =	sadd.s32 s4, s19  }
0x9c: {  	s7 =	simm.s32 $0x0;
	s20 =	sshll.u32 s5, $0x1;
	s5 =	sadd.s32 s21, s3  }
0x9d: {  	[timem:s7], [sflag:s22] =	dma.local [hbm:s5], s20  }
0x9e: {  	_ =	swait.ge [sflag:s22], s20  }
0x9f: {  	s4 =	ssub.s32 $0x0, s20;
	[sflag:s22] =	ssyncset.done $0x0  }
0xa0: {  	[sflag:s22] =	ssyncadd.s32 s4;
	_ =	sdelay $0x1  }
0xa1: {  	s23 =	simm.s32 $0x1B8B  }
0xa2: {  	_ =	swait.ge [sflag:s23], $0x1  }
0xa3: {  	[sflag:s23] =	ssyncset.done $0x0  }
0xa4: {  	s25 =	simm.s32 $0x1B8E;
	s24 =	sld [smem:$0x3FFE];
	[sflag:s23] =	ssyncadd.s32 $0xFFFFFFFF  }
0xa5: {  	s26 =	simm.s32 $execute0_lowered;
	[smem:$0x3FD2] =	sst s25  }
0xa6: {  	s5 =	sshll.u32 s26, $0x1;
	_ =	strace $0x8000004C;
	[dreg:$0x1] =	wrdreg $0xFFFFFFFF  }
0xa7: {  	s28 =	simm.s32 $_size_execute0_lowered;
	s3 =	sadd.s32 s3, s5;
	[dreg:$0x0] =	wrdreg $0x0  }
0xa8: {  	s5 =	sshll.u32 s28, $0x1;
	[dreg:$0x2] =	wrdreg s3  }
0xa9: {  	[dreg:$0x3] =	wrdreg s5  }
0xaa: {  	[dreg:$0x4] =	wrdreg $0xC0  }
0xab: {  	_ =	task [dreg:s7], $0x5FFFF  }
0xac: {  	[dreg:$0x1] =	wrdreg $0xFFFFFFFF  }
0xad: {  	[dreg:$0x0] =	wrdreg $0x60  }
0xae: {  	[dreg:$0x2] =	wrdreg s24  }
0xaf: {  	[dreg:$0x3] =	wrdreg s2  }
0xb0: {  	[dreg:$0x4] =	wrdreg $0x0  }
0xb1: {  	[dreg:$0x5] =	wrdreg $0x9  }
0xb2: {  	_ =	task.clear_ibuf [dreg:s7], $0x6FFFF;
	_ =	strace $0x9000004C  }
0xb3: {  	s29 =	simm.s32 $0x9;
	_ =	strace $0x8000004E  }
0xb4: {  	_ =	swait.ge [sflag:s29], $0x1  }
0xb5: {  	[sflag:s29] =	ssyncadd.s32 $0xFFFFFFFF  }
0xb6: {  	_ =	strace $0x9000004E  }
0xb7: {  	_ =	sfence  }
0xb8: {  	s30 =	sld [smem:$0x0];
	_ =	sdelay $0x2  }
0xb9: {  	s31 =	sshll.u32 s1, $0xD;
	s1 =	sshrl.u32 s1, $0x2  }
0xba: {  	s3 =	sand.u32 $0x4000, s31;
	s1 =	sadd.s32 s1, s30  }
0xbb: {  	s0 =	sor.u32 s3, s0;
	s1 =	sshll.u32 s1, $0x11  }
0xbc: {  	s0 =	sor.u32 s1, s0  }
0xbd: {  	s0 =	sadd.s32 $0x8F2B, s0  }
0xbe: {  	[sflag:s0] =	ssyncadd.remote.s32 $0x1  }
0xbf: {  	_ =	sfence.sel $0xFFFF  }
0xc0: {  	[dreg:$0x0] =	wrdreg $0xFFFFFFFF;
	(pc) =	sbr.abs _section_cstart, $3  }
0xc1: {  	[dreg:$0x1] =	wrdreg $0xFFFFFFFF  }
0xc2: {  	_ =	task.clear_ibuf [dreg:s7], $0x2FFFF;
	_ =	strace $0x9FFFFFFF  }
0xc3: {  	(tm) =	ssettm $0x7FFFFFFF  }
tec
execute0_lowered:
.L_overlay_start_1:
0x0: {  	(tag) =	ssettag $0x1  }
0x1: {  	s10 =	stileid.u32  }
0x2: {  	s0 =	rddreg [dreg:$0x0];
	s4 =	smul.u32 $0x4E20, s10  }
0x3: {  	s3 =	srdreg.scid;
	s9 =	smul.u32 $0x14000, s10  }
0x4: {  	s1 =	rddreg [dreg:$0x1];
	s5 =	sand.u32 $0x1, s3;
	s11 =	smul.u32 $0x280, s10  }
0x5: {  	s2 =	rddreg [dreg:$0x2];
	s3 =	simm.s32 $0x0;
	s6 =	smul.u32 $0x2710, s5  }
0x6: {  	[smem:$0x7FF] =	sst s3;
	s7 =	ssub.s32 $0x2, s5;
	s5 =	smul.u32 $0x2800, s5  }
0x7: {  	_ =	strace $0x8000004D;
	s13 =	sshrl.u32 s7, $0x1;
	s14 =	sshrl.u32 s9, $0x3  }
0x8: {  	s8 =	sor.u32 $0x2800, s9;
	s16 =	sadd.s32 $0x5000, s9;
	s19 =	sadd.s32 $0xC800, s9  }
0x9: {  	s21 =	sadd.s32 $0xF000, s9;
	s4 =	sadd.s32 s6, s4;
	s7 =	ssub.s32 s7, s13  }
0xa: {  	s15 =	sshrl.u32 s8, $0x3;
	s8 =	sadd.s32 s8, s2;
	s12 =	sshrl.u32 s16, $0x3  }
0xb: {  	s13 =	sadd.s32 $0x7800, s9;
	s20 =	sshrl.u32 s19, $0x3;
	s22 =	sshrl.u32 s21, $0x3  }
0xc: {  	s5 =	sadd.s32 s11, s5;
	s6 =	sshrl.u32 s4, $0x3;
	s4 =	sadd.s32 $0x15E00, s0  }
0xd: {  	s17 =	sshrl.u32 s13, $0x3;
	s5 =	sshll.u32 s5, $0x4;
	s25 =	smax.u32 s7, $0x1  }
0xe: {  	s0 =	sadd.s32 s6, s0;
	s6 =	sadd.s32 s4, s14;
	[dreg:$0xd] =	wrdreg s25  }
0xf: {  	s7 =	simm.s32 $0x14050;
	s10 =	sadd.s32 s4, s15;
	[dreg:$0x4] =	wrdreg s6  }
0x10: {  	s12 =	sadd.s32 s4, s12;
	s14 =	sadd.s32 $0xA000, s9;
	[dreg:$0x5] =	wrdreg s10  }
0x11: {  	s23 =	sadd.s32 s4, s22;
	s6 =	sadd.s32 s9, s2;
	[dreg:$0x6] =	wrdreg s12  }
0x12: {  	s10 =	sadd.s32 s16, s2;
	s12 =	sadd.s32 s4, s17;
	s15 =	sshrl.u32 s14, $0x3  }
0x13: {  	s14 =	sadd.s32 s14, s2;
	s16 =	sadd.s32 s19, s2;
	[dreg:$0xa] =	wrdreg s23  }
0x14: {  	s9 =	sadd.s32 $0x11800, s9;
	s25 =	sadd.s32 $0x2200, s0;
	[dreg:$0x7] =	wrdreg s12  }
0x15: {  	s12 =	sadd.s32 s13, s2;
	s18 =	sadd.s32 s4, s15;
	s15 =	sadd.s32 s4, s20  }
0x16: {  	s24 =	sshrl.u32 s9, $0x3;
	s20 =	sadd.s32 s1, s5;
	[dreg:$0x8] =	wrdreg s18  }
0x17: {  	s5 =	simm.s32 $0x2;
	s13 =	simm.s32 $0x1;
	[dreg:$0x9] =	wrdreg s15  }
0x18: {  	s18 =	sadd.s32 s21, s2;
	s11 =	sadd.s32 s4, s24;
	s21 =	sadd.s32 s9, s2  }
0x19: {  	s1 =	sadd.s32 $0x500, s20;
	s24 =	sadd.s32 $0xC000, s0;
	s26 =	sadd.s32 $0xA00, s20  }
0x1a: {  	s28 =	sadd.s32 $0xF00, s20;
	s29 =	sadd.s32 $0x1400, s20;
	s30 =	sadd.s32 $0x1900, s20  }
0x1b: {  	s31 =	sadd.s32 $0x1E00, s20;
	s0 =	simm.s32 $0x140A0;
	[dreg:$0xb] =	wrdreg s11  }
0x1c: {  	s9 =	simm.s32 $0x14000;
	s15 =	simm.s32 $0x0;
	[dreg:$0xc] =	wrdreg s1  }
0x1d: {  	[dreg:$0xe] =	wrdreg s26;
	s1 =	sadd.s32 $0x2300, s20;
	s11 =	simm.s32 $0x50  }
.LBB2_1:
0x1e: {  	s17 =	rddreg [dreg:$0x4]  }
0x1f: {  	[tilespmem:s0], [sflag:$0x2] =	stream.linear.gather [hbm4b:s17+s3], $0x2800, $0x38;
	[tilespmem:$0x168A0] =	vst v63  }
0x20: {  	_ =	swait.ge [sflag:s5], $0x2800  }
0x21: {  	[sflag:s5] =	ssyncset.done $0x0  }
0x22: {  	[sflag:s5] =	ssyncadd.s32 $0xFFFFD800  }
0x23: {  	[spmem:s6] =	stream.linear.scatter [tilespmem:s0], [sflag:$0x2], $0x2800, $0x38;
	[tilespmem:$0x168A0] =	vst v63  }
0x24: {  	_ =	swait.ge [sflag:s5], $0x2800  }
0x25: {  	[sflag:s5] =	ssyncset.done $0x0  }
0x26: {  	s26 =	rddreg [dreg:$0x5];
	[sflag:s5] =	ssyncadd.s32 $0xFFFFD800  }
0x27: {  	[tilespmem:s0], [sflag:$0x2] =	stream.linear.gather [hbm4b:s26+s3], $0x2800, $0x38;
	[tilespmem:$0x168A0] =	vst v63  }
0x28: {  	_ =	swait.ge [sflag:s5], $0x2800  }
0x29: {  	[sflag:s5] =	ssyncset.done $0x0  }
0x2a: {  	[sflag:s5] =	ssyncadd.s32 $0xFFFFD800  }
0x2b: {  	[spmem:s8] =	stream.linear.scatter [tilespmem:s0], [sflag:$0x2], $0x2800, $0x38;
	[tilespmem:$0x168A0] =	vst v63  }
0x2c: {  	_ =	swait.ge [sflag:s5], $0x2800  }
0x2d: {  	[sflag:s5] =	ssyncset.done $0x0  }
0x2e: {  	s19 =	rddreg [dreg:$0x6];
	[sflag:s5] =	ssyncadd.s32 $0xFFFFD800  }
0x2f: {  	[tilespmem:s0], [sflag:$0x2] =	stream.linear.gather [hbm4b:s19+s3], $0x2800, $0x38;
	[tilespmem:$0x168A0] =	vst v63  }
0x30: {  	_ =	swait.ge [sflag:s5], $0x2800  }
0x31: {  	[sflag:s5] =	ssyncset.done $0x0  }
0x32: {  	[sflag:s5] =	ssyncadd.s32 $0xFFFFD800  }
0x33: {  	[spmem:s10] =	stream.linear.scatter [tilespmem:s0], [sflag:$0x2], $0x2800, $0x38;
	[tilespmem:$0x168A0] =	vst v63  }
0x34: {  	_ =	swait.ge [sflag:s5], $0x2800  }
0x35: {  	[sflag:s5] =	ssyncset.done $0x0  }
0x36: {  	s22 =	rddreg [dreg:$0x7];
	[sflag:s5] =	ssyncadd.s32 $0xFFFFD800  }
0x37: {  	[tilespmem:s0], [sflag:$0x2] =	stream.linear.gather [hbm4b:s22+s3], $0x2800, $0x38;
	[tilespmem:$0x168A0] =	vst v63  }
0x38: {  	_ =	swait.ge [sflag:s5], $0x2800  }
0x39: {  	[sflag:s5] =	ssyncset.done $0x0  }
0x3a: {  	[sflag:s5] =	ssyncadd.s32 $0xFFFFD800  }
0x3b: {  	[spmem:s12] =	stream.linear.scatter [tilespmem:s0], [sflag:$0x2], $0x2800, $0x38;
	[tilespmem:$0x168A0] =	vst v63  }
0x3c: {  	_ =	swait.ge [sflag:s5], $0x2800  }
0x3d: {  	[sflag:s5] =	ssyncset.done $0x0  }
0x3e: {  	s23 =	rddreg [dreg:$0x8];
	[sflag:s5] =	ssyncadd.s32 $0xFFFFD800  }
0x3f: {  	[tilespmem:s0], [sflag:$0x2] =	stream.linear.gather [hbm4b:s23+s3], $0x2800, $0x38;
	[tilespmem:$0x168A0] =	vst v63  }
0x40: {  	_ =	swait.ge [sflag:s5], $0x2800  }
0x41: {  	[sflag:s5] =	ssyncset.done $0x0  }
0x42: {  	[sflag:s5] =	ssyncadd.s32 $0xFFFFD800  }
0x43: {  	[spmem:s14] =	stream.linear.scatter [tilespmem:s0], [sflag:$0x2], $0x2800, $0x38;
	[tilespmem:$0x168A0] =	vst v63  }
0x44: {  	_ =	swait.ge [sflag:s5], $0x2800  }
0x45: {  	[sflag:s5] =	ssyncset.done $0x0  }
0x46: {  	s26 =	rddreg [dreg:$0x9];
	[sflag:s5] =	ssyncadd.s32 $0xFFFFD800  }
0x47: {  	[tilespmem:s0], [sflag:$0x2] =	stream.linear.gather [hbm4b:s26+s3], $0x2800, $0x38;
	[tilespmem:$0x168A0] =	vst v63  }
0x48: {  	_ =	swait.ge [sflag:s5], $0x2800  }
0x49: {  	[sflag:s5] =	ssyncset.done $0x0  }
0x4a: {  	[sflag:s5] =	ssyncadd.s32 $0xFFFFD800  }
0x4b: {  	[spmem:s16] =	stream.linear.scatter [tilespmem:s0], [sflag:$0x2], $0x2800, $0x38;
	[tilespmem:$0x168A0] =	vst v63  }
0x4c: {  	_ =	swait.ge [sflag:s5], $0x2800  }
0x4d: {  	[sflag:s5] =	ssyncset.done $0x0  }
0x4e: {  	s19 =	rddreg [dreg:$0xa];
	[sflag:s5] =	ssyncadd.s32 $0xFFFFD800  }
0x4f: {  	[tilespmem:s0], [sflag:$0x2] =	stream.linear.gather [hbm4b:s19+s3], $0x2800, $0x38;
	[tilespmem:$0x168A0] =	vst v63  }
0x50: {  	_ =	swait.ge [sflag:s5], $0x2800  }
0x51: {  	[sflag:s5] =	ssyncset.done $0x0  }
0x52: {  	[sflag:s5] =	ssyncadd.s32 $0xFFFFD800  }
0x53: {  	[spmem:s18] =	stream.linear.scatter [tilespmem:s0], [sflag:$0x2], $0x2800, $0x38;
	[tilespmem:$0x168A0] =	vst v63  }
0x54: {  	_ =	swait.ge [sflag:s5], $0x2800  }
0x55: {  	[sflag:s5] =	ssyncset.done $0x0  }
0x56: {  	s22 =	rddreg [dreg:$0xb];
	[sflag:s5] =	ssyncadd.s32 $0xFFFFD800  }
0x57: {  	[tilespmem:s0], [sflag:$0x2] =	stream.linear.gather [hbm4b:s22+s3], $0x2800, $0x38;
	[tilespmem:$0x168A0] =	vst v63  }
0x58: {  	_ =	swait.ge [sflag:s5], $0x2800  }
0x59: {  	[sflag:s5] =	ssyncset.done $0x0  }
0x5a: {  	[sflag:s5] =	ssyncadd.s32 $0xFFFFD800  }
0x5b: {  	[spmem:s21] =	stream.linear.scatter [tilespmem:s0], [sflag:$0x2], $0x2800, $0x38;
	[tilespmem:$0x168A0] =	vst v63  }
0x5c: {  	_ =	swait.ge [sflag:s5], $0x2800  }
0x5d: {  	[sflag:s5] =	ssyncset.done $0x0  }
0x5e: {  	[sflag:s5] =	ssyncadd.s32 $0xFFFFD800  }
0x5f: {  	s23 =	sadd.s32 $0x0, s25;
	[bflag:$0x0] =	sbarrier.arrive $0xFFFF  }
0x60: {  	[tilespmem:s7], [sflag:$0x2] =	stream.linear.gather [hbm4b:s23+s3], $0x50, $0x38;
	[tilespmem:$0x168A0] =	vst v63  }
0x61: {  	_ =	swait.ge [sflag:s5], $0x50  }
0x62: {  	[sflag:s5] =	ssyncset.done $0x0  }
0x63: {  	s26 =	sadd.s32 $0x0, s24;
	[sflag:s5] =	ssyncadd.s32 $0xFFFFFFB0  }
0x64: {  	[tilespmem:s9], [sflag:$0x2] =	stream.linear.gather [hbm4b:s26+s3], $0x50, $0x38;
	[tilespmem:$0x168A0] =	vst v63  }
0x65: {  	_ =	swait.ge [sflag:s5], $0x50  }
0x66: {  	[sflag:s5] =	ssyncset.done $0x0  }
0x67: {  	[sflag:s5] =	ssyncadd.s32 $0xFFFFFFB0  }
0x68: {  	[tilespmem:s0], [sflag:$0x1] =	stream.indirect.gather [hbm4b:s4+s11], $0x80, s9, s11, $0xb8;
	[tilespmem:$0x168A0] =	vst v63  }
0x69: {  	_ =	swait.ge [sflag:s13], $0x2800  }
0x6a: {  	[sflag:s13] =	ssyncset.done $0x0  }
0x6b: {  	[sflag:s13] =	ssyncadd.s32 $0xFFFFD800  }
0x6c: {  	[spmem:s2] =	stream.indirect.scatter.add.f32 [tilespmem:s0], [sflag:$0x2], $0x80, s7, s11, $0xb8;
	[tilespmem:$0x168A0] =	vst v63  }
0x6d: {  	_ =	swait.ge [sflag:s5], $0x2800  }
0x6e: {  	s17 =	simm.s32 $0xA;
	s19 =	simm.s32 $0x14;
	[sflag:s5] =	ssyncset.done $0x0  }
.LBB2_2:
0x6f: {  	s22 =	sadd.s32 s17, s25  }
0x70: {  	[sflag:s5] =	ssyncadd.s32 $0xFFFFD800;
	s23 =	smov.u32 s19;
	s26 =	sadd.s32 $0xA, s19  }
0x71: {  	[tilespmem:s7], [sflag:$0x2] =	stream.linear.gather [hbm4b:s22+s3], $0x50, $0x38;
	[tilespmem:$0x168A0] =	vst v63  }
0x72: {  	p0 =	sne.s32 s19, $0x4D8;
	_ =	swait.ge [sflag:s5], $0x50  }
0x73: {  	[sflag:s5] =	ssyncset.done $0x0  }
0x74: {  	s19 =	sadd.s32 s17, s24;
	s17 =	smov.u32 s23;
	[sflag:s5] =	ssyncadd.s32 $0xFFFFFFB0  }
0x75: {  	[tilespmem:s9], [sflag:$0x2] =	stream.linear.gather [hbm4b:s19+s3], $0x50, $0x38;
	[tilespmem:$0x168A0] =	vst v63  }
0x76: {  	_ =	swait.ge [sflag:s5], $0x50  }
0x77: {  	[sflag:s5] =	ssyncset.done $0x0  }
0x78: {  	[sflag:s5] =	ssyncadd.s32 $0xFFFFFFB0  }
0x79: {  	[tilespmem:s0], [sflag:$0x1] =	stream.indirect.gather [hbm4b:s4+s11], $0x80, s9, s11, $0xb8;
	[tilespmem:$0x168A0] =	vst v63  }
0x7a: {  	_ =	swait.ge [sflag:s13], $0x2800  }
.Ltmp0:
0x7b: {  	[sflag:s13] =	ssyncset.done $0x0;
	(pc) =	sbr.rel @p0 .LBB2_2-.Ltmp0, $4  }
0x7c: {  	[sflag:s13] =	ssyncadd.s32 $0xFFFFD800  }
0x7d: {  	[spmem:s2] =	stream.indirect.scatter.add.f32 [tilespmem:s0], [sflag:$0x2], $0x80, s7, s11, $0xb8;
	[tilespmem:$0x168A0] =	vst v63  }
0x7e: {  	_ =	swait.ge [sflag:s5], $0x2800  }
0x7f: {  	s19 =	smov.u32 s26;
	[sflag:s5] =	ssyncset.done $0x0  }
0x80: {  	s19 =	sadd.s32 s17, s25;
	[sflag:s5] =	ssyncadd.s32 $0xFFFFD800  }
0x81: {  	[tilespmem:s7], [sflag:$0x2] =	stream.linear.gather [hbm4b:s19+s3], $0x50, $0x38;
	[tilespmem:$0x168A0] =	vst v63  }
0x82: {  	_ =	swait.ge [sflag:s5], $0x50  }
0x83: {  	[sflag:s5] =	ssyncset.done $0x0  }
0x84: {  	s19 =	sadd.s32 s17, s24;
	[sflag:s5] =	ssyncadd.s32 $0xFFFFFFB0  }
0x85: {  	[tilespmem:s9], [sflag:$0x2] =	stream.linear.gather [hbm4b:s19+s3], $0x50, $0x38;
	[tilespmem:$0x168A0] =	vst v63  }
0x86: {  	_ =	swait.ge [sflag:s5], $0x50  }
0x87: {  	[sflag:s5] =	ssyncset.done $0x0  }
0x88: {  	[sflag:s5] =	ssyncadd.s32 $0xFFFFFFB0  }
0x89: {  	[tilespmem:s0], [sflag:$0x1] =	stream.indirect.gather [hbm4b:s4+s11], $0x80, s9, s11, $0xb8;
	[tilespmem:$0x168A0] =	vst v63  }
0x8a: {  	_ =	swait.ge [sflag:s13], $0x2800  }
0x8b: {  	[sflag:s13] =	ssyncset.done $0x0  }
0x8c: {  	[sflag:s13] =	ssyncadd.s32 $0xFFFFD800  }
0x8d: {  	[spmem:s2] =	stream.indirect.scatter.add.f32 [tilespmem:s0], [sflag:$0x2], $0x80, s7, s11, $0xb8;
	[tilespmem:$0x168A0] =	vst v63  }
0x8e: {  	_ =	swait.ge [sflag:s5], $0x2800  }
0x8f: {  	[sflag:s5] =	ssyncset.done $0x0  }
0x90: {  	[sflag:s5] =	ssyncadd.s32 $0xFFFFD800  }
0x91: {  	[bflag:$0x0] =	sbarrier.arrive $0xFFFF  }
0x92: {  	[tilespmem:s0], [sflag:$0x2] =	stream.linear.gather [spmem:s6], $0x2800, $0x38;
	[tilespmem:$0x168A0] =	vst v63  }
0x93: {  	_ =	swait.ge [sflag:s5], $0x2800  }
0x94: {  	[sflag:s5] =	ssyncset.done $0x0  }
0x95: {  	[sflag:s5] =	ssyncadd.s32 $0xFFFFD800  }
0x96: {  	[hbm4b:s20+s3] =	stream.linear.scatter [tilespmem:s0], [sflag:$0x2], $0x2800, $0x38;
	[tilespmem:$0x168A0] =	vst v63  }
0x97: {  	_ =	swait.ge [sflag:s5], $0x2800  }
0x98: {  	[sflag:s5] =	ssyncset.done $0x0  }
0x99: {  	[sflag:s5] =	ssyncadd.s32 $0xFFFFD800  }
0x9a: {  	[tilespmem:s0], [sflag:$0x2] =	stream.linear.gather [spmem:s8], $0x2800, $0x38;
	[tilespmem:$0x168A0] =	vst v63  }
0x9b: {  	_ =	swait.ge [sflag:s5], $0x2800  }
0x9c: {  	[sflag:s5] =	ssyncset.done $0x0  }
0x9d: {  	s22 =	rddreg [dreg:$0xc];
	[sflag:s5] =	ssyncadd.s32 $0xFFFFD800  }
0x9e: {  	[hbm4b:s22+s3] =	stream.linear.scatter [tilespmem:s0], [sflag:$0x2], $0x2800, $0x38;
	[tilespmem:$0x168A0] =	vst v63  }
0x9f: {  	_ =	swait.ge [sflag:s5], $0x2800  }
0xa0: {  	[sflag:s5] =	ssyncset.done $0x0  }
0xa1: {  	[sflag:s5] =	ssyncadd.s32 $0xFFFFD800  }
0xa2: {  	[tilespmem:s0], [sflag:$0x2] =	stream.linear.gather [spmem:s10], $0x2800, $0x38;
	[tilespmem:$0x168A0] =	vst v63  }
0xa3: {  	_ =	swait.ge [sflag:s5], $0x2800  }
0xa4: {  	[sflag:s5] =	ssyncset.done $0x0  }
0xa5: {  	s23 =	rddreg [dreg:$0xe];
	[sflag:s5] =	ssyncadd.s32 $0xFFFFD800  }
0xa6: {  	[hbm4b:s23+s3] =	stream.linear.scatter [tilespmem:s0], [sflag:$0x2], $0x2800, $0x38;
	[tilespmem:$0x168A0] =	vst v63  }
0xa7: {  	_ =	swait.ge [sflag:s5], $0x2800  }
0xa8: {  	[sflag:s5] =	ssyncset.done $0x0  }
0xa9: {  	[sflag:s5] =	ssyncadd.s32 $0xFFFFD800  }
0xaa: {  	[tilespmem:s0], [sflag:$0x2] =	stream.linear.gather [spmem:s12], $0x2800, $0x38;
	[tilespmem:$0x168A0] =	vst v63  }
0xab: {  	_ =	swait.ge [sflag:s5], $0x2800  }
0xac: {  	[sflag:s5] =	ssyncset.done $0x0  }
0xad: {  	[sflag:s5] =	ssyncadd.s32 $0xFFFFD800  }
0xae: {  	[hbm4b:s28+s3] =	stream.linear.scatter [tilespmem:s0], [sflag:$0x2], $0x2800, $0x38;
	[tilespmem:$0x168A0] =	vst v63  }
0xaf: {  	_ =	swait.ge [sflag:s5], $0x2800  }
0xb0: {  	[sflag:s5] =	ssyncset.done $0x0  }
0xb1: {  	[sflag:s5] =	ssyncadd.s32 $0xFFFFD800  }
0xb2: {  	[tilespmem:s0], [sflag:$0x2] =	stream.linear.gather [spmem:s14], $0x2800, $0x38;
	[tilespmem:$0x168A0] =	vst v63  }
0xb3: {  	_ =	swait.ge [sflag:s5], $0x2800  }
0xb4: {  	[sflag:s5] =	ssyncset.done $0x0  }
0xb5: {  	[sflag:s5] =	ssyncadd.s32 $0xFFFFD800  }
0xb6: {  	[hbm4b:s29+s3] =	stream.linear.scatter [tilespmem:s0], [sflag:$0x2], $0x2800, $0x38;
	[tilespmem:$0x168A0] =	vst v63  }
0xb7: {  	_ =	swait.ge [sflag:s5], $0x2800  }
0xb8: {  	[sflag:s5] =	ssyncset.done $0x0  }
0xb9: {  	[sflag:s5] =	ssyncadd.s32 $0xFFFFD800  }
0xba: {  	[tilespmem:s0], [sflag:$0x2] =	stream.linear.gather [spmem:s16], $0x2800, $0x38;
	[tilespmem:$0x168A0] =	vst v63  }
0xbb: {  	_ =	swait.ge [sflag:s5], $0x2800  }
0xbc: {  	[sflag:s5] =	ssyncset.done $0x0  }
0xbd: {  	[sflag:s5] =	ssyncadd.s32 $0xFFFFD800  }
0xbe: {  	[hbm4b:s30+s3] =	stream.linear.scatter [tilespmem:s0], [sflag:$0x2], $0x2800, $0x38;
	[tilespmem:$0x168A0] =	vst v63  }
0xbf: {  	_ =	swait.ge [sflag:s5], $0x2800  }
0xc0: {  	[sflag:s5] =	ssyncset.done $0x0  }
0xc1: {  	[sflag:s5] =	ssyncadd.s32 $0xFFFFD800  }
0xc2: {  	[tilespmem:s0], [sflag:$0x2] =	stream.linear.gather [spmem:s18], $0x2800, $0x38;
	[tilespmem:$0x168A0] =	vst v63  }
0xc3: {  	_ =	swait.ge [sflag:s5], $0x2800  }
0xc4: {  	[sflag:s5] =	ssyncset.done $0x0  }
0xc5: {  	[sflag:s5] =	ssyncadd.s32 $0xFFFFD800  }
0xc6: {  	[hbm4b:s31+s3] =	stream.linear.scatter [tilespmem:s0], [sflag:$0x2], $0x2800, $0x38;
	[tilespmem:$0x168A0] =	vst v63  }
0xc7: {  	_ =	swait.ge [sflag:s5], $0x2800  }
0xc8: {  	[sflag:s5] =	ssyncset.done $0x0  }
0xc9: {  	[sflag:s5] =	ssyncadd.s32 $0xFFFFD800  }
0xca: {  	[tilespmem:s0], [sflag:$0x2] =	stream.linear.gather [spmem:s21], $0x2800, $0x38;
	[tilespmem:$0x168A0] =	vst v63  }
0xcb: {  	_ =	swait.ge [sflag:s5], $0x2800  }
0xcc: {  	[sflag:s5] =	ssyncset.done $0x0  }
0xcd: {  	[sflag:s5] =	ssyncadd.s32 $0xFFFFD800  }
0xce: {  	[hbm4b:s1+s3] =	stream.linear.scatter [tilespmem:s0], [sflag:$0x2], $0x2800, $0x38;
	[tilespmem:$0x168A0] =	vst v63  }
0xcf: {  	_ =	swait.ge [sflag:s5], $0x2800  }
0xd0: {  	s15 =	sadd.s32 $0x1, s15;
	s26 =	rddreg [dreg:$0xd]  }
0xd1: {  	p0 =	sne.s32 s15, s26  }
.Ltmp1:
0xd2: {  	_ = 	snop;
	(pc) =	sbr.rel @p0 .LBB2_1-.Ltmp1, $3  }
0xd3: {  	_ =	sdelay $0x1  }
0xd4: {  	[sflag:s5] =	ssyncset.done $0x0  }
0xd5: {  	[sflag:s5] =	ssyncadd.s32 $0xFFFFD800  }
0xd6: {  	_ =	sfence.sel $0x180000  }
0xd7: {  	[bflag:$0x0] =	sbarrier.arrive $0xFFFF  }
0xd8: {  	_ =	strace $0x9000004D  }
0xd9: {  	s0 =	stileid.u32;
	[bflag:$0x2] =	sbarrier.arrive $0xFFFF  }
0xda: {  	p0 =	sne.s32 s0, $0x0;
	s0 =	rddreg [dreg:$0x3]  }
0xdb: {  	s0 =	sadd.s32 @!p0 $0x100000, s0  }
0xdc: {  	[sflag:s0] =	ssyncadd.tile.s32 @!p0 $0x1;
	_ =	shalt  }
.Lfunc_end2:
_tile_overlayer_lowered:
.L_overlay_start_2:
0xdd: {  	(tag) =	ssettag $0x2  }
0xde: {  	s0 =	rddreg [dreg:$0x0];
	s2 =	stileid.u32  }
0xdf: {  	s1 =	rddreg [dreg:$0x1];
	p0 =	sne.s32 s2, $0x0  }
0xe0: {  	s3 =	rddreg [dreg:$0x2];
	[bflag:$0x3] =	sbarrier.arrive $0xFFFF;
	s2 =	simm.s32 @!p0 $0x1C02  }
0xe1: {  	[timem:s3], [sflag:s2] =	dma.local @!p0 [hbm:s0], s1  }
0xe2: {  	s0 =	simm.s32 @!p0 $0x2  }
0xe3: {  	_ =	swait.ge @!p0 [sflag:s0], s1  }
0xe4: {  	s1 =	ssub.s32 @!p0 $0x0, s1;
	[sflag:s0] =	ssyncset.done @!p0 $0x0  }
0xe5: {  	[sflag:s0] =	ssyncadd.s32 @!p0 s1  }
0xe6: {  	[bflag:$0x3] =	sbarrier.arrive $0xFFFF  }
0xe7: {  	_ =	shalt  }

// kernel: kernel.9.cloned.1.call-start
scs
__scs_entry_jumppad:
0x0: {  	(pc) =	sbr.rel $0x88, $3  }
0x1: {  	(tag) =	ssettag $0x0;
	lr =	simm.s32 $0x1  }
0x2: {  	[smem:$0x3F99] =	sst lr;
	_ =	strace $0xD0000000  }
0x3: {  	_ = 	snop  }
0x4: {  	_ = 	snop  }
0x5: {  	_ = 	snop  }
0x6: {  	_ = 	snop  }
0x7: {  	_ = 	snop  }
__scs_overlays_trampoline_lowered:
0x8: {  	[smem:$0x3FA8] =	sst s0  }
0x9: {  	[smem:$0x3FA9] =	sst s1  }
0xa: {  	[smem:$0x3FAA] =	sst s2  }
0xb: {  	[smem:$0x3FAB] =	sst s3  }
0xc: {  	[smem:$0x3FAC] =	sst s4  }
0xd: {  	[smem:$0x3FAD] =	sst s5  }
0xe: {  	[smem:$0x3FAE] =	sst s6  }
0xf: {  	[smem:$0x3FAF] =	sst s7  }
0x10: {  	[smem:$0x3FB0] =	sst s8  }
0x11: {  	[smem:$0x3FB1] =	sst s9;
	s0 =	simm.s32 @!p0 $0x0  }
0x12: {  	s1 =	sld [smem:$0x3F97];
	s0 =	simm.s32 @p0 $0x1  }
0x13: {  	[smem:$0x3FB2] =	sst s0;
	s0 =	simm.s32 @!p1 $0x0  }
0x14: {  	s2 =	sld [smem:$0x3F96];
	s0 =	simm.s32 @p1 $0x1  }
0x15: {  	[smem:$0x3FB3] =	sst s0;
	s0 =	simm.s32 @!p2 $0x0  }
0x16: {  	s3 =	sld [smem:$0x3FDB];
	s0 =	simm.s32 @p2 $0x1  }
0x17: {  	s4 =	simm.s32 $0x1BF5;
	[smem:$0x3FB5] =	sst s0  }
0x18: {  	s0 =	sld [smem:$0x3F98];
	_ =	swait.ge [sflag:s4], $0x0  }
0x19: {  	s7 =	sld [smem:$0x3F99]  }
0x1a: {  	s8 =	sadd.s32 $0xFFFFE003, lr  }
0x1b: {  	s9 =	sadd.s32 $0xFFFFFEF7, lr;
	s5 =	simm.s32 $0xFFFFFFFF;
	p2 =	slt.u32 s8, $0xFFFFF086  }
0x1c: {  	p1 =	slt.u32 s9, $0xF7A;
	s5 =	simm.s32 @!p2 $0x0  }
0x1d: {  	s5 =	simm.s32 @p1 $0x1;
	p0 =	seq.s32 s7, s2  }
0x1e: {  	s7 =	smul.u32 @!p0 $0xF7A, s2;
	p2 =	seq.s32 @!p0 s5, $0x0  }
0x1f: {  	s9 =	smul.u32 $0xF7A, s1;
	s8 =	simm.s32 @!p0 $0x1BF5;
	p2 =	por !p2, p0  }
0x20: {  	[sflag:s8] =	ssyncset.s32 @!p0 $0xFFFFF086;
	s6 =	sadd.s32 @!p0 s3, s7;
	s7 =	simm.s32 @!p0 $0x108  }
0x21: {  	s3 =	sadd.s32 s3, s9;
	s6 =	sadd.s32 @!p0 $0x88, s6;
	s7 =	simm.s32 @p2 $0x1082  }
0x22: {  	[simem:s7], [sflag:s8] =	dma.local @!p0 [hbm:s6], $0xF7A  }
0x23: {  	s9 =	sor.u32 $0xD0000000, s2;
	s6 =	simm.s32 $0x108;
	_ =	swait.ge @!p0 [sflag:s8], $0x0  }
0x24: {  	s3 =	sadd.s32 $0x88, s3;
	s6 =	simm.s32 @!p1 $0x1082;
	[sflag:s4] =	ssyncset.s32 $0xFFFFF086  }
0x25: {  	[simem:s6], [sflag:s4] =	dma.local [hbm:s3], $0xF7A  }
0x26: {  	[smem:$0x3F99] =	sst s1;
	(tag) =	ssettag s2;
	_ =	strace s9  }
0x27: {  	s1 =	sld [smem:$0x3FA9]  }
0x28: {  	s2 =	sld [smem:$0x3FAA]  }
0x29: {  	s4 =	sld [smem:$0x3FAC]  }
0x2a: {  	p0 =	seq.s32 s5, $0x0;
	s5 =	sld [smem:$0x3FAD]  }
0x2b: {  	s6 =	sld [smem:$0x3FAE]  }
0x2c: {  	s7 =	sld [smem:$0x3FAF]  }
0x2d: {  	s3 =	simm.s32 $0x108;
	s8 =	sld [smem:$0x3FB0]  }
0x2e: {  	s3 =	simm.s32 @!p0 $0x1082;
	s9 =	sld [smem:$0x3FB1]  }
0x2f: {  	lr =	sadd.s32 s0, s3;
	s0 =	sld [smem:$0x3FA8]  }
0x30: {  	s3 =	sld [smem:$0x3FAB]  }
0x31: {  	[smem:$0x3FB4] =	sst s10  }
0x32: {  	s10 =	sld [smem:$0x3FB2];
	_ =	sdelay $0x3  }
0x33: {  	p0 =	seq.s32 s10, $0x1;
	s10 =	sld [smem:$0x3FB4];
	_ =	sdelay $0x3  }
0x34: {  	[smem:$0x3FB4] =	sst s10  }
0x35: {  	s10 =	sld [smem:$0x3FB3];
	_ =	sdelay $0x3  }
0x36: {  	p1 =	seq.s32 s10, $0x1;
	s10 =	sld [smem:$0x3FB4];
	_ =	sdelay $0x3  }
0x37: {  	[smem:$0x3FB4] =	sst s10  }
0x38: {  	s10 =	sld [smem:$0x3FB5]  }
0x39: {  	_ = 	snop;
	(pc) =	sbr.ind lr, $3  }
0x3a: {  	_ = 	snop  }
0x3b: {  	_ = 	snop  }
0x3c: {  	p2 =	seq.s32 s10, $0x1;
	s10 =	sld [smem:$0x3FB4]  }
0x3d: {  	_ =	shalt  }
0x3e: {  	_ =	shalt  }
0x3f: {  	_ =	shalt  }
0x40: {  	_ =	shalt  }
0x41: {  	_ =	shalt  }
0x42: {  	_ =	shalt  }
0x43: {  	_ =	shalt  }
0x44: {  	_ =	shalt  }
0x45: {  	_ =	shalt  }
0x46: {  	_ =	shalt  }
0x47: {  	_ =	shalt  }
0x48: {  	_ =	shalt  }
0x49: {  	_ =	shalt  }
0x4a: {  	_ =	shalt  }
0x4b: {  	_ =	shalt  }
0x4c: {  	_ =	shalt  }
0x4d: {  	_ =	shalt  }
0x4e: {  	_ =	shalt  }
0x4f: {  	_ =	shalt  }
0x50: {  	_ =	shalt  }
0x51: {  	_ =	shalt  }
0x52: {  	_ =	shalt  }
0x53: {  	_ =	shalt  }
0x54: {  	_ =	shalt  }
0x55: {  	_ =	shalt  }
0x56: {  	_ =	shalt  }
0x57: {  	_ =	shalt  }
0x58: {  	_ =	shalt  }
0x59: {  	_ =	shalt  }
0x5a: {  	_ =	shalt  }
0x5b: {  	_ =	shalt  }
0x5c: {  	_ =	shalt  }
0x5d: {  	_ =	shalt  }
0x5e: {  	_ =	shalt  }
0x5f: {  	_ =	shalt  }
0x60: {  	_ =	shalt  }
0x61: {  	_ =	shalt  }
0x62: {  	_ =	shalt  }
0x63: {  	_ =	shalt  }
0x64: {  	_ =	shalt  }
0x65: {  	_ =	shalt  }
0x66: {  	_ =	shalt  }
0x67: {  	_ =	shalt  }
0x68: {  	_ =	shalt  }
0x69: {  	_ =	shalt  }
0x6a: {  	_ =	shalt  }
0x6b: {  	_ =	shalt  }
0x6c: {  	_ =	shalt  }
0x6d: {  	_ =	shalt  }
0x6e: {  	_ =	shalt  }
0x6f: {  	_ =	shalt  }
0x70: {  	_ =	shalt  }
0x71: {  	_ =	shalt  }
0x72: {  	_ =	shalt  }
0x73: {  	_ =	shalt  }
0x74: {  	_ =	shalt  }
0x75: {  	_ =	shalt  }
0x76: {  	_ =	shalt  }
0x77: {  	_ =	shalt  }
0x78: {  	_ =	shalt  }
0x79: {  	_ =	shalt  }
0x7a: {  	_ =	shalt  }
0x7b: {  	_ =	shalt  }
0x7c: {  	_ =	shalt  }
0x7d: {  	_ =	shalt  }
0x7e: {  	_ =	shalt  }
0x7f: {  	_ =	shalt  }
0x80: {  	_ =	shalt  }
0x81: {  	_ =	shalt  }
0x82: {  	_ =	shalt  }
0x83: {  	_ =	shalt  }
0x84: {  	_ =	shalt  }
0x85: {  	_ =	shalt  }
0x86: {  	_ =	shalt  }
0x87: {  	_ =	shalt  }
.Lfunc_end0:
.L_simem_size_0:
called_computation_lowered:
.L_overlay_start_0:
0x88: {  	s2 =	sld [smem:$0x3FD9]  }
0x89: {  	s3 =	sld [smem:$0x3FFE];
	_ =	sdelay $0x1  }
0x8a: {  	s1 =	srdreg.scid  }
0x8b: {  	s0 =	sand.u32 $0x1, s1  }
0x8c: {  	s17 =	sshll.u32 s0, $0xA;
	s2 =	sadd.s32 s3, s2  }
0x8d: {  	s2 =	sadd.s32 s2, s17  }
0x8e: {  	[smem:$0x3FC0] =	sst s2  }
0x8f: {  	_ = 	snop  }
0x90: {  	s2 =	sld [smem:$0x3FD0];
	(tm) =	ssettm $0x1  }
0x91: {  	s18 =	sld [smem:$0x3FFB];
	_ =	sdelay $0x3  }
0x92: {  	_ =	strace s18  }
0x93: {  	s3 =	sld [smem:$0x3FFC];
	_ =	sdelay $0x3  }
0x94: {  	_ =	strace s3  }
0x95: {  	s3 =	sld [smem:$0x3FFD];
	_ =	sdelay $0x3  }
0x96: {  	_ =	strace s3  }
0x97: {  	_ =	strace $0x8FFFFFFF  }
0x98: {  	s19 =	sld [smem:$0x3FDB];
	_ =	sdelay $0x1  }
0x99: {  	s4 =	simm.s32 $_scs_section_size  }
0x9a: {  	s5 =	simm.s32 $_size__tile_overlayer_lowered;
	s6 =	simm.s32 $_tile_overlayer_lowered  }
0x9b: {  	s22 =	simm.s32 $0x1BFF;
	s21 =	sshll.u32 s6, $0x1;
	s3 =	sadd.s32 s4, s19  }
0x9c: {  	s7 =	simm.s32 $0x0;
	s20 =	sshll.u32 s5, $0x1;
	s5 =	sadd.s32 s21, s3  }
0x9d: {  	[timem:s7], [sflag:s22] =	dma.local [hbm:s5], s20  }
0x9e: {  	_ =	swait.ge [sflag:s22], s20  }
0x9f: {  	s4 =	ssub.s32 $0x0, s20;
	[sflag:s22] =	ssyncset.done $0x0  }
0xa0: {  	[sflag:s22] =	ssyncadd.s32 s4;
	_ =	sdelay $0x1  }
0xa1: {  	s23 =	simm.s32 $0x1B8B  }
0xa2: {  	_ =	swait.ge [sflag:s23], $0x1  }
0xa3: {  	[sflag:s23] =	ssyncset.done $0x0  }
0xa4: {  	s25 =	simm.s32 $0x1B8E;
	s24 =	sld [smem:$0x3FFE];
	[sflag:s23] =	ssyncadd.s32 $0xFFFFFFFF  }
0xa5: {  	s26 =	simm.s32 $execute0_lowered;
	[smem:$0x3FD2] =	sst s25  }
0xa6: {  	s5 =	sshll.u32 s26, $0x1;
	_ =	strace $0x80000046;
	[dreg:$0x1] =	wrdreg $0xFFFFFFFF  }
0xa7: {  	s28 =	simm.s32 $_size_execute0_lowered;
	s3 =	sadd.s32 s3, s5;
	[dreg:$0x0] =	wrdreg $0x0  }
0xa8: {  	s5 =	sshll.u32 s28, $0x1;
	[dreg:$0x2] =	wrdreg s3  }
0xa9: {  	[dreg:$0x3] =	wrdreg s5  }
0xaa: {  	[dreg:$0x4] =	wrdreg $0xC0  }
0xab: {  	_ =	task [dreg:s7], $0x5FFFF  }
0xac: {  	[dreg:$0x1] =	wrdreg $0xFFFFFFFF  }
0xad: {  	[dreg:$0x0] =	wrdreg $0x60  }
0xae: {  	[dreg:$0x2] =	wrdreg s24  }
0xaf: {  	[dreg:$0x3] =	wrdreg s2  }
0xb0: {  	[dreg:$0x4] =	wrdreg $0x0  }
0xb1: {  	[dreg:$0x5] =	wrdreg $0x9  }
0xb2: {  	_ =	task.clear_ibuf [dreg:s7], $0x6FFFF;
	_ =	strace $0x90000046  }
0xb3: {  	s29 =	simm.s32 $0x9;
	_ =	strace $0x80000048  }
0xb4: {  	_ =	swait.ge [sflag:s29], $0x1  }
0xb5: {  	[sflag:s29] =	ssyncadd.s32 $0xFFFFFFFF  }
0xb6: {  	_ =	strace $0x90000048  }
0xb7: {  	_ =	sfence  }
0xb8: {  	s30 =	sld [smem:$0x0];
	_ =	sdelay $0x2  }
0xb9: {  	s31 =	sshll.u32 s1, $0xD;
	s1 =	sshrl.u32 s1, $0x2  }
0xba: {  	s3 =	sand.u32 $0x4000, s31;
	s1 =	sadd.s32 s1, s30  }
0xbb: {  	s0 =	sor.u32 s3, s0;
	s1 =	sshll.u32 s1, $0x11  }
0xbc: {  	s0 =	sor.u32 s1, s0  }
0xbd: {  	s0 =	sadd.s32 $0x8F2B, s0  }
0xbe: {  	[sflag:s0] =	ssyncadd.remote.s32 $0x1  }
0xbf: {  	_ =	sfence.sel $0xFFFF  }
0xc0: {  	[dreg:$0x0] =	wrdreg $0xFFFFFFFF;
	(pc) =	sbr.abs _section_cstart, $3  }
0xc1: {  	[dreg:$0x1] =	wrdreg $0xFFFFFFFF  }
0xc2: {  	_ =	task.clear_ibuf [dreg:s7], $0x2FFFF;
	_ =	strace $0x9FFFFFFF  }
0xc3: {  	(tm) =	ssettm $0x7FFFFFFF  }
tec
execute0_lowered:
.L_overlay_start_1:
0x0: {  	(tag) =	ssettag $0x1  }
0x1: {  	s4 =	rddreg [dreg:$0x0]  }
0x2: {  	s1 =	srdreg.scid;
	s5 =	rddreg [dreg:$0x1]  }
0x3: {  	s0 =	stileid.u32;
	s2 =	rddreg [dreg:$0x2]  }
0x4: {  	s3 =	simm.s32 $0x0;
	s10 =	simm.s32 $0x280;
	s7 =	smul.u32 $0x4E20, s0  }
0x5: {  	s11 =	simm.s32 $0x50;
	s6 =	sand.u32 $0x1, s1;
	s9 =	smul.u32 $0x280, s0  }
0x6: {  	s12 =	simm.s32 $0x2D0;
	s13 =	simm.s32 $0x0;
	s8 =	smul.u32 $0x2710, s6  }
0x7: {  	[smem:$0x7FF] =	sst s3;
	s30 =	smul.u32 $0x2800, s6;
	s6 =	ssub.s32 $0x2, s6  }
0x8: {  	s1 =	rddreg [dreg:$0x3];
	_ =	strace $0x80000047;
	s31 =	sshrl.u32 s6, $0x1  }
0x9: {  	s7 =	sadd.s32 s8, s7;
	s8 =	sadd.s32 s9, s30;
	s6 =	ssub.s32 s6, s31  }
0xa: {  	s7 =	sshrl.u32 s7, $0x3;
	s8 =	sshrl.u32 s8, $0x3;
	s6 =	smax.u32 s6, $0x1  }
0xb: {  	s7 =	sadd.s32 s7, s4;
	s4 =	sadd.s32 s9, s2;
	s5 =	sadd.s32 s5, s8  }
0xc: {  	v0 =	vimm.f32 $0.0e+00;
	v1 =	vimm.f32 $1.000000000e+00;
	s8 =	simm.s32 $0x320;
	s9 =	simm.s32 $0x1;
	s7 =	sadd.s32 $0x2200, s7  }
.LBB2_1:
0xd: {  	[tilespmem:$0x320] =	vst v0  }
0xe: {  	[tilespmem:$0x330] =	vst v0  }
0xf: {  	[tilespmem:$0x340] =	vst v0  }
0x10: {  	[tilespmem:$0x350] =	vst v0  }
0x11: {  	[tilespmem:$0x360] =	vst v0  }
0x12: {  	[tilespmem:$0x370] =	vst v0  }
0x13: {  	[tilespmem:$0x380] =	vst v0  }
0x14: {  	[tilespmem:$0x390] =	vst v0  }
0x15: {  	[tilespmem:$0x3A0] =	vst v0  }
0x16: {  	[tilespmem:$0x3B0] =	vst v0  }
0x17: {  	[tilespmem:$0x3C0] =	vst v0  }
0x18: {  	[tilespmem:$0x3D0] =	vst v0  }
0x19: {  	[tilespmem:$0x3E0] =	vst v0  }
0x1a: {  	[tilespmem:$0x3F0] =	vst v0  }
0x1b: {  	[tilespmem:$0x400] =	vst v0  }
0x1c: {  	[tilespmem:$0x410] =	vst v0  }
0x1d: {  	[tilespmem:$0x420] =	vst v0  }
0x1e: {  	[tilespmem:$0x430] =	vst v0  }
0x1f: {  	[tilespmem:$0x440] =	vst v0  }
0x20: {  	[tilespmem:$0x450] =	vst v0  }
0x21: {  	[tilespmem:$0x460] =	vst v0  }
0x22: {  	[tilespmem:$0x470] =	vst v0  }
0x23: {  	[tilespmem:$0x480] =	vst v0  }
0x24: {  	[tilespmem:$0x490] =	vst v0  }
0x25: {  	[tilespmem:$0x4A0] =	vst v0  }
0x26: {  	[tilespmem:$0x4B0] =	vst v0  }
0x27: {  	[tilespmem:$0x4C0] =	vst v0  }
0x28: {  	[tilespmem:$0x4D0] =	vst v0  }
0x29: {  	[tilespmem:$0x4E0] =	vst v0  }
0x2a: {  	[tilespmem:$0x4F0] =	vst v0  }
0x2b: {  	[tilespmem:$0x500] =	vst v0  }
0x2c: {  	[tilespmem:$0x510] =	vst v0  }
0x2d: {  	[tilespmem:$0x520] =	vst v0  }
0x2e: {  	[tilespmem:$0x530] =	vst v0  }
0x2f: {  	[tilespmem:$0x540] =	vst v0  }
0x30: {  	[tilespmem:$0x550] =	vst v0  }
0x31: {  	[tilespmem:$0x560] =	vst v0  }
0x32: {  	[tilespmem:$0x570] =	vst v0  }
0x33: {  	[tilespmem:$0x580] =	vst v0  }
0x34: {  	[tilespmem:$0x590] =	vst v0  }
0x35: {  	[tilespmem:$0x2D0] =	vst v1  }
0x36: {  	[tilespmem:$0x2E0] =	vst v1  }
0x37: {  	[tilespmem:$0x2F0] =	vst v1  }
0x38: {  	[tilespmem:$0x300] =	vst v1  }
0x39: {  	[tilespmem:$0x310] =	vst v1  }
0x3a: {  	[spmem:s4] =	stream.linear.scatter [tilespmem:s8], [sflag:$0x1], $0x280, $0x38;
	[tilespmem:$0x5A0] =	vst v63  }
0x3b: {  	_ =	swait.ge [sflag:s9], $0x280  }
0x3c: {  	[sflag:s9] =	ssyncset.done $0x0  }
0x3d: {  	[sflag:s9] =	ssyncadd.s32 $0xFFFFFD80  }
0x3e: {  	s14 =	sadd.s32 $0x0, s7;
	[bflag:$0x0] =	sbarrier.arrive $0xFFFF  }
0x3f: {  	[tilespmem:s10], [sflag:$0x1] =	stream.linear.gather [hbm4b:s14+s3], $0x50, $0x38;
	[tilespmem:$0x5A0] =	vst v63  }
0x40: {  	_ =	swait.ge [sflag:s9], $0x50  }
0x41: {  	[sflag:s9] =	ssyncset.done $0x0  }
0x42: {  	[sflag:s9] =	ssyncadd.s32 $0xFFFFFFB0  }
0x43: {  	[spmem:s2] =	stream.indirect.scatter.add.f32 [tilespmem:s12], [sflag:$0x1], $0x1, s10, s11, $0xb8;
	[tilespmem:$0x5A0] =	vst v63  }
0x44: {  	_ =	swait.ge [sflag:s9], $0x50  }
0x45: {  	s15 =	simm.s32 $0x14;
	s14 =	simm.s32 $0xA;
	[sflag:s9] =	ssyncset.done $0x0  }
.LBB2_2:
0x46: {  	s16 =	sadd.s32 s14, s7  }
0x47: {  	[sflag:s9] =	ssyncadd.s32 $0xFFFFFFB0;
	s14 =	smov.u32 s15;
	s17 =	sadd.s32 $0xA, s15  }
0x48: {  	[tilespmem:s10], [sflag:$0x1] =	stream.linear.gather [hbm4b:s16+s3], $0x50, $0x38;
	[tilespmem:$0x5A0] =	vst v63  }
0x49: {  	p0 =	sne.s32 s15, $0x4D8;
	_ =	swait.ge [sflag:s9], $0x50  }
.Ltmp0:
0x4a: {  	[sflag:s9] =	ssyncset.done $0x0;
	(pc) =	sbr.rel @p0 .LBB2_2-.Ltmp0, $4  }
0x4b: {  	[sflag:s9] =	ssyncadd.s32 $0xFFFFFFB0  }
0x4c: {  	[spmem:s2] =	stream.indirect.scatter.add.f32 [tilespmem:s12], [sflag:$0x1], $0x1, s10, s11, $0xb8;
	[tilespmem:$0x5A0] =	vst v63  }
0x4d: {  	_ =	swait.ge [sflag:s9], $0x50  }
0x4e: {  	s15 =	smov.u32 s17;
	[sflag:s9] =	ssyncset.done $0x0  }
0x4f: {  	s14 =	sadd.s32 s14, s7;
	[sflag:s9] =	ssyncadd.s32 $0xFFFFFFB0  }
0x50: {  	[tilespmem:s10], [sflag:$0x1] =	stream.linear.gather [hbm4b:s14+s3], $0x50, $0x38;
	[tilespmem:$0x5A0] =	vst v63  }
0x51: {  	_ =	swait.ge [sflag:s9], $0x50  }
0x52: {  	[sflag:s9] =	ssyncset.done $0x0  }
0x53: {  	[sflag:s9] =	ssyncadd.s32 $0xFFFFFFB0  }
0x54: {  	[spmem:s2] =	stream.indirect.scatter.add.f32 [tilespmem:s12], [sflag:$0x1], $0x1, s10, s11, $0xb8;
	[tilespmem:$0x5A0] =	vst v63  }
0x55: {  	_ =	swait.ge [sflag:s9], $0x50  }
0x56: {  	[sflag:s9] =	ssyncset.done $0x0  }
0x57: {  	[sflag:s9] =	ssyncadd.s32 $0xFFFFFFB0  }
0x58: {  	[bflag:$0x0] =	sbarrier.arrive $0xFFFF  }
0x59: {  	[tilespmem:s8], [sflag:$0x1] =	stream.linear.gather [spmem:s4], $0x280, $0x38;
	[tilespmem:$0x5A0] =	vst v63  }
0x5a: {  	s13 =	sadd.s32 $0x1, s13;
	_ =	swait.ge [sflag:s9], $0x280  }
0x5b: {  	p0 =	sne.s32 s13, s6;
	[sflag:s9] =	ssyncset.done $0x0  }
.Ltmp1:
0x5c: {  	[sflag:s9] =	ssyncadd.s32 $0xFFFFFD80;
	(pc) =	sbr.rel @p0 .LBB2_1-.Ltmp1, $4  }
0x5d: {  	[hbm4b:s5+s3] =	stream.linear.scatter [tilespmem:s8], [sflag:$0x1], $0x280, $0x38;
	[tilespmem:$0x5A0] =	vst v63  }
0x5e: {  	_ =	swait.ge [sflag:s9], $0x280  }
0x5f: {  	[sflag:s9] =	ssyncset.done $0x0  }
0x60: {  	[sflag:s9] =	ssyncadd.s32 $0xFFFFFD80  }
0x61: {  	_ =	sfence.sel $0x180000  }
0x62: {  	[bflag:$0x0] =	sbarrier.arrive $0xFFFF  }
0x63: {  	p0 =	sne.s32 s0, $0x0;
	_ =	strace $0x90000047  }
0x64: {  	s0 =	sadd.s32 @!p0 $0x100000, s1;
	[bflag:$0x2] =	sbarrier.arrive $0xFFFF  }
0x65: {  	[sflag:s0] =	ssyncadd.tile.s32 @!p0 $0x1;
	_ =	shalt  }
.Lfunc_end2:
_tile_overlayer_lowered:
.L_overlay_start_2:
0x66: {  	(tag) =	ssettag $0x2  }
0x67: {  	s0 =	rddreg [dreg:$0x0];
	s2 =	stileid.u32  }
0x68: {  	s1 =	rddreg [dreg:$0x1];
	p0 =	sne.s32 s2, $0x0  }
0x69: {  	s3 =	rddreg [dreg:$0x2];
	[bflag:$0x3] =	sbarrier.arrive $0xFFFF;
	s2 =	simm.s32 @!p0 $0x1C01  }
0x6a: {  	[timem:s3], [sflag:s2] =	dma.local @!p0 [hbm:s0], s1  }
0x6b: {  	s0 =	simm.s32 @!p0 $0x1  }
0x6c: {  	_ =	swait.ge @!p0 [sflag:s0], s1  }
0x6d: {  	s1 =	ssub.s32 @!p0 $0x0, s1;
	[sflag:s0] =	ssyncset.done @!p0 $0x0  }
0x6e: {  	[sflag:s0] =	ssyncadd.s32 @!p0 s1  }
0x6f: {  	[bflag:$0x3] =	sbarrier.arrive $0xFFFF  }
0x70: {  	_ =	shalt  }

</sc_bundles>
